<compile_context>
chip_gen: v7x
topology: tpu7x:2x2x1
jax: 0.10.2.dev20260603
libtpu: 0.0.44.dev20260713+nightly
codegen_flags: <defaults>
</compile_context>

<pallas_src>
import functools

import jax
import jax.numpy as jnp
from jax import lax
from jax.experimental import pallas as pl
from jax.experimental.pallas import tpu as pltpu
from jax.experimental.pallas import tpu_sc as plsc

_P = 64
_BN = 8
_CH = 128


def _sc_gather(table, idx, b_total, d):
    info = plsc.get_sparse_core_info()
    nw = info.num_cores * info.num_subcores
    nc = info.num_cores
    b_per_w = b_total // nw
    n_chunks = b_per_w // _CH

    @functools.partial(
        pl.kernel,
        mesh=plsc.VectorSubcoreMesh(core_axis_name="c", subcore_axis_name="s"),
        out_type=jax.ShapeDtypeStruct((b_total, d), jnp.float32),
        scratch_types=[
            pltpu.VMEM((_CH,), jnp.int32),
            pltpu.VMEM((_CH, d), jnp.float32),
            pltpu.SemaphoreType.DMA,
        ],
    )
    def gather_kernel(table_hbm, idx_hbm, out_hbm, idx_v, rows_v, sem):
        wid = lax.axis_index("s") * nc + lax.axis_index("c")
        base_w = wid * b_per_w

        @pl.loop(0, n_chunks)
        def _chunk(c):
            base = base_w + c * _CH
            pltpu.sync_copy(idx_hbm.at[pl.ds(base, _CH)], idx_v)
            pltpu.async_copy(table_hbm.at[idx_v], rows_v, sem).wait()
            pltpu.sync_copy(rows_v, out_hbm.at[pl.ds(base, _CH)])

    return gather_kernel(table, idx)


def _layer_body(vals_ref, deg_ref, w_ref, b_ref, out_ref, *, bn, p, inv_sqrt_d,
                relu):
    d = vals_ref.shape[-1]
    v = vals_ref[...].reshape(bn, p, d)
    big = jnp.float32(1e30)
    degb = deg_ref[...][:, None, :d]
    jj3 = lax.broadcasted_iota(jnp.int32, (bn, p, d), 1).astype(jnp.float32)
    valid3 = jj3 < degb
    vm = jnp.where(valid3, v, big)

    cnt = jnp.zeros((bn, p, d), jnp.float32)
    for i in range(p):
        vi = vm[:, i:i + 1, :]
        cnt = cnt + jnp.where(vi <= vm, 1.0, 0.0)
    kf = jnp.floor((degb + 1.0) * 0.5)
    elig = valid3 & (cnt >= kf)
    med = jnp.min(jnp.where(elig, vm, big), axis=1)

    diff = med[:, None, :] - v
    d2 = jnp.sum(diff * diff, axis=2, keepdims=True)
    logits = -jnp.sqrt(d2 + 1e-12) * inv_sqrt_d
    vcol = valid3[:, :, 0:1]
    lmask = jnp.where(vcol, logits, -big)
    m = jnp.max(lmask, axis=1, keepdims=True)
    e = jnp.where(vcol, jnp.exp(logits - m), 0.0)
    denom = jnp.maximum(jnp.sum(e, axis=1, keepdims=True), 1e-12)
    w = e / denom

    agg = jnp.sum(v * w, axis=1)
    out = jnp.dot(agg, w_ref[...], preferred_element_type=jnp.float32)
    out = out + b_ref[0:1, :]
    if relu:
        out = jnp.maximum(out, 0.0)
    out_ref[...] = out


def _layer(vals, deg_f, w, b, relu):
    n = deg_f.shape[0]
    d = vals.shape[1]
    dout = w.shape[1]
    body = functools.partial(_layer_body, bn=_BN, p=_P,
                             inv_sqrt_d=float(1.0 / (d ** 0.5)), relu=relu)
    b_rep = jnp.broadcast_to(b[None, :], (8, dout))
    return pl.pallas_call(
        body,
        grid=(n // _BN,),
        in_specs=[
            pl.BlockSpec((_BN * _P, d), lambda i: (i, 0)),
            pl.BlockSpec((_BN, 128), lambda i: (i, 0)),
            pl.BlockSpec((d, dout), lambda i: (0, 0)),
            pl.BlockSpec((8, dout), lambda i: (0, 0)),
        ],
        out_specs=pl.BlockSpec((_BN, dout), lambda i: (i, 0)),
        out_shape=jax.ShapeDtypeStruct((n, dout), jnp.float32),
    )(vals, deg_f, w, b_rep)


def kernel(x, edge_index, W1, b1, W2, b2):
    n, d_in = x.shape
    e = edge_index.shape[1]
    row = edge_index[0]
    col = edge_index[1]

    order = jnp.argsort(row)
    srow = row[order]
    scol = col[order]
    deg = jnp.zeros((n,), jnp.int32).at[row].add(1)
    off = jnp.cumsum(deg) - deg
    pos = jnp.arange(e, dtype=jnp.int32) - off[srow]
    nbr = jnp.full((n, _P), n, jnp.int32).at[srow, pos].set(scol)

    b_total = ((n * _P + 4095) // 4096) * 4096
    idx_flat = jnp.concatenate(
        [nbr.reshape(-1), jnp.full((b_total - n * _P,), n, jnp.int32)])
    deg_f = jnp.broadcast_to(deg.astype(jnp.float32)[:, None], (n, 128))

    x_pad = jnp.concatenate([x, jnp.zeros((8, d_in), x.dtype)], axis=0)
    vals1 = _sc_gather(x_pad, idx_flat, b_total, d_in)[: n * _P]
    h = _layer(vals1, deg_f, W1, b1, relu=True)

    d_hid = h.shape[1]
    h_pad = jnp.pad(h, ((0, 8), (0, 128 - d_hid)))
    vals2 = _sc_gather(h_pad, idx_flat, b_total, 128)[: n * _P, :d_hid]
    return _layer(vals2, deg_f, W2, b2, relu=False)

# --- scband reference (transcript-rebuilt; emitter-appended) ---
"""Pipeline reference for scband-soft-median-gcn-25933012533349 (READ-ONLY COPY).

The authoritative reference and input builder live on the scoring server;
editing this copy changes nothing except your own understanding.
"""

import jax, jax.numpy as jnp
import numpy as np

N_NODES = 10000
N_EDGES = 160000
D_IN = 128
HID = 16
D_OUT = 64

def setup_inputs(seed: int = 0):
    key = jax.random.key(seed)
    k1, k2, k3, k4 = jax.random.split(key, 4)
    x = jax.random.normal(k1, (N_NODES, D_IN), dtype=jnp.float32)
    edge_index = jax.random.randint(k2, (2, N_EDGES), 0, N_NODES, dtype=jnp.int32)
    W1 = jax.random.normal(k3, (D_IN, HID), dtype=jnp.float32) * (1.0 / np.sqrt(D_IN))
    b1 = jnp.zeros((HID,), dtype=jnp.float32)
    W2 = jax.random.normal(k4, (HID, D_OUT), dtype=jnp.float32) * (1.0 / np.sqrt(HID))
    b2 = jnp.zeros((D_OUT,), dtype=jnp.float32)
    return {"x": x, "edge_index": edge_index, "W1": W1, "b1": b1, "W2": W2, "b2": b2}

def _soft_median_conv(x, edge_index, W, b, T=1.0):
    # SoftMedianConv (Geisler et al., 'Robustness of GNNs at Scale'):
    # 1) weighted dimension-wise median of in-neighbors per node (dimmedian_idx kernel)
    # 2) soft weights = scatter_softmax(-||x_median[dst] - x[src]|| / (T*sqrt(D)), dst)
    # 3) aggregate x[src] with soft weights * edge_weight via scatter_add, then linear + bias
    row = edge_index[0]
    col = edge_index[1]
    N, D = x.shape
    E = row.shape[0]
    edge_weight = jnp.ones((E,), dtype=x.dtype)
    seg_total = jax.ops.segment_sum(edge_weight, row, num_segments=N)
    base = jnp.cumsum(seg_total) - seg_total  # weight mass in earlier segments
    sorted_row = jnp.sort(row)
    vals = x[col]  # [E, D] gathered source features
    arange_e = jnp.arange(E)

    def dim_median(vals_k):
        # sort edges by (dst, value); pick first position whose within-segment
        # cumulative weight reaches half of the segment total -> weighted median
        order = jnp.lexsort((vals_k, row))
        v_s = vals_k[order]
        w_s = edge_weight[order]
        csum = jnp.cumsum(w_s)
        within = csum - base[sorted_row]
        cond = within >= 0.5 * seg_total[sorted_row]
        pos = jnp.where(cond, arange_e, E)
        first = jax.ops.segment_min(pos, sorted_row, num_segments=N)
        first = jnp.clip(first, 0, E - 1)
        return v_s[first]

    x_median = jax.vmap(dim_median, in_axes=1, out_axes=1)(vals)  # [N, D]
    diff = x_median[row] - vals
    dist = jnp.sqrt(jnp.sum(diff * diff, axis=1) + 1e-12) / np.sqrt(float(D))
    logits = -dist / T
    seg_max = jax.ops.segment_max(logits, row, num_segments=N)
    seg_max = jnp.where(jnp.isfinite(seg_max), seg_max, 0.0)
    e = jnp.exp(logits - seg_max[row])
    denom = jax.ops.segment_sum(e, row, num_segments=N)
    soft_w = e / jnp.maximum(denom[row], 1e-12)
    weights = soft_w * edge_weight
    agg = jax.ops.segment_sum(vals * weights[:, None], row, num_segments=N)
    return agg @ W + b

def reference(x, edge_index, W1, b1, W2, b2):
    h = _soft_median_conv(x, edge_index, W1, b1)
    h = jax.nn.relu(h)  # dropout is identity in eval mode
    return _soft_median_conv(h, edge_index, W2, b2)

if __name__ == "__main__":
    import jax
    _d = setup_inputs()
    print(jax.jit(kernel)(*tuple(_d.values())))

</pallas_src>

<mosaic_0001>
#map = affine_map<(d0, d1) -> (0, 0)>
#map1 = affine_map<(d0, d1) -> (0)>
module attributes {stable_mosaic.version = 14 : i64} {
  func.func @gather_kernel(%arg0: i32, %arg1: i32, %arg2: memref<10008x128xf32, #tpu.memory_space<hbm>>, %arg3: memref<643072xi32, #tpu.memory_space<hbm>>, %arg4: memref<643072x128xf32, #tpu.memory_space<hbm>>, %arg5: memref<128xi32, #tpu.memory_space<vmem>>, %arg6: memref<128x128xf32, #tpu.memory_space<vmem>>, %arg7: memref<!tpu.dma_semaphore, #tpu.memory_space<semaphore_mem>>) attributes {dimension_semantics = [#tpu.dimension_semantics<core_parallel>, #tpu.dimension_semantics<subcore_parallel>], iteration_bounds = array<i64: 2, 16>, scalar_prefetch = 0 : i64, scratch_operands = 3 : i64, tpu.core_type = #tpu.core_type<sc_vector_subcore>, window_params = [{transform_indices = #map}, {transform_indices = #map1}, {transform_indices = #map}]} {
    %mul3A = arith.constant 2 : i32
    %mul3A_0 = arith.muli %arg1, %mul3A : i32
    %add3A = arith.addi %mul3A_0, %arg0 : i32
    %mul3A_1 = arith.constant 20096 : i32
    %mul3A_2 = arith.muli %add3A, %mul3A_1 : i32
    %scan3A = arith.constant 0 : i32
    %scan3A_3 = arith.constant 157 : i32
    %scan3A_4 = arith.addi %scan3A, %scan3A_3 : i32
    %scan3A_5 = arith.constant 1 : i32
    scf.for %scan3A_7 = %scan3A to %scan3A_4 step %scan3A_5  : i32 {
      %mul3A_8 = arith.constant 1 : i32
      %mul3A_9 = arith.muli %scan3A_7, %mul3A_8 : i32
      %add3A_10 = arith.constant 0 : i32
      %add3A_11 = arith.addi %add3A_10, %mul3A_9 : i32
      %mul3A_12 = arith.constant 128 : i32
      %mul3A_13 = arith.muli %add3A_11, %mul3A_12 : i32
      %add3A_14 = arith.addi %mul3A_2, %mul3A_13 : i32
      "tpu.region"() ({
        %run_scoped3A = tpu.sem_alloc : memref<!tpu.dma_semaphore, #tpu.memory_space<semaphore_mem>>
        %dma_start3A_19 = tpu.memref_slice %arg3[%add3A_14] : memref<643072xi32, #tpu.memory_space<hbm>> -> memref<128xi32, #tpu.memory_space<hbm>>
        %dma_start3A_20 = tpu.memref_slice %arg3[%add3A_14] : memref<643072xi32, #tpu.memory_space<hbm>> -> memref<128xi32, #tpu.memory_space<hbm>>
        tpu.enqueue_dma source(%dma_start3A_20 : memref<128xi32, #tpu.memory_space<hbm>>) target(%arg5 : memref<128xi32, #tpu.memory_space<vmem>>) target_semaphore(%run_scoped3A : memref<!tpu.dma_semaphore, #tpu.memory_space<semaphore_mem>>)
        %dma_wait3A_21 = tpu.memref_slice %arg3[%add3A_14] : memref<643072xi32, #tpu.memory_space<hbm>> -> memref<128xi32, #tpu.memory_space<hbm>>
        %dma_wait3A_22 = tpu.memref_slice %arg3[%add3A_14] : memref<643072xi32, #tpu.memory_space<hbm>> -> memref<128xi32, #tpu.memory_space<hbm>>
        tpu.wait_dma2 semaphore(%run_scoped3A : memref<!tpu.dma_semaphore, #tpu.memory_space<semaphore_mem>>) src(%dma_wait3A_22 : memref<128xi32, #tpu.memory_space<hbm>>) dst(%arg5 : memref<128xi32, #tpu.memory_space<vmem>>)
        tpu.yield
      }) : () -> ()
      %dma_start3A = arith.constant 0 : i32
      %dma_start3A_15 = arith.constant 0 : i32
      %dma_start3A_16 = tpu.memref_slice %arg2[%dma_start3A, %dma_start3A_15] : memref<10008x128xf32, #tpu.memory_space<hbm>> -> memref<10008x128xf32, #tpu.memory_space<hbm>>
      tpu.enqueue_indirect_dma source(%dma_start3A_16 : memref<10008x128xf32, #tpu.memory_space<hbm>>) target(%arg6 : memref<128x128xf32, #tpu.memory_space<vmem>>) offsets(%arg5 : memref<128xi32, #tpu.memory_space<vmem>>) semaphore(%arg7 : memref<!tpu.dma_semaphore, #tpu.memory_space<semaphore_mem>>)
      %dma_wait3A = arith.constant 0 : i32
      %dma_wait3A_17 = arith.constant 0 : i32
      %dma_wait3A_18 = tpu.memref_slice %arg2[%dma_wait3A, %dma_wait3A_17] : memref<10008x128xf32, #tpu.memory_space<hbm>> -> memref<10008x128xf32, #tpu.memory_space<hbm>>
      tpu.wait_indirect_dma semaphore(%arg7 : memref<!tpu.dma_semaphore, #tpu.memory_space<semaphore_mem>>) src(%dma_wait3A_18 : memref<10008x128xf32, #tpu.memory_space<hbm>>) dst(%arg6 : memref<128x128xf32, #tpu.memory_space<vmem>>)
      "tpu.region"() ({
        %run_scoped3A = tpu.sem_alloc : memref<!tpu.dma_semaphore, #tpu.memory_space<semaphore_mem>>
        %dma_start3A_19 = arith.constant 0 : i32
        %dma_start3A_20 = tpu.memref_slice %arg4[%add3A_14, %dma_start3A_19] : memref<643072x128xf32, #tpu.memory_space<hbm>> -> memref<128x128xf32, #tpu.memory_space<hbm>>
        %dma_start3A_21 = arith.constant 0 : i32
        %dma_start3A_22 = tpu.memref_slice %arg4[%add3A_14, %dma_start3A_21] : memref<643072x128xf32, #tpu.memory_space<hbm>> -> memref<128x128xf32, #tpu.memory_space<hbm>>
        tpu.enqueue_dma source(%arg6 : memref<128x128xf32, #tpu.memory_space<vmem>>) target(%dma_start3A_22 : memref<128x128xf32, #tpu.memory_space<hbm>>) target_semaphore(%run_scoped3A : memref<!tpu.dma_semaphore, #tpu.memory_space<semaphore_mem>>)
        %dma_wait3A_23 = arith.constant 0 : i32
        %dma_wait3A_24 = tpu.memref_slice %arg4[%add3A_14, %dma_wait3A_23] : memref<643072x128xf32, #tpu.memory_space<hbm>> -> memref<128x128xf32, #tpu.memory_space<hbm>>
        %dma_wait3A_25 = arith.constant 0 : i32
        %dma_wait3A_26 = tpu.memref_slice %arg4[%add3A_14, %dma_wait3A_25] : memref<643072x128xf32, #tpu.memory_space<hbm>> -> memref<128x128xf32, #tpu.memory_space<hbm>>
        tpu.wait_dma2 semaphore(%run_scoped3A : memref<!tpu.dma_semaphore, #tpu.memory_space<semaphore_mem>>) src(%arg6 : memref<128x128xf32, #tpu.memory_space<vmem>>) dst(%dma_wait3A_26 : memref<128x128xf32, #tpu.memory_space<hbm>>)
        tpu.yield
      }) : () -> ()
    }
    %scan3A_6 = arith.constant 157 : i32
    return
  }
}

#map = affine_map<(d0, d1) -> (0, 0)>
#map1 = affine_map<(d0, d1) -> (0)>
module attributes {stable_mosaic.version = 14 : i64} {
  func.func @gather_kernel(%arg0: i32, %arg1: i32, %arg2: memref<10008x128xf32, #tpu.memory_space<hbm>>, %arg3: memref<643072xi32, #tpu.memory_space<hbm>>, %arg4: memref<643072x128xf32, #tpu.memory_space<hbm>>, %arg5: memref<128xi32, #tpu.memory_space<vmem>>, %arg6: memref<128x128xf32, #tpu.memory_space<vmem>>, %arg7: memref<!tpu.dma_semaphore, #tpu.memory_space<semaphore_mem>>) attributes {dimension_semantics = [#tpu.dimension_semantics<core_parallel>, #tpu.dimension_semantics<subcore_parallel>], iteration_bounds = array<i64: 2, 16>, scalar_prefetch = 0 : i64, scratch_operands = 3 : i64, tpu.core_type = #tpu.core_type<sc_vector_subcore>, window_params = [{transform_indices = #map}, {transform_indices = #map1}, {transform_indices = #map}]} {
    %mul3A = arith.constant 2 : i32
    %mul3A_0 = arith.muli %arg1, %mul3A : i32
    %add3A = arith.addi %mul3A_0, %arg0 : i32
    %mul3A_1 = arith.constant 20096 : i32
    %mul3A_2 = arith.muli %add3A, %mul3A_1 : i32
    %scan3A = arith.constant 0 : i32
    %scan3A_3 = arith.constant 157 : i32
    %scan3A_4 = arith.addi %scan3A, %scan3A_3 : i32
    %scan3A_5 = arith.constant 1 : i32
    scf.for %scan3A_7 = %scan3A to %scan3A_4 step %scan3A_5  : i32 {
      %mul3A_8 = arith.constant 1 : i32
      %mul3A_9 = arith.muli %scan3A_7, %mul3A_8 : i32
      %add3A_10 = arith.constant 0 : i32
      %add3A_11 = arith.addi %add3A_10, %mul3A_9 : i32
      %mul3A_12 = arith.constant 128 : i32
      %mul3A_13 = arith.muli %add3A_11, %mul3A_12 : i32
      %add3A_14 = arith.addi %mul3A_2, %mul3A_13 : i32
      "tpu.region"() ({
        %run_scoped3A = tpu.sem_alloc : memref<!tpu.dma_semaphore, #tpu.memory_space<semaphore_mem>>
        %dma_start3A_19 = tpu.memref_slice %arg3[%add3A_14] : memref<643072xi32, #tpu.memory_space<hbm>> -> memref<128xi32, #tpu.memory_space<hbm>>
        %dma_start3A_20 = tpu.memref_slice %arg3[%add3A_14] : memref<643072xi32, #tpu.memory_space<hbm>> -> memref<128xi32, #tpu.memory_space<hbm>>
        tpu.enqueue_dma source(%dma_start3A_20 : memref<128xi32, #tpu.memory_space<hbm>>) target(%arg5 : memref<128xi32, #tpu.memory_space<vmem>>) target_semaphore(%run_scoped3A : memref<!tpu.dma_semaphore, #tpu.memory_space<semaphore_mem>>)
        %dma_wait3A_21 = tpu.memref_slice %arg3[%add3A_14] : memref<643072xi32, #tpu.memory_space<hbm>> -> memref<128xi32, #tpu.memory_space<hbm>>
        %dma_wait3A_22 = tpu.memref_slice %arg3[%add3A_14] : memref<643072xi32, #tpu.memory_space<hbm>> -> memref<128xi32, #tpu.memory_space<hbm>>
        tpu.wait_dma2 semaphore(%run_scoped3A : memref<!tpu.dma_semaphore, #tpu.memory_space<semaphore_mem>>) src(%dma_wait3A_22 : memref<128xi32, #tpu.memory_space<hbm>>) dst(%arg5 : memref<128xi32, #tpu.memory_space<vmem>>)
        tpu.yield
      }) : () -> ()
      %dma_start3A = arith.constant 0 : i32
      %dma_start3A_15 = arith.constant 0 : i32
      %dma_start3A_16 = tpu.memref_slice %arg2[%dma_start3A, %dma_start3A_15] : memref<10008x128xf32, #tpu.memory_space<hbm>> -> memref<10008x128xf32, #tpu.memory_space<hbm>>
      tpu.enqueue_indirect_dma source(%dma_start3A_16 : memref<10008x128xf32, #tpu.memory_space<hbm>>) target(%arg6 : memref<128x128xf32, #tpu.memory_space<vmem>>) offsets(%arg5 : memref<128xi32, #tpu.memory_space<vmem>>) semaphore(%arg7 : memref<!tpu.dma_semaphore, #tpu.memory_space<semaphore_mem>>)
      %dma_wait3A = arith.constant 0 : i32
      %dma_wait3A_17 = arith.constant 0 : i32
      %dma_wait3A_18 = tpu.memref_slice %arg2[%dma_wait3A, %dma_wait3A_17] : memref<10008x128xf32, #tpu.memory_space<hbm>> -> memref<10008x128xf32, #tpu.memory_space<hbm>>
      tpu.wait_indirect_dma semaphore(%arg7 : memref<!tpu.dma_semaphore, #tpu.memory_space<semaphore_mem>>) src(%dma_wait3A_18 : memref<10008x128xf32, #tpu.memory_space<hbm>>) dst(%arg6 : memref<128x128xf32, #tpu.memory_space<vmem>>)
      "tpu.region"() ({
        %run_scoped3A = tpu.sem_alloc : memref<!tpu.dma_semaphore, #tpu.memory_space<semaphore_mem>>
        %dma_start3A_19 = arith.constant 0 : i32
        %dma_start3A_20 = tpu.memref_slice %arg4[%add3A_14, %dma_start3A_19] : memref<643072x128xf32, #tpu.memory_space<hbm>> -> memref<128x128xf32, #tpu.memory_space<hbm>>
        %dma_start3A_21 = arith.constant 0 : i32
        %dma_start3A_22 = tpu.memref_slice %arg4[%add3A_14, %dma_start3A_21] : memref<643072x128xf32, #tpu.memory_space<hbm>> -> memref<128x128xf32, #tpu.memory_space<hbm>>
        tpu.enqueue_dma source(%arg6 : memref<128x128xf32, #tpu.memory_space<vmem>>) target(%dma_start3A_22 : memref<128x128xf32, #tpu.memory_space<hbm>>) target_semaphore(%run_scoped3A : memref<!tpu.dma_semaphore, #tpu.memory_space<semaphore_mem>>)
        %dma_wait3A_23 = arith.constant 0 : i32
        %dma_wait3A_24 = tpu.memref_slice %arg4[%add3A_14, %dma_wait3A_23] : memref<643072x128xf32, #tpu.memory_space<hbm>> -> memref<128x128xf32, #tpu.memory_space<hbm>>
        %dma_wait3A_25 = arith.constant 0 : i32
        %dma_wait3A_26 = tpu.memref_slice %arg4[%add3A_14, %dma_wait3A_25] : memref<643072x128xf32, #tpu.memory_space<hbm>> -> memref<128x128xf32, #tpu.memory_space<hbm>>
        tpu.wait_dma2 semaphore(%run_scoped3A : memref<!tpu.dma_semaphore, #tpu.memory_space<semaphore_mem>>) src(%arg6 : memref<128x128xf32, #tpu.memory_space<vmem>>) dst(%dma_wait3A_26 : memref<128x128xf32, #tpu.memory_space<hbm>>)
        tpu.yield
      }) : () -> ()
    }
    %scan3A_6 = arith.constant 157 : i32
    return
  }
}

module attributes {stable_mosaic.version = 14 : i64} {
  func.func @_layer_body(%arg0: i32, %arg1: memref<512x128xf32, #tpu.memory_space<vmem>>, %arg2: memref<8x128xf32, #tpu.memory_space<vmem>>, %arg3: memref<128x16xf32, #tpu.memory_space<vmem>>, %arg4: memref<8x16xf32, #tpu.memory_space<vmem>>, %arg5: memref<8x16xf32, #tpu.memory_space<vmem>>) attributes {dimension_semantics = [#tpu.dimension_semantics<arbitrary>], iteration_bounds = array<i64: 1250>, scalar_prefetch = 0 : i64, scratch_operands = 0 : i64, tpu.core_type = #tpu.core_type<tc>, window_params = [{transform_indices = @transform_0, window_bounds = array<i64: 512, 128>}, {transform_indices = @transform_1, window_bounds = array<i64: 8, 128>}, {pipeline_mode = #tpu.pipeline_mode<synchronous>, transform_indices = @transform_2, window_bounds = array<i64: 128, 16>}, {pipeline_mode = #tpu.pipeline_mode<synchronous>, transform_indices = @transform_3, window_bounds = array<i64: 8, 16>}, {transform_indices = @transform_4, window_bounds = array<i64: 8, 16>}]} {
    %get3A = arith.constant 0 : index
    %get3A_0 = arith.constant 0 : index
    %get3A_1 = vector.load %arg1[%get3A, %get3A_0] : memref<512x128xf32, #tpu.memory_space<vmem>>, vector<512x128xf32>
    %reshape3A = vector.shape_cast %get3A_1 : vector<512x128xf32> to vector<8x64x128xf32>
    %get3A_2 = arith.constant 0 : index
    %get3A_3 = arith.constant 0 : index
    %get3A_4 = vector.load %arg2[%get3A_2, %get3A_3] : memref<8x128xf32, #tpu.memory_space<vmem>>, vector<8x128xf32>
    %broadcast_in_dim3A = vector.shape_cast %get3A_4 : vector<8x128xf32> to vector<8x1x128xf32>
    %iota3A = tpu.iota {dimensions = array<i32: 1>} : vector<8x64x128xi32>
    %convert_element_type3A = arith.sitofp %iota3A : vector<8x64x128xi32> to vector<8x64x128xf32>
    %lt3A = vector.broadcast %broadcast_in_dim3A : vector<8x1x128xf32> to vector<8x64x128xf32>
    %lt3A_5 = arith.cmpf olt, %convert_element_type3A, %lt3A : vector<8x64x128xf32>
    %jit3A = arith.constant 1.000000e+30 : f32
    %broadcast_in_dim3A_6 = vector.broadcast %jit3A : f32 to vector<8x64x128xf32>
    %select_n3A = arith.select %lt3A_5, %reshape3A, %broadcast_in_dim3A_6 : vector<8x64x128xi1>, vector<8x64x128xf32>
    %broadcast_in_dim3A_7 = arith.constant 0.000000e+00 : f32
    %broadcast_in_dim3A_8 = vector.broadcast %broadcast_in_dim3A_7 : f32 to vector<8x64x128xf32>
    %slice3A = vector.extract_strided_slice %select_n3A {offsets = [0, 0, 0], sizes = [8, 1, 128], strides = [1, 1, 1]} : vector<8x64x128xf32> to vector<8x1x128xf32>
    %le3A = vector.broadcast %slice3A : vector<8x1x128xf32> to vector<8x64x128xf32>
    %le3A_9 = arith.cmpf ole, %le3A, %select_n3A : vector<8x64x128xf32>
    %jit3A_10 = arith.constant 1.000000e+00 : f32
    %jit3A_11 = arith.constant 0.000000e+00 : f32
    %broadcast_in_dim3A_12 = vector.broadcast %jit3A_10 : f32 to vector<8x64x128xf32>
    %broadcast_in_dim3A_13 = vector.broadcast %jit3A_11 : f32 to vector<8x64x128xf32>
    %select_n3A_14 = arith.select %le3A_9, %broadcast_in_dim3A_12, %broadcast_in_dim3A_13 : vector<8x64x128xi1>, vector<8x64x128xf32>
    %add3A = arith.addf %broadcast_in_dim3A_8, %select_n3A_14 : vector<8x64x128xf32>
    %slice3A_15 = vector.extract_strided_slice %select_n3A {offsets = [0, 1, 0], sizes = [8, 1, 128], strides = [1, 1, 1]} : vector<8x64x128xf32> to vector<8x1x128xf32>
    %le3A_16 = vector.broadcast %slice3A_15 : vector<8x1x128xf32> to vector<8x64x128xf32>
    %le3A_17 = arith.cmpf ole, %le3A_16, %select_n3A : vector<8x64x128xf32>
    %jit3A_18 = arith.constant 1.000000e+00 : f32
    %jit3A_19 = arith.constant 0.000000e+00 : f32
    %broadcast_in_dim3A_20 = vector.broadcast %jit3A_18 : f32 to vector<8x64x128xf32>
    %broadcast_in_dim3A_21 = vector.broadcast %jit3A_19 : f32 to vector<8x64x128xf32>
    %select_n3A_22 = arith.select %le3A_17, %broadcast_in_dim3A_20, %broadcast_in_dim3A_21 : vector<8x64x128xi1>, vector<8x64x128xf32>
    %add3A_23 = arith.addf %add3A, %select_n3A_22 : vector<8x64x128xf32>
    %slice3A_24 = vector.extract_strided_slice %select_n3A {offsets = [0, 2, 0], sizes = [8, 1, 128], strides = [1, 1, 1]} : vector<8x64x128xf32> to vector<8x1x128xf32>
    %le3A_25 = vector.broadcast %slice3A_24 : vector<8x1x128xf32> to vector<8x64x128xf32>
    %le3A_26 = arith.cmpf ole, %le3A_25, %select_n3A : vector<8x64x128xf32>
    %jit3A_27 = arith.constant 1.000000e+00 : f32
    %jit3A_28 = arith.constant 0.000000e+00 : f32
    %broadcast_in_dim3A_29 = vector.broadcast %jit3A_27 : f32 to vector<8x64x128xf32>
    %broadcast_in_dim3A_30 = vector.broadcast %jit3A_28 : f32 to vector<8x64x128xf32>
    %select_n3A_31 = arith.select %le3A_26, %broadcast_in_dim3A_29, %broadcast_in_dim3A_30 : vector<8x64x128xi1>, vector<8x64x128xf32>
    %add3A_32 = arith.addf %add3A_23, %select_n3A_31 : vector<8x64x128xf32>
    %slice3A_33 = vector.extract_strided_slice %select_n3A {offsets = [0, 3, 0], sizes = [8, 1, 128], strides = [1, 1, 1]} : vector<8x64x128xf32> to vector<8x1x128xf32>
    %le3A_34 = vector.broadcast %slice3A_33 : vector<8x1x128xf32> to vector<8x64x128xf32>
    %le3A_35 = arith.cmpf ole, %le3A_34, %select_n3A : vector<8x64x128xf32>
    %jit3A_36 = arith.constant 1.000000e+00 : f32
    %jit3A_37 = arith.constant 0.000000e+00 : f32
    %broadcast_in_dim3A_38 = vector.broadcast %jit3A_36 : f32 to vector<8x64x128xf32>
    %broadcast_in_dim3A_39 = vector.broadcast %jit3A_37 : f32 to vector<8x64x128xf32>
    %select_n3A_40 = arith.select %le3A_35, %broadcast_in_dim3A_38, %broadcast_in_dim3A_39 : vector<8x64x128xi1>, vector<8x64x128xf32>
    %add3A_41 = arith.addf %add3A_32, %select_n3A_40 : vector<8x64x128xf32>
    %slice3A_42 = vector.extract_strided_slice %select_n3A {offsets = [0, 4, 0], sizes = [8, 1, 128], strides = [1, 1, 1]} : vector<8x64x128xf32> to vector<8x1x128xf32>
    %le3A_43 = vector.broadcast %slice3A_42 : vector<8x1x128xf32> to vector<8x64x128xf32>
    %le3A_44 = arith.cmpf ole, %le3A_43, %select_n3A : vector<8x64x128xf32>
    %jit3A_45 = arith.constant 1.000000e+00 : f32
    %jit3A_46 = arith.constant 0.000000e+00 : f32
    %broadcast_in_dim3A_47 = vector.broadcast %jit3A_45 : f32 to vector<8x64x128xf32>
    %broadcast_in_dim3A_48 = vector.broadcast %jit3A_46 : f32 to vector<8x64x128xf32>
    %select_n3A_49 = arith.select %le3A_44, %broadcast_in_dim3A_47, %broadcast_in_dim3A_48 : vector<8x64x128xi1>, vector<8x64x128xf32>
    %add3A_50 = arith.addf %add3A_41, %select_n3A_49 : vector<8x64x128xf32>
    %slice3A_51 = vector.extract_strided_slice %select_n3A {offsets = [0, 5, 0], sizes = [8, 1, 128], strides = [1, 1, 1]} : vector<8x64x128xf32> to vector<8x1x128xf32>
    %le3A_52 = vector.broadcast %slice3A_51 : vector<8x1x128xf32> to vector<8x64x128xf32>
    %le3A_53 = arith.cmpf ole, %le3A_52, %select_n3A : vector<8x64x128xf32>
    %jit3A_54 = arith.constant 1.000000e+00 : f32
    %jit3A_55 = arith.constant 0.000000e+00 : f32
    %broadcast_in_dim3A_56 = vector.broadcast %jit3A_54 : f32 to vector<8x64x128xf32>
    %broadcast_in_dim3A_57 = vector.broadcast %jit3A_55 : f32 to vector<8x64x128xf32>
    %select_n3A_58 = arith.select %le3A_53, %broadcast_in_dim3A_56, %broadcast_in_dim3A_57 : vector<8x64x128xi1>, vector<8x64x128xf32>
    %add3A_59 = arith.addf %add3A_50, %select_n3A_58 : vector<8x64x128xf32>
    %slice3A_60 = vector.extract_strided_slice %select_n3A {offsets = [0, 6, 0], sizes = [8, 1, 128], strides = [1, 1, 1]} : vector<8x64x128xf32> to vector<8x1x128xf32>
    %le3A_61 = vector.broadcast %slice3A_60 : vector<8x1x128xf32> to vector<8x64x128xf32>
    %le3A_62 = arith.cmpf ole, %le3A_61, %select_n3A : vector<8x64x128xf32>
    %jit3A_63 = arith.constant 1.000000e+00 : f32
    %jit3A_64 = arith.constant 0.000000e+00 : f32
    %broadcast_in_dim3A_65 = vector.broadcast %jit3A_63 : f32 to vector<8x64x128xf32>
    %broadcast_in_dim3A_66 = vector.broadcast %jit3A_64 : f32 to vector<8x64x128xf32>
    %select_n3A_67 = arith.select %le3A_62, %broadcast_in_dim3A_65, %broadcast_in_dim3A_66 : vector<8x64x128xi1>, vector<8x64x128xf32>
    %add3A_68 = arith.addf %add3A_59, %select_n3A_67 : vector<8x64x128xf32>
    %slice3A_69 = vector.extract_strided_slice %select_n3A {offsets = [0, 7, 0], sizes = [8, 1, 128], strides = [1, 1, 1]} : vector<8x64x128xf32> to vector<8x1x128xf32>
    %le3A_70 = vector.broadcast %slice3A_69 : vector<8x1x128xf32> to vector<8x64x128xf32>
    %le3A_71 = arith.cmpf ole, %le3A_70, %select_n3A : vector<8x64x128xf32>
    %jit3A_72 = arith.constant 1.000000e+00 : f32
    %jit3A_73 = arith.constant 0.000000e+00 : f32
    %broadcast_in_dim3A_74 = vector.broadcast %jit3A_72 : f32 to vector<8x64x128xf32>
    %broadcast_in_dim3A_75 = vector.broadcast %jit3A_73 : f32 to vector<8x64x128xf32>
    %select_n3A_76 = arith.select %le3A_71, %broadcast_in_dim3A_74, %broadcast_in_dim3A_75 : vector<8x64x128xi1>, vector<8x64x128xf32>
    %add3A_77 = arith.addf %add3A_68, %select_n3A_76 : vector<8x64x128xf32>
    %slice3A_78 = vector.extract_strided_slice %select_n3A {offsets = [0, 8, 0], sizes = [8, 1, 128], strides = [1, 1, 1]} : vector<8x64x128xf32> to vector<8x1x128xf32>
    %le3A_79 = vector.broadcast %slice3A_78 : vector<8x1x128xf32> to vector<8x64x128xf32>
    %le3A_80 = arith.cmpf ole, %le3A_79, %select_n3A : vector<8x64x128xf32>
    %jit3A_81 = arith.constant 1.000000e+00 : f32
    %jit3A_82 = arith.constant 0.000000e+00 : f32
    %broadcast_in_dim3A_83 = vector.broadcast %jit3A_81 : f32 to vector<8x64x128xf32>
    %broadcast_in_dim3A_84 = vector.broadcast %jit3A_82 : f32 to vector<8x64x128xf32>
    %select_n3A_85 = arith.select %le3A_80, %broadcast_in_dim3A_83, %broadcast_in_dim3A_84 : vector<8x64x128xi1>, vector<8x64x128xf32>
    %add3A_86 = arith.addf %add3A_77, %select_n3A_85 : vector<8x64x128xf32>
    %slice3A_87 = vector.extract_strided_slice %select_n3A {offsets = [0, 9, 0], sizes = [8, 1, 128], strides = [1, 1, 1]} : vector<8x64x128xf32> to vector<8x1x128xf32>
    %le3A_88 = vector.broadcast %slice3A_87 : vector<8x1x128xf32> to vector<8x64x128xf32>
    %le3A_89 = arith.cmpf ole, %le3A_88, %select_n3A : vector<8x64x128xf32>
    %jit3A_90 = arith.constant 1.000000e+00 : f32
    %jit3A_91 = arith.constant 0.000000e+00 : f32
    %broadcast_in_dim3A_92 = vector.broadcast %jit3A_90 : f32 to vector<8x64x128xf32>
    %broadcast_in_dim3A_93 = vector.broadcast %jit3A_91 : f32 to vector<8x64x128xf32>
    %select_n3A_94 = arith.select %le3A_89, %broadcast_in_dim3A_92, %broadcast_in_dim3A_93 : vector<8x64x128xi1>, vector<8x64x128xf32>
    %add3A_95 = arith.addf %add3A_86, %select_n3A_94 : vector<8x64x128xf32>
    %slice3A_96 = vector.extract_strided_slice %select_n3A {offsets = [0, 10, 0], sizes = [8, 1, 128], strides = [1, 1, 1]} : vector<8x64x128xf32> to vector<8x1x128xf32>
    %le3A_97 = vector.broadcast %slice3A_96 : vector<8x1x128xf32> to vector<8x64x128xf32>
    %le3A_98 = arith.cmpf ole, %le3A_97, %select_n3A : vector<8x64x128xf32>
    %jit3A_99 = arith.constant 1.000000e+00 : f32
    %jit3A_100 = arith.constant 0.000000e+00 : f32
    %broadcast_in_dim3A_101 = vector.broadcast %jit3A_99 : f32 to vector<8x64x128xf32>
    %broadcast_in_dim3A_102 = vector.broadcast %jit3A_100 : f32 to vector<8x64x128xf32>
    %select_n3A_103 = arith.select %le3A_98, %broadcast_in_dim3A_101, %broadcast_in_dim3A_102 : vector<8x64x128xi1>, vector<8x64x128xf32>
    %add3A_104 = arith.addf %add3A_95, %select_n3A_103 : vector<8x64x128xf32>
    %slice3A_105 = vector.extract_strided_slice %select_n3A {offsets = [0, 11, 0], sizes = [8, 1, 128], strides = [1, 1, 1]} : vector<8x64x128xf32> to vector<8x1x128xf32>
    %le3A_106 = vector.broadcast %slice3A_105 : vector<8x1x128xf32> to vector<8x64x128xf32>
    %le3A_107 = arith.cmpf ole, %le3A_106, %select_n3A : vector<8x64x128xf32>
    %jit3A_108 = arith.constant 1.000000e+00 : f32
    %jit3A_109 = arith.constant 0.000000e+00 : f32
    %broadcast_in_dim3A_110 = vector.broadcast %jit3A_108 : f32 to vector<8x64x128xf32>
    %broadcast_in_dim3A_111 = vector.broadcast %jit3A_109 : f32 to vector<8x64x128xf32>
    %select_n3A_112 = arith.select %le3A_107, %broadcast_in_dim3A_110, %broadcast_in_dim3A_111 : vector<8x64x128xi1>, vector<8x64x128xf32>
    %add3A_113 = arith.addf %add3A_104, %select_n3A_112 : vector<8x64x128xf32>
    %slice3A_114 = vector.extract_strided_slice %select_n3A {offsets = [0, 12, 0], sizes = [8, 1, 128], strides = [1, 1, 1]} : vector<8x64x128xf32> to vector<8x1x128xf32>
    %le3A_115 = vector.broadcast %slice3A_114 : vector<8x1x128xf32> to vector<8x64x128xf32>
    %le3A_116 = arith.cmpf ole, %le3A_115, %select_n3A : vector<8x64x128xf32>
    %jit3A_117 = arith.constant 1.000000e+00 : f32
    %jit3A_118 = arith.constant 0.000000e+00 : f32
    %broadcast_in_dim3A_119 = vector.broadcast %jit3A_117 : f32 to vector<8x64x128xf32>
    %broadcast_in_dim3A_120 = vector.broadcast %jit3A_118 : f32 to vector<8x64x128xf32>
    %select_n3A_121 = arith.select %le3A_116, %broadcast_in_dim3A_119, %broadcast_in_dim3A_120 : vector<8x64x128xi1>, vector<8x64x128xf32>
    %add3A_122 = arith.addf %add3A_113, %select_n3A_121 : vector<8x64x128xf32>
    %slice3A_123 = vector.extract_strided_slice %select_n3A {offsets = [0, 13, 0], sizes = [8, 1, 128], strides = [1, 1, 1]} : vector<8x64x128xf32> to vector<8x1x128xf32>
    %le3A_124 = vector.broadcast %slice3A_123 : vector<8x1x128xf32> to vector<8x64x128xf32>
    %le3A_125 = arith.cmpf ole, %le3A_124, %select_n3A : vector<8x64x128xf32>
    %jit3A_126 = arith.constant 1.000000e+00 : f32
    %jit3A_127 = arith.constant 0.000000e+00 : f32
    %broadcast_in_dim3A_128 = vector.broadcast %jit3A_126 : f32 to vector<8x64x128xf32>
    %broadcast_in_dim3A_129 = vector.broadcast %jit3A_127 : f32 to vector<8x64x128xf32>
    %select_n3A_130 = arith.select %le3A_125, %broadcast_in_dim3A_128, %broadcast_in_dim3A_129 : vector<8x64x128xi1>, vector<8x64x128xf32>
    %add3A_131 = arith.addf %add3A_122, %select_n3A_130 : vector<8x64x128xf32>
    %slice3A_132 = vector.extract_strided_slice %select_n3A {offsets = [0, 14, 0], sizes = [8, 1, 128], strides = [1, 1, 1]} : vector<8x64x128xf32> to vector<8x1x128xf32>
    %le3A_133 = vector.broadcast %slice3A_132 : vector<8x1x128xf32> to vector<8x64x128xf32>
    %le3A_134 = arith.cmpf ole, %le3A_133, %select_n3A : vector<8x64x128xf32>
    %jit3A_135 = arith.constant 1.000000e+00 : f32
    %jit3A_136 = arith.constant 0.000000e+00 : f32
    %broadcast_in_dim3A_137 = vector.broadcast %jit3A_135 : f32 to vector<8x64x128xf32>
    %broadcast_in_dim3A_138 = vector.broadcast %jit3A_136 : f32 to vector<8x64x128xf32>
    %select_n3A_139 = arith.select %le3A_134, %broadcast_in_dim3A_137, %broadcast_in_dim3A_138 : vector<8x64x128xi1>, vector<8x64x128xf32>
    %add3A_140 = arith.addf %add3A_131, %select_n3A_139 : vector<8x64x128xf32>
    %slice3A_141 = vector.extract_strided_slice %select_n3A {offsets = [0, 15, 0], sizes = [8, 1, 128], strides = [1, 1, 1]} : vector<8x64x128xf32> to vector<8x1x128xf32>
    %le3A_142 = vector.broadcast %slice3A_141 : vector<8x1x128xf32> to vector<8x64x128xf32>
    %le3A_143 = arith.cmpf ole, %le3A_142, %select_n3A : vector<8x64x128xf32>
    %jit3A_144 = arith.constant 1.000000e+00 : f32
    %jit3A_145 = arith.constant 0.000000e+00 : f32
    %broadcast_in_dim3A_146 = vector.broadcast %jit3A_144 : f32 to vector<8x64x128xf32>
    %broadcast_in_dim3A_147 = vector.broadcast %jit3A_145 : f32 to vector<8x64x128xf32>
    %select_n3A_148 = arith.select %le3A_143, %broadcast_in_dim3A_146, %broadcast_in_dim3A_147 : vector<8x64x128xi1>, vector<8x64x128xf32>
    %add3A_149 = arith.addf %add3A_140, %select_n3A_148 : vector<8x64x128xf32>
    %slice3A_150 = vector.extract_strided_slice %select_n3A {offsets = [0, 16, 0], sizes = [8, 1, 128], strides = [1, 1, 1]} : vector<8x64x128xf32> to vector<8x1x128xf32>
    %le3A_151 = vector.broadcast %slice3A_150 : vector<8x1x128xf32> to vector<8x64x128xf32>
    %le3A_152 = arith.cmpf ole, %le3A_151, %select_n3A : vector<8x64x128xf32>
    %jit3A_153 = arith.constant 1.000000e+00 : f32
    %jit3A_154 = arith.constant 0.000000e+00 : f32
    %broadcast_in_dim3A_155 = vector.broadcast %jit3A_153 : f32 to vector<8x64x128xf32>
    %broadcast_in_dim3A_156 = vector.broadcast %jit3A_154 : f32 to vector<8x64x128xf32>
    %select_n3A_157 = arith.select %le3A_152, %broadcast_in_dim3A_155, %broadcast_in_dim3A_156 : vector<8x64x128xi1>, vector<8x64x128xf32>
    %add3A_158 = arith.addf %add3A_149, %select_n3A_157 : vector<8x64x128xf32>
    %slice3A_159 = vector.extract_strided_slice %select_n3A {offsets = [0, 17, 0], sizes = [8, 1, 128], strides = [1, 1, 1]} : vector<8x64x128xf32> to vector<8x1x128xf32>
    %le3A_160 = vector.broadcast %slice3A_159 : vector<8x1x128xf32> to vector<8x64x128xf32>
    %le3A_161 = arith.cmpf ole, %le3A_160, %select_n3A : vector<8x64x128xf32>
    %jit3A_162 = arith.constant 1.000000e+00 : f32
    %jit3A_163 = arith.constant 0.000000e+00 : f32
    %broadcast_in_dim3A_164 = vector.broadcast %jit3A_162 : f32 to vector<8x64x128xf32>
    %broadcast_in_dim3A_165 = vector.broadcast %jit3A_163 : f32 to vector<8x64x128xf32>
    %select_n3A_166 = arith.select %le3A_161, %broadcast_in_dim3A_164, %broadcast_in_dim3A_165 : vector<8x64x128xi1>, vector<8x64x128xf32>
    %add3A_167 = arith.addf %add3A_158, %select_n3A_166 : vector<8x64x128xf32>
    %slice3A_168 = vector.extract_strided_slice %select_n3A {offsets = [0, 18, 0], sizes = [8, 1, 128], strides = [1, 1, 1]} : vector<8x64x128xf32> to vector<8x1x128xf32>
    %le3A_169 = vector.broadcast %slice3A_168 : vector<8x1x128xf32> to vector<8x64x128xf32>
    %le3A_170 = arith.cmpf ole, %le3A_169, %select_n3A : vector<8x64x128xf32>
    %jit3A_171 = arith.constant 1.000000e+00 : f32
    %jit3A_172 = arith.constant 0.000000e+00 : f32
    %broadcast_in_dim3A_173 = vector.broadcast %jit3A_171 : f32 to vector<8x64x128xf32>
    %broadcast_in_dim3A_174 = vector.broadcast %jit3A_172 : f32 to vector<8x64x128xf32>
    %select_n3A_175 = arith.select %le3A_170, %broadcast_in_dim3A_173, %broadcast_in_dim3A_174 : vector<8x64x128xi1>, vector<8x64x128xf32>
    %add3A_176 = arith.addf %add3A_167, %select_n3A_175 : vector<8x64x128xf32>
    %slice3A_177 = vector.extract_strided_slice %select_n3A {offsets = [0, 19, 0], sizes = [8, 1, 128], strides = [1, 1, 1]} : vector<8x64x128xf32> to vector<8x1x128xf32>
    %le3A_178 = vector.broadcast %slice3A_177 : vector<8x1x128xf32> to vector<8x64x128xf32>
    %le3A_179 = arith.cmpf ole, %le3A_178, %select_n3A : vector<8x64x128xf32>
    %jit3A_180 = arith.constant 1.000000e+00 : f32
    %jit3A_181 = arith.constant 0.000000e+00 : f32
    %broadcast_in_dim3A_182 = vector.broadcast %jit3A_180 : f32 to vector<8x64x128xf32>
    %broadcast_in_dim3A_183 = vector.broadcast %jit3A_181 : f32 to vector<8x64x128xf32>
    %select_n3A_184 = arith.select %le3A_179, %broadcast_in_dim3A_182, %broadcast_in_dim3A_183 : vector<8x64x128xi1>, vector<8x64x128xf32>
    %add3A_185 = arith.addf %add3A_176, %select_n3A_184 : vector<8x64x128xf32>
    %slice3A_186 = vector.extract_strided_slice %select_n3A {offsets = [0, 20, 0], sizes = [8, 1, 128], strides = [1, 1, 1]} : vector<8x64x128xf32> to vector<8x1x128xf32>
    %le3A_187 = vector.broadcast %slice3A_186 : vector<8x1x128xf32> to vector<8x64x128xf32>
    %le3A_188 = arith.cmpf ole, %le3A_187, %select_n3A : vector<8x64x128xf32>
    %jit3A_189 = arith.constant 1.000000e+00 : f32
    %jit3A_190 = arith.constant 0.000000e+00 : f32
    %broadcast_in_dim3A_191 = vector.broadcast %jit3A_189 : f32 to vector<8x64x128xf32>
    %broadcast_in_dim3A_192 = vector.broadcast %jit3A_190 : f32 to vector<8x64x128xf32>
    %select_n3A_193 = arith.select %le3A_188, %broadcast_in_dim3A_191, %broadcast_in_dim3A_192 : vector<8x64x128xi1>, vector<8x64x128xf32>
    %add3A_194 = arith.addf %add3A_185, %select_n3A_193 : vector<8x64x128xf32>
    %slice3A_195 = vector.extract_strided_slice %select_n3A {offsets = [0, 21, 0], sizes = [8, 1, 128], strides = [1, 1, 1]} : vector<8x64x128xf32> to vector<8x1x128xf32>
    %le3A_196 = vector.broadcast %slice3A_195 : vector<8x1x128xf32> to vector<8x64x128xf32>
    %le3A_197 = arith.cmpf ole, %le3A_196, %select_n3A : vector<8x64x128xf32>
    %jit3A_198 = arith.constant 1.000000e+00 : f32
    %jit3A_199 = arith.constant 0.000000e+00 : f32
    %broadcast_in_dim3A_200 = vector.broadcast %jit3A_198 : f32 to vector<8x64x128xf32>
    %broadcast_in_dim3A_201 = vector.broadcast %jit3A_199 : f32 to vector<8x64x128xf32>
    %select_n3A_202 = arith.select %le3A_197, %broadcast_in_dim3A_200, %broadcast_in_dim3A_201 : vector<8x64x128xi1>, vector<8x64x128xf32>
    %add3A_203 = arith.addf %add3A_194, %select_n3A_202 : vector<8x64x128xf32>
    %slice3A_204 = vector.extract_strided_slice %select_n3A {offsets = [0, 22, 0], sizes = [8, 1, 128], strides = [1, 1, 1]} : vector<8x64x128xf32> to vector<8x1x128xf32>
    %le3A_205 = vector.broadcast %slice3A_204 : vector<8x1x128xf32> to vector<8x64x128xf32>
    %le3A_206 = arith.cmpf ole, %le3A_205, %select_n3A : vector<8x64x128xf32>
    %jit3A_207 = arith.constant 1.000000e+00 : f32
    %jit3A_208 = arith.constant 0.000000e+00 : f32
    %broadcast_in_dim3A_209 = vector.broadcast %jit3A_207 : f32 to vector<8x64x128xf32>
    %broadcast_in_dim3A_210 = vector.broadcast %jit3A_208 : f32 to vector<8x64x128xf32>
    %select_n3A_211 = arith.select %le3A_206, %broadcast_in_dim3A_209, %broadcast_in_dim3A_210 : vector<8x64x128xi1>, vector<8x64x128xf32>
    %add3A_212 = arith.addf %add3A_203, %select_n3A_211 : vector<8x64x128xf32>
    %slice3A_213 = vector.extract_strided_slice %select_n3A {offsets = [0, 23, 0], sizes = [8, 1, 128], strides = [1, 1, 1]} : vector<8x64x128xf32> to vector<8x1x128xf32>
    %le3A_214 = vector.broadcast %slice3A_213 : vector<8x1x128xf32> to vector<8x64x128xf32>
    %le3A_215 = arith.cmpf ole, %le3A_214, %select_n3A : vector<8x64x128xf32>
    %jit3A_216 = arith.constant 1.000000e+00 : f32
    %jit3A_217 = arith.constant 0.000000e+00 : f32
    %broadcast_in_dim3A_218 = vector.broadcast %jit3A_216 : f32 to vector<8x64x128xf32>
    %broadcast_in_dim3A_219 = vector.broadcast %jit3A_217 : f32 to vector<8x64x128xf32>
    %select_n3A_220 = arith.select %le3A_215, %broadcast_in_dim3A_218, %broadcast_in_dim3A_219 : vector<8x64x128xi1>, vector<8x64x128xf32>
    %add3A_221 = arith.addf %add3A_212, %select_n3A_220 : vector<8x64x128xf32>
    %slice3A_222 = vector.extract_strided_slice %select_n3A {offsets = [0, 24, 0], sizes = [8, 1, 128], strides = [1, 1, 1]} : vector<8x64x128xf32> to vector<8x1x128xf32>
    %le3A_223 = vector.broadcast %slice3A_222 : vector<8x1x128xf32> to vector<8x64x128xf32>
    %le3A_224 = arith.cmpf ole, %le3A_223, %select_n3A : vector<8x64x128xf32>
    %jit3A_225 = arith.constant 1.000000e+00 : f32
    %jit3A_226 = arith.constant 0.000000e+00 : f32
    %broadcast_in_dim3A_227 = vector.broadcast %jit3A_225 : f32 to vector<8x64x128xf32>
    %broadcast_in_dim3A_228 = vector.broadcast %jit3A_226 : f32 to vector<8x64x128xf32>
    %select_n3A_229 = arith.select %le3A_224, %broadcast_in_dim3A_227, %broadcast_in_dim3A_228 : vector<8x64x128xi1>, vector<8x64x128xf32>
    %add3A_230 = arith.addf %add3A_221, %select_n3A_229 : vector<8x64x128xf32>
    %slice3A_231 = vector.extract_strided_slice %select_n3A {offsets = [0, 25, 0], sizes = [8, 1, 128], strides = [1, 1, 1]} : vector<8x64x128xf32> to vector<8x1x128xf32>
    %le3A_232 = vector.broadcast %slice3A_231 : vector<8x1x128xf32> to vector<8x64x128xf32>
    %le3A_233 = arith.cmpf ole, %le3A_232, %select_n3A : vector<8x64x128xf32>
    %jit3A_234 = arith.constant 1.000000e+00 : f32
    %jit3A_235 = arith.constant 0.000000e+00 : f32
    %broadcast_in_dim3A_236 = vector.broadcast %jit3A_234 : f32 to vector<8x64x128xf32>
    %broadcast_in_dim3A_237 = vector.broadcast %jit3A_235 : f32 to vector<8x64x128xf32>
    %select_n3A_238 = arith.select %le3A_233, %broadcast_in_dim3A_236, %broadcast_in_dim3A_237 : vector<8x64x128xi1>, vector<8x64x128xf32>
    %add3A_239 = arith.addf %add3A_230, %select_n3A_238 : vector<8x64x128xf32>
    %slice3A_240 = vector.extract_strided_slice %select_n3A {offsets = [0, 26, 0], sizes = [8, 1, 128], strides = [1, 1, 1]} : vector<8x64x128xf32> to vector<8x1x128xf32>
    %le3A_241 = vector.broadcast %slice3A_240 : vector<8x1x128xf32> to vector<8x64x128xf32>
    %le3A_242 = arith.cmpf ole, %le3A_241, %select_n3A : vector<8x64x128xf32>
    %jit3A_243 = arith.constant 1.000000e+00 : f32
    %jit3A_244 = arith.constant 0.000000e+00 : f32
    %broadcast_in_dim3A_245 = vector.broadcast %jit3A_243 : f32 to vector<8x64x128xf32>
    %broadcast_in_dim3A_246 = vector.broadcast %jit3A_244 : f32 to vector<8x64x128xf32>
    %select_n3A_247 = arith.select %le3A_242, %broadcast_in_dim3A_245, %broadcast_in_dim3A_246 : vector<8x64x128xi1>, vector<8x64x128xf32>
    %add3A_248 = arith.addf %add3A_239, %select_n3A_247 : vector<8x64x128xf32>
    %slice3A_249 = vector.extract_strided_slice %select_n3A {offsets = [0, 27, 0], sizes = [8, 1, 128], strides = [1, 1, 1]} : vector<8x64x128xf32> to vector<8x1x128xf32>
    %le3A_250 = vector.broadcast %slice3A_249 : vector<8x1x128xf32> to vector<8x64x128xf32>
    %le3A_251 = arith.cmpf ole, %le3A_250, %select_n3A : vector<8x64x128xf32>
    %jit3A_252 = arith.constant 1.000000e+00 : f32
    %jit3A_253 = arith.constant 0.000000e+00 : f32
    %broadcast_in_dim3A_254 = vector.broadcast %jit3A_252 : f32 to vector<8x64x128xf32>
    %broadcast_in_dim3A_255 = vector.broadcast %jit3A_253 : f32 to vector<8x64x128xf32>
    %select_n3A_256 = arith.select %le3A_251, %broadcast_in_dim3A_254, %broadcast_in_dim3A_255 : vector<8x64x128xi1>, vector<8x64x128xf32>
    %add3A_257 = arith.addf %add3A_248, %select_n3A_256 : vector<8x64x128xf32>
    %slice3A_258 = vector.extract_strided_slice %select_n3A {offsets = [0, 28, 0], sizes = [8, 1, 128], strides = [1, 1, 1]} : vector<8x64x128xf32> to vector<8x1x128xf32>
    %le3A_259 = vector.broadcast %slice3A_258 : vector<8x1x128xf32> to vector<8x64x128xf32>
    %le3A_260 = arith.cmpf ole, %le3A_259, %select_n3A : vector<8x64x128xf32>
    %jit3A_261 = arith.constant 1.000000e+00 : f32
    %jit3A_262 = arith.constant 0.000000e+00 : f32
    %broadcast_in_dim3A_263 = vector.broadcast %jit3A_261 : f32 to vector<8x64x128xf32>
    %broadcast_in_dim3A_264 = vector.broadcast %jit3A_262 : f32 to vector<8x64x128xf32>
    %select_n3A_265 = arith.select %le3A_260, %broadcast_in_dim3A_263, %broadcast_in_dim3A_264 : vector<8x64x128xi1>, vector<8x64x128xf32>
    %add3A_266 = arith.addf %add3A_257, %select_n3A_265 : vector<8x64x128xf32>
    %slice3A_267 = vector.extract_strided_slice %select_n3A {offsets = [0, 29, 0], sizes = [8, 1, 128], strides = [1, 1, 1]} : vector<8x64x128xf32> to vector<8x1x128xf32>
    %le3A_268 = vector.broadcast %slice3A_267 : vector<8x1x128xf32> to vector<8x64x128xf32>
    %le3A_269 = arith.cmpf ole, %le3A_268, %select_n3A : vector<8x64x128xf32>
    %jit3A_270 = arith.constant 1.000000e+00 : f32
    %jit3A_271 = arith.constant 0.000000e+00 : f32
    %broadcast_in_dim3A_272 = vector.broadcast %jit3A_270 : f32 to vector<8x64x128xf32>
    %broadcast_in_dim3A_273 = vector.broadcast %jit3A_271 : f32 to vector<8x64x128xf32>
    %select_n3A_274 = arith.select %le3A_269, %broadcast_in_dim3A_272, %broadcast_in_dim3A_273 : vector<8x64x128xi1>, vector<8x64x128xf32>
    %add3A_275 = arith.addf %add3A_266, %select_n3A_274 : vector<8x64x128xf32>
    %slice3A_276 = vector.extract_strided_slice %select_n3A {offsets = [0, 30, 0], sizes = [8, 1, 128], strides = [1, 1, 1]} : vector<8x64x128xf32> to vector<8x1x128xf32>
    %le3A_277 = vector.broadcast %slice3A_276 : vector<8x1x128xf32> to vector<8x64x128xf32>
    %le3A_278 = arith.cmpf ole, %le3A_277, %select_n3A : vector<8x64x128xf32>
    %jit3A_279 = arith.constant 1.000000e+00 : f32
    %jit3A_280 = arith.constant 0.000000e+00 : f32
    %broadcast_in_dim3A_281 = vector.broadcast %jit3A_279 : f32 to vector<8x64x128xf32>
    %broadcast_in_dim3A_282 = vector.broadcast %jit3A_280 : f32 to vector<8x64x128xf32>
    %select_n3A_283 = arith.select %le3A_278, %broadcast_in_dim3A_281, %broadcast_in_dim3A_282 : vector<8x64x128xi1>, vector<8x64x128xf32>
    %add3A_284 = arith.addf %add3A_275, %select_n3A_283 : vector<8x64x128xf32>
    %slice3A_285 = vector.extract_strided_slice %select_n3A {offsets = [0, 31, 0], sizes = [8, 1, 128], strides = [1, 1, 1]} : vector<8x64x128xf32> to vector<8x1x128xf32>
    %le3A_286 = vector.broadcast %slice3A_285 : vector<8x1x128xf32> to vector<8x64x128xf32>
    %le3A_287 = arith.cmpf ole, %le3A_286, %select_n3A : vector<8x64x128xf32>
    %jit3A_288 = arith.constant 1.000000e+00 : f32
    %jit3A_289 = arith.constant 0.000000e+00 : f32
    %broadcast_in_dim3A_290 = vector.broadcast %jit3A_288 : f32 to vector<8x64x128xf32>
    %broadcast_in_dim3A_291 = vector.broadcast %jit3A_289 : f32 to vector<8x64x128xf32>
    %select_n3A_292 = arith.select %le3A_287, %broadcast_in_dim3A_290, %broadcast_in_dim3A_291 : vector<8x64x128xi1>, vector<8x64x128xf32>
    %add3A_293 = arith.addf %add3A_284, %select_n3A_292 : vector<8x64x128xf32>
    %slice3A_294 = vector.extract_strided_slice %select_n3A {offsets = [0, 32, 0], sizes = [8, 1, 128], strides = [1, 1, 1]} : vector<8x64x128xf32> to vector<8x1x128xf32>
    %le3A_295 = vector.broadcast %slice3A_294 : vector<8x1x128xf32> to vector<8x64x128xf32>
    %le3A_296 = arith.cmpf ole, %le3A_295, %select_n3A : vector<8x64x128xf32>
    %jit3A_297 = arith.constant 1.000000e+00 : f32
    %jit3A_298 = arith.constant 0.000000e+00 : f32
    %broadcast_in_dim3A_299 = vector.broadcast %jit3A_297 : f32 to vector<8x64x128xf32>
    %broadcast_in_dim3A_300 = vector.broadcast %jit3A_298 : f32 to vector<8x64x128xf32>
    %select_n3A_301 = arith.select %le3A_296, %broadcast_in_dim3A_299, %broadcast_in_dim3A_300 : vector<8x64x128xi1>, vector<8x64x128xf32>
    %add3A_302 = arith.addf %add3A_293, %select_n3A_301 : vector<8x64x128xf32>
    %slice3A_303 = vector.extract_strided_slice %select_n3A {offsets = [0, 33, 0], sizes = [8, 1, 128], strides = [1, 1, 1]} : vector<8x64x128xf32> to vector<8x1x128xf32>
    %le3A_304 = vector.broadcast %slice3A_303 : vector<8x1x128xf32> to vector<8x64x128xf32>
    %le3A_305 = arith.cmpf ole, %le3A_304, %select_n3A : vector<8x64x128xf32>
    %jit3A_306 = arith.constant 1.000000e+00 : f32
    %jit3A_307 = arith.constant 0.000000e+00 : f32
    %broadcast_in_dim3A_308 = vector.broadcast %jit3A_306 : f32 to vector<8x64x128xf32>
    %broadcast_in_dim3A_309 = vector.broadcast %jit3A_307 : f32 to vector<8x64x128xf32>
    %select_n3A_310 = arith.select %le3A_305, %broadcast_in_dim3A_308, %broadcast_in_dim3A_309 : vector<8x64x128xi1>, vector<8x64x128xf32>
    %add3A_311 = arith.addf %add3A_302, %select_n3A_310 : vector<8x64x128xf32>
    %slice3A_312 = vector.extract_strided_slice %select_n3A {offsets = [0, 34, 0], sizes = [8, 1, 128], strides = [1, 1, 1]} : vector<8x64x128xf32> to vector<8x1x128xf32>
    %le3A_313 = vector.broadcast %slice3A_312 : vector<8x1x128xf32> to vector<8x64x128xf32>
    %le3A_314 = arith.cmpf ole, %le3A_313, %select_n3A : vector<8x64x128xf32>
    %jit3A_315 = arith.constant 1.000000e+00 : f32
    %jit3A_316 = arith.constant 0.000000e+00 : f32
    %broadcast_in_dim3A_317 = vector.broadcast %jit3A_315 : f32 to vector<8x64x128xf32>
    %broadcast_in_dim3A_318 = vector.broadcast %jit3A_316 : f32 to vector<8x64x128xf32>
    %select_n3A_319 = arith.select %le3A_314, %broadcast_in_dim3A_317, %broadcast_in_dim3A_318 : vector<8x64x128xi1>, vector<8x64x128xf32>
    %add3A_320 = arith.addf %add3A_311, %select_n3A_319 : vector<8x64x128xf32>
    %slice3A_321 = vector.extract_strided_slice %select_n3A {offsets = [0, 35, 0], sizes = [8, 1, 128], strides = [1, 1, 1]} : vector<8x64x128xf32> to vector<8x1x128xf32>
    %le3A_322 = vector.broadcast %slice3A_321 : vector<8x1x128xf32> to vector<8x64x128xf32>
    %le3A_323 = arith.cmpf ole, %le3A_322, %select_n3A : vector<8x64x128xf32>
    %jit3A_324 = arith.constant 1.000000e+00 : f32
    %jit3A_325 = arith.constant 0.000000e+00 : f32
    %broadcast_in_dim3A_326 = vector.broadcast %jit3A_324 : f32 to vector<8x64x128xf32>
    %broadcast_in_dim3A_327 = vector.broadcast %jit3A_325 : f32 to vector<8x64x128xf32>
    %select_n3A_328 = arith.select %le3A_323, %broadcast_in_dim3A_326, %broadcast_in_dim3A_327 : vector<8x64x128xi1>, vector<8x64x128xf32>
    %add3A_329 = arith.addf %add3A_320, %select_n3A_328 : vector<8x64x128xf32>
    %slice3A_330 = vector.extract_strided_slice %select_n3A {offsets = [0, 36, 0], sizes = [8, 1, 128], strides = [1, 1, 1]} : vector<8x64x128xf32> to vector<8x1x128xf32>
    %le3A_331 = vector.broadcast %slice3A_330 : vector<8x1x128xf32> to vector<8x64x128xf32>
    %le3A_332 = arith.cmpf ole, %le3A_331, %select_n3A : vector<8x64x128xf32>
    %jit3A_333 = arith.constant 1.000000e+00 : f32
    %jit3A_334 = arith.constant 0.000000e+00 : f32
    %broadcast_in_dim3A_335 = vector.broadcast %jit3A_333 : f32 to vector<8x64x128xf32>
    %broadcast_in_dim3A_336 = vector.broadcast %jit3A_334 : f32 to vector<8x64x128xf32>
    %select_n3A_337 = arith.select %le3A_332, %broadcast_in_dim3A_335, %broadcast_in_dim3A_336 : vector<8x64x128xi1>, vector<8x64x128xf32>
    %add3A_338 = arith.addf %add3A_329, %select_n3A_337 : vector<8x64x128xf32>
    %slice3A_339 = vector.extract_strided_slice %select_n3A {offsets = [0, 37, 0], sizes = [8, 1, 128], strides = [1, 1, 1]} : vector<8x64x128xf32> to vector<8x1x128xf32>
    %le3A_340 = vector.broadcast %slice3A_339 : vector<8x1x128xf32> to vector<8x64x128xf32>
    %le3A_341 = arith.cmpf ole, %le3A_340, %select_n3A : vector<8x64x128xf32>
    %jit3A_342 = arith.constant 1.000000e+00 : f32
    %jit3A_343 = arith.constant 0.000000e+00 : f32
    %broadcast_in_dim3A_344 = vector.broadcast %jit3A_342 : f32 to vector<8x64x128xf32>
    %broadcast_in_dim3A_345 = vector.broadcast %jit3A_343 : f32 to vector<8x64x128xf32>
    %select_n3A_346 = arith.select %le3A_341, %broadcast_in_dim3A_344, %broadcast_in_dim3A_345 : vector<8x64x128xi1>, vector<8x64x128xf32>
    %add3A_347 = arith.addf %add3A_338, %select_n3A_346 : vector<8x64x128xf32>
    %slice3A_348 = vector.extract_strided_slice %select_n3A {offsets = [0, 38, 0], sizes = [8, 1, 128], strides = [1, 1, 1]} : vector<8x64x128xf32> to vector<8x1x128xf32>
    %le3A_349 = vector.broadcast %slice3A_348 : vector<8x1x128xf32> to vector<8x64x128xf32>
    %le3A_350 = arith.cmpf ole, %le3A_349, %select_n3A : vector<8x64x128xf32>
    %jit3A_351 = arith.constant 1.000000e+00 : f32
    %jit3A_352 = arith.constant 0.000000e+00 : f32
    %broadcast_in_dim3A_353 = vector.broadcast %jit3A_351 : f32 to vector<8x64x128xf32>
    %broadcast_in_dim3A_354 = vector.broadcast %jit3A_352 : f32 to vector<8x64x128xf32>
    %select_n3A_355 = arith.select %le3A_350, %broadcast_in_dim3A_353, %broadcast_in_dim3A_354 : vector<8x64x128xi1>, vector<8x64x128xf32>
    %add3A_356 = arith.addf %add3A_347, %select_n3A_355 : vector<8x64x128xf32>
    %slice3A_357 = vector.extract_strided_slice %select_n3A {offsets = [0, 39, 0], sizes = [8, 1, 128], strides = [1, 1, 1]} : vector<8x64x128xf32> to vector<8x1x128xf32>
    %le3A_358 = vector.broadcast %slice3A_357 : vector<8x1x128xf32> to vector<8x64x128xf32>
    %le3A_359 = arith.cmpf ole, %le3A_358, %select_n3A : vector<8x64x128xf32>
    %jit3A_360 = arith.constant 1.000000e+00 : f32
    %jit3A_361 = arith.constant 0.000000e+00 : f32
    %broadcast_in_dim3A_362 = vector.broadcast %jit3A_360 : f32 to vector<8x64x128xf32>
    %broadcast_in_dim3A_363 = vector.broadcast %jit3A_361 : f32 to vector<8x64x128xf32>
    %select_n3A_364 = arith.select %le3A_359, %broadcast_in_dim3A_362, %broadcast_in_dim3A_363 : vector<8x64x128xi1>, vector<8x64x128xf32>
    %add3A_365 = arith.addf %add3A_356, %select_n3A_364 : vector<8x64x128xf32>
    %slice3A_366 = vector.extract_strided_slice %select_n3A {offsets = [0, 40, 0], sizes = [8, 1, 128], strides = [1, 1, 1]} : vector<8x64x128xf32> to vector<8x1x128xf32>
    %le3A_367 = vector.broadcast %slice3A_366 : vector<8x1x128xf32> to vector<8x64x128xf32>
    %le3A_368 = arith.cmpf ole, %le3A_367, %select_n3A : vector<8x64x128xf32>
    %jit3A_369 = arith.constant 1.000000e+00 : f32
    %jit3A_370 = arith.constant 0.000000e+00 : f32
    %broadcast_in_dim3A_371 = vector.broadcast %jit3A_369 : f32 to vector<8x64x128xf32>
    %broadcast_in_dim3A_372 = vector.broadcast %jit3A_370 : f32 to vector<8x64x128xf32>
    %select_n3A_373 = arith.select %le3A_368, %broadcast_in_dim3A_371, %broadcast_in_dim3A_372 : vector<8x64x128xi1>, vector<8x64x128xf32>
    %add3A_374 = arith.addf %add3A_365, %select_n3A_373 : vector<8x64x128xf32>
    %slice3A_375 = vector.extract_strided_slice %select_n3A {offsets = [0, 41, 0], sizes = [8, 1, 128], strides = [1, 1, 1]} : vector<8x64x128xf32> to vector<8x1x128xf32>
    %le3A_376 = vector.broadcast %slice3A_375 : vector<8x1x128xf32> to vector<8x64x128xf32>
    %le3A_377 = arith.cmpf ole, %le3A_376, %select_n3A : vector<8x64x128xf32>
    %jit3A_378 = arith.constant 1.000000e+00 : f32
    %jit3A_379 = arith.constant 0.000000e+00 : f32
    %broadcast_in_dim3A_380 = vector.broadcast %jit3A_378 : f32 to vector<8x64x128xf32>
    %broadcast_in_dim3A_381 = vector.broadcast %jit3A_379 : f32 to vector<8x64x128xf32>
    %select_n3A_382 = arith.select %le3A_377, %broadcast_in_dim3A_380, %broadcast_in_dim3A_381 : vector<8x64x128xi1>, vector<8x64x128xf32>
    %add3A_383 = arith.addf %add3A_374, %select_n3A_382 : vector<8x64x128xf32>
    %slice3A_384 = vector.extract_strided_slice %select_n3A {offsets = [0, 42, 0], sizes = [8, 1, 128], strides = [1, 1, 1]} : vector<8x64x128xf32> to vector<8x1x128xf32>
    %le3A_385 = vector.broadcast %slice3A_384 : vector<8x1x128xf32> to vector<8x64x128xf32>
    %le3A_386 = arith.cmpf ole, %le3A_385, %select_n3A : vector<8x64x128xf32>
    %jit3A_387 = arith.constant 1.000000e+00 : f32
    %jit3A_388 = arith.constant 0.000000e+00 : f32
    %broadcast_in_dim3A_389 = vector.broadcast %jit3A_387 : f32 to vector<8x64x128xf32>
    %broadcast_in_dim3A_390 = vector.broadcast %jit3A_388 : f32 to vector<8x64x128xf32>
    %select_n3A_391 = arith.select %le3A_386, %broadcast_in_dim3A_389, %broadcast_in_dim3A_390 : vector<8x64x128xi1>, vector<8x64x128xf32>
    %add3A_392 = arith.addf %add3A_383, %select_n3A_391 : vector<8x64x128xf32>
    %slice3A_393 = vector.extract_strided_slice %select_n3A {offsets = [0, 43, 0], sizes = [8, 1, 128], strides = [1, 1, 1]} : vector<8x64x128xf32> to vector<8x1x128xf32>
    %le3A_394 = vector.broadcast %slice3A_393 : vector<8x1x128xf32> to vector<8x64x128xf32>
    %le3A_395 = arith.cmpf ole, %le3A_394, %select_n3A : vector<8x64x128xf32>
    %jit3A_396 = arith.constant 1.000000e+00 : f32
    %jit3A_397 = arith.constant 0.000000e+00 : f32
    %broadcast_in_dim3A_398 = vector.broadcast %jit3A_396 : f32 to vector<8x64x128xf32>
    %broadcast_in_dim3A_399 = vector.broadcast %jit3A_397 : f32 to vector<8x64x128xf32>
    %select_n3A_400 = arith.select %le3A_395, %broadcast_in_dim3A_398, %broadcast_in_dim3A_399 : vector<8x64x128xi1>, vector<8x64x128xf32>
    %add3A_401 = arith.addf %add3A_392, %select_n3A_400 : vector<8x64x128xf32>
    %slice3A_402 = vector.extract_strided_slice %select_n3A {offsets = [0, 44, 0], sizes = [8, 1, 128], strides = [1, 1, 1]} : vector<8x64x128xf32> to vector<8x1x128xf32>
    %le3A_403 = vector.broadcast %slice3A_402 : vector<8x1x128xf32> to vector<8x64x128xf32>
    %le3A_404 = arith.cmpf ole, %le3A_403, %select_n3A : vector<8x64x128xf32>
    %jit3A_405 = arith.constant 1.000000e+00 : f32
    %jit3A_406 = arith.constant 0.000000e+00 : f32
    %broadcast_in_dim3A_407 = vector.broadcast %jit3A_405 : f32 to vector<8x64x128xf32>
    %broadcast_in_dim3A_408 = vector.broadcast %jit3A_406 : f32 to vector<8x64x128xf32>
    %select_n3A_409 = arith.select %le3A_404, %broadcast_in_dim3A_407, %broadcast_in_dim3A_408 : vector<8x64x128xi1>, vector<8x64x128xf32>
    %add3A_410 = arith.addf %add3A_401, %select_n3A_409 : vector<8x64x128xf32>
    %slice3A_411 = vector.extract_strided_slice %select_n3A {offsets = [0, 45, 0], sizes = [8, 1, 128], strides = [1, 1, 1]} : vector<8x64x128xf32> to vector<8x1x128xf32>
    %le3A_412 = vector.broadcast %slice3A_411 : vector<8x1x128xf32> to vector<8x64x128xf32>
    %le3A_413 = arith.cmpf ole, %le3A_412, %select_n3A : vector<8x64x128xf32>
    %jit3A_414 = arith.constant 1.000000e+00 : f32
    %jit3A_415 = arith.constant 0.000000e+00 : f32
    %broadcast_in_dim3A_416 = vector.broadcast %jit3A_414 : f32 to vector<8x64x128xf32>
    %broadcast_in_dim3A_417 = vector.broadcast %jit3A_415 : f32 to vector<8x64x128xf32>
    %select_n3A_418 = arith.select %le3A_413, %broadcast_in_dim3A_416, %broadcast_in_dim3A_417 : vector<8x64x128xi1>, vector<8x64x128xf32>
    %add3A_419 = arith.addf %add3A_410, %select_n3A_418 : vector<8x64x128xf32>
    %slice3A_420 = vector.extract_strided_slice %select_n3A {offsets = [0, 46, 0], sizes = [8, 1, 128], strides = [1, 1, 1]} : vector<8x64x128xf32> to vector<8x1x128xf32>
    %le3A_421 = vector.broadcast %slice3A_420 : vector<8x1x128xf32> to vector<8x64x128xf32>
    %le3A_422 = arith.cmpf ole, %le3A_421, %select_n3A : vector<8x64x128xf32>
    %jit3A_423 = arith.constant 1.000000e+00 : f32
    %jit3A_424 = arith.constant 0.000000e+00 : f32
    %broadcast_in_dim3A_425 = vector.broadcast %jit3A_423 : f32 to vector<8x64x128xf32>
    %broadcast_in_dim3A_426 = vector.broadcast %jit3A_424 : f32 to vector<8x64x128xf32>
    %select_n3A_427 = arith.select %le3A_422, %broadcast_in_dim3A_425, %broadcast_in_dim3A_426 : vector<8x64x128xi1>, vector<8x64x128xf32>
    %add3A_428 = arith.addf %add3A_419, %select_n3A_427 : vector<8x64x128xf32>
    %slice3A_429 = vector.extract_strided_slice %select_n3A {offsets = [0, 47, 0], sizes = [8, 1, 128], strides = [1, 1, 1]} : vector<8x64x128xf32> to vector<8x1x128xf32>
    %le3A_430 = vector.broadcast %slice3A_429 : vector<8x1x128xf32> to vector<8x64x128xf32>
    %le3A_431 = arith.cmpf ole, %le3A_430, %select_n3A : vector<8x64x128xf32>
    %jit3A_432 = arith.constant 1.000000e+00 : f32
    %jit3A_433 = arith.constant 0.000000e+00 : f32
    %broadcast_in_dim3A_434 = vector.broadcast %jit3A_432 : f32 to vector<8x64x128xf32>
    %broadcast_in_dim3A_435 = vector.broadcast %jit3A_433 : f32 to vector<8x64x128xf32>
    %select_n3A_436 = arith.select %le3A_431, %broadcast_in_dim3A_434, %broadcast_in_dim3A_435 : vector<8x64x128xi1>, vector<8x64x128xf32>
    %add3A_437 = arith.addf %add3A_428, %select_n3A_436 : vector<8x64x128xf32>
    %slice3A_438 = vector.extract_strided_slice %select_n3A {offsets = [0, 48, 0], sizes = [8, 1, 128], strides = [1, 1, 1]} : vector<8x64x128xf32> to vector<8x1x128xf32>
    %le3A_439 = vector.broadcast %slice3A_438 : vector<8x1x128xf32> to vector<8x64x128xf32>
    %le3A_440 = arith.cmpf ole, %le3A_439, %select_n3A : vector<8x64x128xf32>
    %jit3A_441 = arith.constant 1.000000e+00 : f32
    %jit3A_442 = arith.constant 0.000000e+00 : f32
    %broadcast_in_dim3A_443 = vector.broadcast %jit3A_441 : f32 to vector<8x64x128xf32>
    %broadcast_in_dim3A_444 = vector.broadcast %jit3A_442 : f32 to vector<8x64x128xf32>
    %select_n3A_445 = arith.select %le3A_440, %broadcast_in_dim3A_443, %broadcast_in_dim3A_444 : vector<8x64x128xi1>, vector<8x64x128xf32>
    %add3A_446 = arith.addf %add3A_437, %select_n3A_445 : vector<8x64x128xf32>
    %slice3A_447 = vector.extract_strided_slice %select_n3A {offsets = [0, 49, 0], sizes = [8, 1, 128], strides = [1, 1, 1]} : vector<8x64x128xf32> to vector<8x1x128xf32>
    %le3A_448 = vector.broadcast %slice3A_447 : vector<8x1x128xf32> to vector<8x64x128xf32>
    %le3A_449 = arith.cmpf ole, %le3A_448, %select_n3A : vector<8x64x128xf32>
    %jit3A_450 = arith.constant 1.000000e+00 : f32
    %jit3A_451 = arith.constant 0.000000e+00 : f32
    %broadcast_in_dim3A_452 = vector.broadcast %jit3A_450 : f32 to vector<8x64x128xf32>
    %broadcast_in_dim3A_453 = vector.broadcast %jit3A_451 : f32 to vector<8x64x128xf32>
    %select_n3A_454 = arith.select %le3A_449, %broadcast_in_dim3A_452, %broadcast_in_dim3A_453 : vector<8x64x128xi1>, vector<8x64x128xf32>
    %add3A_455 = arith.addf %add3A_446, %select_n3A_454 : vector<8x64x128xf32>
    %slice3A_456 = vector.extract_strided_slice %select_n3A {offsets = [0, 50, 0], sizes = [8, 1, 128], strides = [1, 1, 1]} : vector<8x64x128xf32> to vector<8x1x128xf32>
    %le3A_457 = vector.broadcast %slice3A_456 : vector<8x1x128xf32> to vector<8x64x128xf32>
    %le3A_458 = arith.cmpf ole, %le3A_457, %select_n3A : vector<8x64x128xf32>
    %jit3A_459 = arith.constant 1.000000e+00 : f32
    %jit3A_460 = arith.constant 0.000000e+00 : f32
    %broadcast_in_dim3A_461 = vector.broadcast %jit3A_459 : f32 to vector<8x64x128xf32>
    %broadcast_in_dim3A_462 = vector.broadcast %jit3A_460 : f32 to vector<8x64x128xf32>
    %select_n3A_463 = arith.select %le3A_458, %broadcast_in_dim3A_461, %broadcast_in_dim3A_462 : vector<8x64x128xi1>, vector<8x64x128xf32>
    %add3A_464 = arith.addf %add3A_455, %select_n3A_463 : vector<8x64x128xf32>
    %slice3A_465 = vector.extract_strided_slice %select_n3A {offsets = [0, 51, 0], sizes = [8, 1, 128], strides = [1, 1, 1]} : vector<8x64x128xf32> to vector<8x1x128xf32>
    %le3A_466 = vector.broadcast %slice3A_465 : vector<8x1x128xf32> to vector<8x64x128xf32>
    %le3A_467 = arith.cmpf ole, %le3A_466, %select_n3A : vector<8x64x128xf32>
    %jit3A_468 = arith.constant 1.000000e+00 : f32
    %jit3A_469 = arith.constant 0.000000e+00 : f32
    %broadcast_in_dim3A_470 = vector.broadcast %jit3A_468 : f32 to vector<8x64x128xf32>
    %broadcast_in_dim3A_471 = vector.broadcast %jit3A_469 : f32 to vector<8x64x128xf32>
    %select_n3A_472 = arith.select %le3A_467, %broadcast_in_dim3A_470, %broadcast_in_dim3A_471 : vector<8x64x128xi1>, vector<8x64x128xf32>
    %add3A_473 = arith.addf %add3A_464, %select_n3A_472 : vector<8x64x128xf32>
    %slice3A_474 = vector.extract_strided_slice %select_n3A {offsets = [0, 52, 0], sizes = [8, 1, 128], strides = [1, 1, 1]} : vector<8x64x128xf32> to vector<8x1x128xf32>
    %le3A_475 = vector.broadcast %slice3A_474 : vector<8x1x128xf32> to vector<8x64x128xf32>
    %le3A_476 = arith.cmpf ole, %le3A_475, %select_n3A : vector<8x64x128xf32>
    %jit3A_477 = arith.constant 1.000000e+00 : f32
    %jit3A_478 = arith.constant 0.000000e+00 : f32
    %broadcast_in_dim3A_479 = vector.broadcast %jit3A_477 : f32 to vector<8x64x128xf32>
    %broadcast_in_dim3A_480 = vector.broadcast %jit3A_478 : f32 to vector<8x64x128xf32>
    %select_n3A_481 = arith.select %le3A_476, %broadcast_in_dim3A_479, %broadcast_in_dim3A_480 : vector<8x64x128xi1>, vector<8x64x128xf32>
    %add3A_482 = arith.addf %add3A_473, %select_n3A_481 : vector<8x64x128xf32>
    %slice3A_483 = vector.extract_strided_slice %select_n3A {offsets = [0, 53, 0], sizes = [8, 1, 128], strides = [1, 1, 1]} : vector<8x64x128xf32> to vector<8x1x128xf32>
    %le3A_484 = vector.broadcast %slice3A_483 : vector<8x1x128xf32> to vector<8x64x128xf32>
    %le3A_485 = arith.cmpf ole, %le3A_484, %select_n3A : vector<8x64x128xf32>
    %jit3A_486 = arith.constant 1.000000e+00 : f32
    %jit3A_487 = arith.constant 0.000000e+00 : f32
    %broadcast_in_dim3A_488 = vector.broadcast %jit3A_486 : f32 to vector<8x64x128xf32>
    %broadcast_in_dim3A_489 = vector.broadcast %jit3A_487 : f32 to vector<8x64x128xf32>
    %select_n3A_490 = arith.select %le3A_485, %broadcast_in_dim3A_488, %broadcast_in_dim3A_489 : vector<8x64x128xi1>, vector<8x64x128xf32>
    %add3A_491 = arith.addf %add3A_482, %select_n3A_490 : vector<8x64x128xf32>
    %slice3A_492 = vector.extract_strided_slice %select_n3A {offsets = [0, 54, 0], sizes = [8, 1, 128], strides = [1, 1, 1]} : vector<8x64x128xf32> to vector<8x1x128xf32>
    %le3A_493 = vector.broadcast %slice3A_492 : vector<8x1x128xf32> to vector<8x64x128xf32>
    %le3A_494 = arith.cmpf ole, %le3A_493, %select_n3A : vector<8x64x128xf32>
    %jit3A_495 = arith.constant 1.000000e+00 : f32
    %jit3A_496 = arith.constant 0.000000e+00 : f32
    %broadcast_in_dim3A_497 = vector.broadcast %jit3A_495 : f32 to vector<8x64x128xf32>
    %broadcast_in_dim3A_498 = vector.broadcast %jit3A_496 : f32 to vector<8x64x128xf32>
    %select_n3A_499 = arith.select %le3A_494, %broadcast_in_dim3A_497, %broadcast_in_dim3A_498 : vector<8x64x128xi1>, vector<8x64x128xf32>
    %add3A_500 = arith.addf %add3A_491, %select_n3A_499 : vector<8x64x128xf32>
    %slice3A_501 = vector.extract_strided_slice %select_n3A {offsets = [0, 55, 0], sizes = [8, 1, 128], strides = [1, 1, 1]} : vector<8x64x128xf32> to vector<8x1x128xf32>
    %le3A_502 = vector.broadcast %slice3A_501 : vector<8x1x128xf32> to vector<8x64x128xf32>
    %le3A_503 = arith.cmpf ole, %le3A_502, %select_n3A : vector<8x64x128xf32>
    %jit3A_504 = arith.constant 1.000000e+00 : f32
    %jit3A_505 = arith.constant 0.000000e+00 : f32
    %broadcast_in_dim3A_506 = vector.broadcast %jit3A_504 : f32 to vector<8x64x128xf32>
    %broadcast_in_dim3A_507 = vector.broadcast %jit3A_505 : f32 to vector<8x64x128xf32>
    %select_n3A_508 = arith.select %le3A_503, %broadcast_in_dim3A_506, %broadcast_in_dim3A_507 : vector<8x64x128xi1>, vector<8x64x128xf32>
    %add3A_509 = arith.addf %add3A_500, %select_n3A_508 : vector<8x64x128xf32>
    %slice3A_510 = vector.extract_strided_slice %select_n3A {offsets = [0, 56, 0], sizes = [8, 1, 128], strides = [1, 1, 1]} : vector<8x64x128xf32> to vector<8x1x128xf32>
    %le3A_511 = vector.broadcast %slice3A_510 : vector<8x1x128xf32> to vector<8x64x128xf32>
    %le3A_512 = arith.cmpf ole, %le3A_511, %select_n3A : vector<8x64x128xf32>
    %jit3A_513 = arith.constant 1.000000e+00 : f32
    %jit3A_514 = arith.constant 0.000000e+00 : f32
    %broadcast_in_dim3A_515 = vector.broadcast %jit3A_513 : f32 to vector<8x64x128xf32>
    %broadcast_in_dim3A_516 = vector.broadcast %jit3A_514 : f32 to vector<8x64x128xf32>
    %select_n3A_517 = arith.select %le3A_512, %broadcast_in_dim3A_515, %broadcast_in_dim3A_516 : vector<8x64x128xi1>, vector<8x64x128xf32>
    %add3A_518 = arith.addf %add3A_509, %select_n3A_517 : vector<8x64x128xf32>
    %slice3A_519 = vector.extract_strided_slice %select_n3A {offsets = [0, 57, 0], sizes = [8, 1, 128], strides = [1, 1, 1]} : vector<8x64x128xf32> to vector<8x1x128xf32>
    %le3A_520 = vector.broadcast %slice3A_519 : vector<8x1x128xf32> to vector<8x64x128xf32>
    %le3A_521 = arith.cmpf ole, %le3A_520, %select_n3A : vector<8x64x128xf32>
    %jit3A_522 = arith.constant 1.000000e+00 : f32
    %jit3A_523 = arith.constant 0.000000e+00 : f32
    %broadcast_in_dim3A_524 = vector.broadcast %jit3A_522 : f32 to vector<8x64x128xf32>
    %broadcast_in_dim3A_525 = vector.broadcast %jit3A_523 : f32 to vector<8x64x128xf32>
    %select_n3A_526 = arith.select %le3A_521, %broadcast_in_dim3A_524, %broadcast_in_dim3A_525 : vector<8x64x128xi1>, vector<8x64x128xf32>
    %add3A_527 = arith.addf %add3A_518, %select_n3A_526 : vector<8x64x128xf32>
    %slice3A_528 = vector.extract_strided_slice %select_n3A {offsets = [0, 58, 0], sizes = [8, 1, 128], strides = [1, 1, 1]} : vector<8x64x128xf32> to vector<8x1x128xf32>
    %le3A_529 = vector.broadcast %slice3A_528 : vector<8x1x128xf32> to vector<8x64x128xf32>
    %le3A_530 = arith.cmpf ole, %le3A_529, %select_n3A : vector<8x64x128xf32>
    %jit3A_531 = arith.constant 1.000000e+00 : f32
    %jit3A_532 = arith.constant 0.000000e+00 : f32
    %broadcast_in_dim3A_533 = vector.broadcast %jit3A_531 : f32 to vector<8x64x128xf32>
    %broadcast_in_dim3A_534 = vector.broadcast %jit3A_532 : f32 to vector<8x64x128xf32>
    %select_n3A_535 = arith.select %le3A_530, %broadcast_in_dim3A_533, %broadcast_in_dim3A_534 : vector<8x64x128xi1>, vector<8x64x128xf32>
    %add3A_536 = arith.addf %add3A_527, %select_n3A_535 : vector<8x64x128xf32>
    %slice3A_537 = vector.extract_strided_slice %select_n3A {offsets = [0, 59, 0], sizes = [8, 1, 128], strides = [1, 1, 1]} : vector<8x64x128xf32> to vector<8x1x128xf32>
    %le3A_538 = vector.broadcast %slice3A_537 : vector<8x1x128xf32> to vector<8x64x128xf32>
    %le3A_539 = arith.cmpf ole, %le3A_538, %select_n3A : vector<8x64x128xf32>
    %jit3A_540 = arith.constant 1.000000e+00 : f32
    %jit3A_541 = arith.constant 0.000000e+00 : f32
    %broadcast_in_dim3A_542 = vector.broadcast %jit3A_540 : f32 to vector<8x64x128xf32>
    %broadcast_in_dim3A_543 = vector.broadcast %jit3A_541 : f32 to vector<8x64x128xf32>
    %select_n3A_544 = arith.select %le3A_539, %broadcast_in_dim3A_542, %broadcast_in_dim3A_543 : vector<8x64x128xi1>, vector<8x64x128xf32>
    %add3A_545 = arith.addf %add3A_536, %select_n3A_544 : vector<8x64x128xf32>
    %slice3A_546 = vector.extract_strided_slice %select_n3A {offsets = [0, 60, 0], sizes = [8, 1, 128], strides = [1, 1, 1]} : vector<8x64x128xf32> to vector<8x1x128xf32>
    %le3A_547 = vector.broadcast %slice3A_546 : vector<8x1x128xf32> to vector<8x64x128xf32>
    %le3A_548 = arith.cmpf ole, %le3A_547, %select_n3A : vector<8x64x128xf32>
    %jit3A_549 = arith.constant 1.000000e+00 : f32
    %jit3A_550 = arith.constant 0.000000e+00 : f32
    %broadcast_in_dim3A_551 = vector.broadcast %jit3A_549 : f32 to vector<8x64x128xf32>
    %broadcast_in_dim3A_552 = vector.broadcast %jit3A_550 : f32 to vector<8x64x128xf32>
    %select_n3A_553 = arith.select %le3A_548, %broadcast_in_dim3A_551, %broadcast_in_dim3A_552 : vector<8x64x128xi1>, vector<8x64x128xf32>
    %add3A_554 = arith.addf %add3A_545, %select_n3A_553 : vector<8x64x128xf32>
    %slice3A_555 = vector.extract_strided_slice %select_n3A {offsets = [0, 61, 0], sizes = [8, 1, 128], strides = [1, 1, 1]} : vector<8x64x128xf32> to vector<8x1x128xf32>
    %le3A_556 = vector.broadcast %slice3A_555 : vector<8x1x128xf32> to vector<8x64x128xf32>
    %le3A_557 = arith.cmpf ole, %le3A_556, %select_n3A : vector<8x64x128xf32>
    %jit3A_558 = arith.constant 1.000000e+00 : f32
    %jit3A_559 = arith.constant 0.000000e+00 : f32
    %broadcast_in_dim3A_560 = vector.broadcast %jit3A_558 : f32 to vector<8x64x128xf32>
    %broadcast_in_dim3A_561 = vector.broadcast %jit3A_559 : f32 to vector<8x64x128xf32>
    %select_n3A_562 = arith.select %le3A_557, %broadcast_in_dim3A_560, %broadcast_in_dim3A_561 : vector<8x64x128xi1>, vector<8x64x128xf32>
    %add3A_563 = arith.addf %add3A_554, %select_n3A_562 : vector<8x64x128xf32>
    %slice3A_564 = vector.extract_strided_slice %select_n3A {offsets = [0, 62, 0], sizes = [8, 1, 128], strides = [1, 1, 1]} : vector<8x64x128xf32> to vector<8x1x128xf32>
    %le3A_565 = vector.broadcast %slice3A_564 : vector<8x1x128xf32> to vector<8x64x128xf32>
    %le3A_566 = arith.cmpf ole, %le3A_565, %select_n3A : vector<8x64x128xf32>
    %jit3A_567 = arith.constant 1.000000e+00 : f32
    %jit3A_568 = arith.constant 0.000000e+00 : f32
    %broadcast_in_dim3A_569 = vector.broadcast %jit3A_567 : f32 to vector<8x64x128xf32>
    %broadcast_in_dim3A_570 = vector.broadcast %jit3A_568 : f32 to vector<8x64x128xf32>
    %select_n3A_571 = arith.select %le3A_566, %broadcast_in_dim3A_569, %broadcast_in_dim3A_570 : vector<8x64x128xi1>, vector<8x64x128xf32>
    %add3A_572 = arith.addf %add3A_563, %select_n3A_571 : vector<8x64x128xf32>
    %slice3A_573 = vector.extract_strided_slice %select_n3A {offsets = [0, 63, 0], sizes = [8, 1, 128], strides = [1, 1, 1]} : vector<8x64x128xf32> to vector<8x1x128xf32>
    %le3A_574 = vector.broadcast %slice3A_573 : vector<8x1x128xf32> to vector<8x64x128xf32>
    %le3A_575 = arith.cmpf ole, %le3A_574, %select_n3A : vector<8x64x128xf32>
    %jit3A_576 = arith.constant 1.000000e+00 : f32
    %jit3A_577 = arith.constant 0.000000e+00 : f32
    %broadcast_in_dim3A_578 = vector.broadcast %jit3A_576 : f32 to vector<8x64x128xf32>
    %broadcast_in_dim3A_579 = vector.broadcast %jit3A_577 : f32 to vector<8x64x128xf32>
    %select_n3A_580 = arith.select %le3A_575, %broadcast_in_dim3A_578, %broadcast_in_dim3A_579 : vector<8x64x128xi1>, vector<8x64x128xf32>
    %add3A_581 = arith.addf %add3A_572, %select_n3A_580 : vector<8x64x128xf32>
    %add3A_582 = arith.constant 1.000000e+00 : f32
    %add3A_583 = vector.broadcast %add3A_582 : f32 to vector<8x1x128xf32>
    %add3A_584 = arith.addf %broadcast_in_dim3A, %add3A_583 : vector<8x1x128xf32>
    %mul3A = arith.constant 5.000000e-01 : f32
    %mul3A_585 = vector.broadcast %mul3A : f32 to vector<8x1x128xf32>
    %mul3A_586 = arith.mulf %add3A_584, %mul3A_585 : vector<8x1x128xf32>
    %floor3A = math.floor %mul3A_586 : vector<8x1x128xf32>
    %ge3A = vector.broadcast %floor3A : vector<8x1x128xf32> to vector<8x64x128xf32>
    %ge3A_587 = arith.cmpf oge, %add3A_581, %ge3A : vector<8x64x128xf32>
    %and3A = arith.andi %lt3A_5, %ge3A_587 : vector<8x64x128xi1>
    %jit3A_588 = arith.constant 1.000000e+30 : f32
    %broadcast_in_dim3A_589 = vector.broadcast %jit3A_588 : f32 to vector<8x64x128xf32>
    %select_n3A_590 = arith.select %and3A, %select_n3A, %broadcast_in_dim3A_589 : vector<8x64x128xi1>, vector<8x64x128xf32>
    %reduce_min3A = arith.constant dense<0x7F800000> : vector<8x128xf32>
    %reduce_min3A_591 = vector.multi_reduction <minimumf>, %select_n3A_590, %reduce_min3A [1] : vector<8x64x128xf32> to vector<8x128xf32>
    %broadcast_in_dim3A_592 = vector.shape_cast %reduce_min3A_591 : vector<8x128xf32> to vector<8x1x128xf32>
    %sub3A = vector.broadcast %broadcast_in_dim3A_592 : vector<8x1x128xf32> to vector<8x64x128xf32>
    %sub3A_593 = arith.subf %sub3A, %reshape3A : vector<8x64x128xf32>
    %mul3A_594 = arith.mulf %sub3A_593, %sub3A_593 : vector<8x64x128xf32>
    %reduce_sum3A = arith.constant dense<0.000000e+00> : vector<8x64xf32>
    %reduce_sum3A_595 = vector.multi_reduction <add>, %mul3A_594, %reduce_sum3A [2] : vector<8x64x128xf32> to vector<8x64xf32>
    %broadcast_in_dim3A_596 = vector.shape_cast %reduce_sum3A_595 : vector<8x64xf32> to vector<8x64x1xf32>
    %add3A_597 = arith.constant 9.99999996E-13 : f32
    %add3A_598 = vector.broadcast %add3A_597 : f32 to vector<8x64x1xf32>
    %add3A_599 = arith.addf %broadcast_in_dim3A_596, %add3A_598 : vector<8x64x1xf32>
    %sqrt3A = math.sqrt %add3A_599 : vector<8x64x1xf32>
    %neg3A = arith.constant 0.000000e+00 : f32
    %neg3A_600 = vector.broadcast %neg3A : f32 to vector<8x64x1xf32>
    %neg3A_601 = arith.subf %neg3A_600, %sqrt3A : vector<8x64x1xf32>
    %mul3A_602 = arith.constant 0.0883883461 : f32
    %mul3A_603 = vector.broadcast %mul3A_602 : f32 to vector<8x64x1xf32>
    %mul3A_604 = arith.mulf %neg3A_601, %mul3A_603 : vector<8x64x1xf32>
    %slice3A_605 = vector.extract_strided_slice %lt3A_5 {offsets = [0, 0, 0], sizes = [8, 64, 1], strides = [1, 1, 1]} : vector<8x64x128xi1> to vector<8x64x1xi1>
    %neg3A_606 = arith.constant 0.000000e+00 : f32
    %neg3A_607 = arith.constant 1.000000e+30 : f32
    %neg3A_608 = arith.subf %neg3A_606, %neg3A_607 : f32
    %broadcast_in_dim3A_609 = vector.broadcast %neg3A_608 : f32 to vector<8x64x1xf32>
    %select_n3A_610 = arith.select %slice3A_605, %mul3A_604, %broadcast_in_dim3A_609 : vector<8x64x1xi1>, vector<8x64x1xf32>
    %reduce_max3A = arith.constant dense<0xFF800000> : vector<8x1xf32>
    %reduce_max3A_611 = vector.multi_reduction <maximumf>, %select_n3A_610, %reduce_max3A [1] : vector<8x64x1xf32> to vector<8x1xf32>
    %broadcast_in_dim3A_612 = vector.shape_cast %reduce_max3A_611 : vector<8x1xf32> to vector<8x1x1xf32>
    %sub3A_613 = vector.broadcast %broadcast_in_dim3A_612 : vector<8x1x1xf32> to vector<8x64x1xf32>
    %sub3A_614 = arith.subf %mul3A_604, %sub3A_613 : vector<8x64x1xf32>
    %exp3A = math.exp %sub3A_614 : vector<8x64x1xf32>
    %jit3A_615 = arith.constant 0.000000e+00 : f32
    %broadcast_in_dim3A_616 = vector.broadcast %jit3A_615 : f32 to vector<8x64x1xf32>
    %select_n3A_617 = arith.select %slice3A_605, %exp3A, %broadcast_in_dim3A_616 : vector<8x64x1xi1>, vector<8x64x1xf32>
    %reduce_sum3A_618 = arith.constant dense<0.000000e+00> : vector<8x1xf32>
    %reduce_sum3A_619 = vector.multi_reduction <add>, %select_n3A_617, %reduce_sum3A_618 [1] : vector<8x64x1xf32> to vector<8x1xf32>
    %broadcast_in_dim3A_620 = vector.shape_cast %reduce_sum3A_619 : vector<8x1xf32> to vector<8x1x1xf32>
    %max3A = arith.constant 9.99999996E-13 : f32
    %max3A_621 = vector.broadcast %max3A : f32 to vector<8x1x1xf32>
    %max3A_622 = arith.maximumf %broadcast_in_dim3A_620, %max3A_621 : vector<8x1x1xf32>
    %div3A = vector.broadcast %max3A_622 : vector<8x1x1xf32> to vector<8x64x1xf32>
    %div3A_623 = arith.divf %select_n3A_617, %div3A : vector<8x64x1xf32>
    %mul3A_624 = vector.broadcast %div3A_623 : vector<8x64x1xf32> to vector<8x64x128xf32>
    %mul3A_625 = arith.mulf %reshape3A, %mul3A_624 : vector<8x64x128xf32>
    %reduce_sum3A_626 = arith.constant dense<0.000000e+00> : vector<8x128xf32>
    %reduce_sum3A_627 = vector.multi_reduction <add>, %mul3A_625, %reduce_sum3A_626 [1] : vector<8x64x128xf32> to vector<8x128xf32>
    %get3A_628 = arith.constant 0 : index
    %get3A_629 = arith.constant 0 : index
    %get3A_630 = vector.load %arg3[%get3A_628, %get3A_629] : memref<128x16xf32, #tpu.memory_space<vmem>>, vector<128x16xf32>
    %dot_general3A = arith.constant dense<0.000000e+00> : vector<8x16xf32>
    %dot_general3A_631 = tpu.matmul %reduce_sum3A_627, %get3A_630, %dot_general3A {dimension_numbers = #tpu.dot_dimension_numbers<[1], [0], [0], [1], [0, 0, 1, 1], [], []>, transpose_lhs_hint = false} : vector<8x128xf32>, vector<128x16xf32>, vector<8x16xf32> -> vector<8x16xf32>
    %get3A_632 = arith.constant 0 : index
    %get3A_633 = arith.constant 0 : index
    %get3A_634 = vector.load %arg4[%get3A_632, %get3A_633] : memref<8x16xf32, #tpu.memory_space<vmem>>, vector<1x16xf32>
    %add3A_635 = vector.broadcast %get3A_634 : vector<1x16xf32> to vector<8x16xf32>
    %add3A_636 = arith.addf %dot_general3A_631, %add3A_635 : vector<8x16xf32>
    %max3A_637 = arith.constant 0.000000e+00 : f32
    %max3A_638 = vector.broadcast %max3A_637 : f32 to vector<8x16xf32>
    %max3A_639 = arith.maximumf %add3A_636, %max3A_638 : vector<8x16xf32>
    %swap3A = arith.constant 0 : index
    %swap3A_640 = arith.constant 0 : index
    %swap3A_641 = vector.load %arg5[%swap3A, %swap3A_640] : memref<8x16xf32, #tpu.memory_space<vmem>>, vector<8x16xf32>
    tpu.vector_store %arg5[%swap3A, %swap3A_640], %max3A_639 {strides = array<i32>} : memref<8x16xf32, #tpu.memory_space<vmem>>, vector<8x16xf32>,
    return
  }
  func.func @transform_0(%arg0: i32) -> (i32, i32) {
    %c0_i32 = arith.constant 0 : i32
    %c0_i32_0 = arith.constant 0 : i32
    return %arg0, %c0_i32 : i32, i32
  }
  func.func @transform_1(%arg0: i32) -> (i32, i32) {
    %c0_i32 = arith.constant 0 : i32
    %c0_i32_0 = arith.constant 0 : i32
    return %arg0, %c0_i32 : i32, i32
  }
  func.func @transform_2(%arg0: i32) -> (i32, i32) {
    %c0_i32 = arith.constant 0 : i32
    %c0_i32_0 = arith.constant 0 : i32
    %c0_i32_1 = arith.constant 0 : i32
    return %c0_i32, %c0_i32_0 : i32, i32
  }
  func.func @transform_3(%arg0: i32) -> (i32, i32) {
    %c0_i32 = arith.constant 0 : i32
    %c0_i32_0 = arith.constant 0 : i32
    %c0_i32_1 = arith.constant 0 : i32
    return %c0_i32, %c0_i32_0 : i32, i32
  }
  func.func @transform_4(%arg0: i32) -> (i32, i32) {
    %c0_i32 = arith.constant 0 : i32
    %c0_i32_0 = arith.constant 0 : i32
    return %arg0, %c0_i32 : i32, i32
  }
}

module attributes {stable_mosaic.version = 14 : i64} {
  func.func @_layer_body(%arg0: i32, %arg1: memref<512x16xf32, #tpu.memory_space<vmem>>, %arg2: memref<8x128xf32, #tpu.memory_space<vmem>>, %arg3: memref<16x64xf32, #tpu.memory_space<vmem>>, %arg4: memref<8x64xf32, #tpu.memory_space<vmem>>, %arg5: memref<8x64xf32, #tpu.memory_space<vmem>>) attributes {dimension_semantics = [#tpu.dimension_semantics<arbitrary>], iteration_bounds = array<i64: 1250>, scalar_prefetch = 0 : i64, scratch_operands = 0 : i64, tpu.core_type = #tpu.core_type<tc>, window_params = [{transform_indices = @transform_0, window_bounds = array<i64: 512, 16>}, {transform_indices = @transform_1, window_bounds = array<i64: 8, 128>}, {pipeline_mode = #tpu.pipeline_mode<synchronous>, transform_indices = @transform_2, window_bounds = array<i64: 16, 64>}, {pipeline_mode = #tpu.pipeline_mode<synchronous>, transform_indices = @transform_3, window_bounds = array<i64: 8, 64>}, {transform_indices = @transform_4, window_bounds = array<i64: 8, 64>}]} {
    %get3A = arith.constant 0 : index
    %get3A_0 = arith.constant 0 : index
    %get3A_1 = vector.load %arg1[%get3A, %get3A_0] : memref<512x16xf32, #tpu.memory_space<vmem>>, vector<512x16xf32>
    %reshape3A = vector.shape_cast %get3A_1 : vector<512x16xf32> to vector<8x64x16xf32>
    %get3A_2 = arith.constant 0 : index
    %get3A_3 = arith.constant 0 : index
    %get3A_4 = vector.load %arg2[%get3A_2, %get3A_3] : memref<8x128xf32, #tpu.memory_space<vmem>>, vector<8x128xf32>
    %slice3A = vector.extract_strided_slice %get3A_4 {offsets = [0, 0], sizes = [8, 16], strides = [1, 1]} : vector<8x128xf32> to vector<8x16xf32>
    %broadcast_in_dim3A = vector.shape_cast %slice3A : vector<8x16xf32> to vector<8x1x16xf32>
    %iota3A = tpu.iota {dimensions = array<i32: 1>} : vector<8x64x16xi32>
    %convert_element_type3A = arith.sitofp %iota3A : vector<8x64x16xi32> to vector<8x64x16xf32>
    %lt3A = vector.broadcast %broadcast_in_dim3A : vector<8x1x16xf32> to vector<8x64x16xf32>
    %lt3A_5 = arith.cmpf olt, %convert_element_type3A, %lt3A : vector<8x64x16xf32>
    %jit3A = arith.constant 1.000000e+30 : f32
    %broadcast_in_dim3A_6 = vector.broadcast %jit3A : f32 to vector<8x64x16xf32>
    %select_n3A = arith.select %lt3A_5, %reshape3A, %broadcast_in_dim3A_6 : vector<8x64x16xi1>, vector<8x64x16xf32>
    %broadcast_in_dim3A_7 = arith.constant 0.000000e+00 : f32
    %broadcast_in_dim3A_8 = vector.broadcast %broadcast_in_dim3A_7 : f32 to vector<8x64x16xf32>
    %slice3A_9 = vector.extract_strided_slice %select_n3A {offsets = [0, 0, 0], sizes = [8, 1, 16], strides = [1, 1, 1]} : vector<8x64x16xf32> to vector<8x1x16xf32>
    %le3A = vector.broadcast %slice3A_9 : vector<8x1x16xf32> to vector<8x64x16xf32>
    %le3A_10 = arith.cmpf ole, %le3A, %select_n3A : vector<8x64x16xf32>
    %jit3A_11 = arith.constant 1.000000e+00 : f32
    %jit3A_12 = arith.constant 0.000000e+00 : f32
    %broadcast_in_dim3A_13 = vector.broadcast %jit3A_11 : f32 to vector<8x64x16xf32>
    %broadcast_in_dim3A_14 = vector.broadcast %jit3A_12 : f32 to vector<8x64x16xf32>
    %select_n3A_15 = arith.select %le3A_10, %broadcast_in_dim3A_13, %broadcast_in_dim3A_14 : vector<8x64x16xi1>, vector<8x64x16xf32>
    %add3A = arith.addf %broadcast_in_dim3A_8, %select_n3A_15 : vector<8x64x16xf32>
    %slice3A_16 = vector.extract_strided_slice %select_n3A {offsets = [0, 1, 0], sizes = [8, 1, 16], strides = [1, 1, 1]} : vector<8x64x16xf32> to vector<8x1x16xf32>
    %le3A_17 = vector.broadcast %slice3A_16 : vector<8x1x16xf32> to vector<8x64x16xf32>
    %le3A_18 = arith.cmpf ole, %le3A_17, %select_n3A : vector<8x64x16xf32>
    %jit3A_19 = arith.constant 1.000000e+00 : f32
    %jit3A_20 = arith.constant 0.000000e+00 : f32
    %broadcast_in_dim3A_21 = vector.broadcast %jit3A_19 : f32 to vector<8x64x16xf32>
    %broadcast_in_dim3A_22 = vector.broadcast %jit3A_20 : f32 to vector<8x64x16xf32>
    %select_n3A_23 = arith.select %le3A_18, %broadcast_in_dim3A_21, %broadcast_in_dim3A_22 : vector<8x64x16xi1>, vector<8x64x16xf32>
    %add3A_24 = arith.addf %add3A, %select_n3A_23 : vector<8x64x16xf32>
    %slice3A_25 = vector.extract_strided_slice %select_n3A {offsets = [0, 2, 0], sizes = [8, 1, 16], strides = [1, 1, 1]} : vector<8x64x16xf32> to vector<8x1x16xf32>
    %le3A_26 = vector.broadcast %slice3A_25 : vector<8x1x16xf32> to vector<8x64x16xf32>
    %le3A_27 = arith.cmpf ole, %le3A_26, %select_n3A : vector<8x64x16xf32>
    %jit3A_28 = arith.constant 1.000000e+00 : f32
    %jit3A_29 = arith.constant 0.000000e+00 : f32
    %broadcast_in_dim3A_30 = vector.broadcast %jit3A_28 : f32 to vector<8x64x16xf32>
    %broadcast_in_dim3A_31 = vector.broadcast %jit3A_29 : f32 to vector<8x64x16xf32>
    %select_n3A_32 = arith.select %le3A_27, %broadcast_in_dim3A_30, %broadcast_in_dim3A_31 : vector<8x64x16xi1>, vector<8x64x16xf32>
    %add3A_33 = arith.addf %add3A_24, %select_n3A_32 : vector<8x64x16xf32>
    %slice3A_34 = vector.extract_strided_slice %select_n3A {offsets = [0, 3, 0], sizes = [8, 1, 16], strides = [1, 1, 1]} : vector<8x64x16xf32> to vector<8x1x16xf32>
    %le3A_35 = vector.broadcast %slice3A_34 : vector<8x1x16xf32> to vector<8x64x16xf32>
    %le3A_36 = arith.cmpf ole, %le3A_35, %select_n3A : vector<8x64x16xf32>
    %jit3A_37 = arith.constant 1.000000e+00 : f32
    %jit3A_38 = arith.constant 0.000000e+00 : f32
    %broadcast_in_dim3A_39 = vector.broadcast %jit3A_37 : f32 to vector<8x64x16xf32>
    %broadcast_in_dim3A_40 = vector.broadcast %jit3A_38 : f32 to vector<8x64x16xf32>
    %select_n3A_41 = arith.select %le3A_36, %broadcast_in_dim3A_39, %broadcast_in_dim3A_40 : vector<8x64x16xi1>, vector<8x64x16xf32>
    %add3A_42 = arith.addf %add3A_33, %select_n3A_41 : vector<8x64x16xf32>
    %slice3A_43 = vector.extract_strided_slice %select_n3A {offsets = [0, 4, 0], sizes = [8, 1, 16], strides = [1, 1, 1]} : vector<8x64x16xf32> to vector<8x1x16xf32>
    %le3A_44 = vector.broadcast %slice3A_43 : vector<8x1x16xf32> to vector<8x64x16xf32>
    %le3A_45 = arith.cmpf ole, %le3A_44, %select_n3A : vector<8x64x16xf32>
    %jit3A_46 = arith.constant 1.000000e+00 : f32
    %jit3A_47 = arith.constant 0.000000e+00 : f32
    %broadcast_in_dim3A_48 = vector.broadcast %jit3A_46 : f32 to vector<8x64x16xf32>
    %broadcast_in_dim3A_49 = vector.broadcast %jit3A_47 : f32 to vector<8x64x16xf32>
    %select_n3A_50 = arith.select %le3A_45, %broadcast_in_dim3A_48, %broadcast_in_dim3A_49 : vector<8x64x16xi1>, vector<8x64x16xf32>
    %add3A_51 = arith.addf %add3A_42, %select_n3A_50 : vector<8x64x16xf32>
    %slice3A_52 = vector.extract_strided_slice %select_n3A {offsets = [0, 5, 0], sizes = [8, 1, 16], strides = [1, 1, 1]} : vector<8x64x16xf32> to vector<8x1x16xf32>
    %le3A_53 = vector.broadcast %slice3A_52 : vector<8x1x16xf32> to vector<8x64x16xf32>
    %le3A_54 = arith.cmpf ole, %le3A_53, %select_n3A : vector<8x64x16xf32>
    %jit3A_55 = arith.constant 1.000000e+00 : f32
    %jit3A_56 = arith.constant 0.000000e+00 : f32
    %broadcast_in_dim3A_57 = vector.broadcast %jit3A_55 : f32 to vector<8x64x16xf32>
    %broadcast_in_dim3A_58 = vector.broadcast %jit3A_56 : f32 to vector<8x64x16xf32>
    %select_n3A_59 = arith.select %le3A_54, %broadcast_in_dim3A_57, %broadcast_in_dim3A_58 : vector<8x64x16xi1>, vector<8x64x16xf32>
    %add3A_60 = arith.addf %add3A_51, %select_n3A_59 : vector<8x64x16xf32>
    %slice3A_61 = vector.extract_strided_slice %select_n3A {offsets = [0, 6, 0], sizes = [8, 1, 16], strides = [1, 1, 1]} : vector<8x64x16xf32> to vector<8x1x16xf32>
    %le3A_62 = vector.broadcast %slice3A_61 : vector<8x1x16xf32> to vector<8x64x16xf32>
    %le3A_63 = arith.cmpf ole, %le3A_62, %select_n3A : vector<8x64x16xf32>
    %jit3A_64 = arith.constant 1.000000e+00 : f32
    %jit3A_65 = arith.constant 0.000000e+00 : f32
    %broadcast_in_dim3A_66 = vector.broadcast %jit3A_64 : f32 to vector<8x64x16xf32>
    %broadcast_in_dim3A_67 = vector.broadcast %jit3A_65 : f32 to vector<8x64x16xf32>
    %select_n3A_68 = arith.select %le3A_63, %broadcast_in_dim3A_66, %broadcast_in_dim3A_67 : vector<8x64x16xi1>, vector<8x64x16xf32>
    %add3A_69 = arith.addf %add3A_60, %select_n3A_68 : vector<8x64x16xf32>
    %slice3A_70 = vector.extract_strided_slice %select_n3A {offsets = [0, 7, 0], sizes = [8, 1, 16], strides = [1, 1, 1]} : vector<8x64x16xf32> to vector<8x1x16xf32>
    %le3A_71 = vector.broadcast %slice3A_70 : vector<8x1x16xf32> to vector<8x64x16xf32>
    %le3A_72 = arith.cmpf ole, %le3A_71, %select_n3A : vector<8x64x16xf32>
    %jit3A_73 = arith.constant 1.000000e+00 : f32
    %jit3A_74 = arith.constant 0.000000e+00 : f32
    %broadcast_in_dim3A_75 = vector.broadcast %jit3A_73 : f32 to vector<8x64x16xf32>
    %broadcast_in_dim3A_76 = vector.broadcast %jit3A_74 : f32 to vector<8x64x16xf32>
    %select_n3A_77 = arith.select %le3A_72, %broadcast_in_dim3A_75, %broadcast_in_dim3A_76 : vector<8x64x16xi1>, vector<8x64x16xf32>
    %add3A_78 = arith.addf %add3A_69, %select_n3A_77 : vector<8x64x16xf32>
    %slice3A_79 = vector.extract_strided_slice %select_n3A {offsets = [0, 8, 0], sizes = [8, 1, 16], strides = [1, 1, 1]} : vector<8x64x16xf32> to vector<8x1x16xf32>
    %le3A_80 = vector.broadcast %slice3A_79 : vector<8x1x16xf32> to vector<8x64x16xf32>
    %le3A_81 = arith.cmpf ole, %le3A_80, %select_n3A : vector<8x64x16xf32>
    %jit3A_82 = arith.constant 1.000000e+00 : f32
    %jit3A_83 = arith.constant 0.000000e+00 : f32
    %broadcast_in_dim3A_84 = vector.broadcast %jit3A_82 : f32 to vector<8x64x16xf32>
    %broadcast_in_dim3A_85 = vector.broadcast %jit3A_83 : f32 to vector<8x64x16xf32>
    %select_n3A_86 = arith.select %le3A_81, %broadcast_in_dim3A_84, %broadcast_in_dim3A_85 : vector<8x64x16xi1>, vector<8x64x16xf32>
    %add3A_87 = arith.addf %add3A_78, %select_n3A_86 : vector<8x64x16xf32>
    %slice3A_88 = vector.extract_strided_slice %select_n3A {offsets = [0, 9, 0], sizes = [8, 1, 16], strides = [1, 1, 1]} : vector<8x64x16xf32> to vector<8x1x16xf32>
    %le3A_89 = vector.broadcast %slice3A_88 : vector<8x1x16xf32> to vector<8x64x16xf32>
    %le3A_90 = arith.cmpf ole, %le3A_89, %select_n3A : vector<8x64x16xf32>
    %jit3A_91 = arith.constant 1.000000e+00 : f32
    %jit3A_92 = arith.constant 0.000000e+00 : f32
    %broadcast_in_dim3A_93 = vector.broadcast %jit3A_91 : f32 to vector<8x64x16xf32>
    %broadcast_in_dim3A_94 = vector.broadcast %jit3A_92 : f32 to vector<8x64x16xf32>
    %select_n3A_95 = arith.select %le3A_90, %broadcast_in_dim3A_93, %broadcast_in_dim3A_94 : vector<8x64x16xi1>, vector<8x64x16xf32>
    %add3A_96 = arith.addf %add3A_87, %select_n3A_95 : vector<8x64x16xf32>
    %slice3A_97 = vector.extract_strided_slice %select_n3A {offsets = [0, 10, 0], sizes = [8, 1, 16], strides = [1, 1, 1]} : vector<8x64x16xf32> to vector<8x1x16xf32>
    %le3A_98 = vector.broadcast %slice3A_97 : vector<8x1x16xf32> to vector<8x64x16xf32>
    %le3A_99 = arith.cmpf ole, %le3A_98, %select_n3A : vector<8x64x16xf32>
    %jit3A_100 = arith.constant 1.000000e+00 : f32
    %jit3A_101 = arith.constant 0.000000e+00 : f32
    %broadcast_in_dim3A_102 = vector.broadcast %jit3A_100 : f32 to vector<8x64x16xf32>
    %broadcast_in_dim3A_103 = vector.broadcast %jit3A_101 : f32 to vector<8x64x16xf32>
    %select_n3A_104 = arith.select %le3A_99, %broadcast_in_dim3A_102, %broadcast_in_dim3A_103 : vector<8x64x16xi1>, vector<8x64x16xf32>
    %add3A_105 = arith.addf %add3A_96, %select_n3A_104 : vector<8x64x16xf32>
    %slice3A_106 = vector.extract_strided_slice %select_n3A {offsets = [0, 11, 0], sizes = [8, 1, 16], strides = [1, 1, 1]} : vector<8x64x16xf32> to vector<8x1x16xf32>
    %le3A_107 = vector.broadcast %slice3A_106 : vector<8x1x16xf32> to vector<8x64x16xf32>
    %le3A_108 = arith.cmpf ole, %le3A_107, %select_n3A : vector<8x64x16xf32>
    %jit3A_109 = arith.constant 1.000000e+00 : f32
    %jit3A_110 = arith.constant 0.000000e+00 : f32
    %broadcast_in_dim3A_111 = vector.broadcast %jit3A_109 : f32 to vector<8x64x16xf32>
    %broadcast_in_dim3A_112 = vector.broadcast %jit3A_110 : f32 to vector<8x64x16xf32>
    %select_n3A_113 = arith.select %le3A_108, %broadcast_in_dim3A_111, %broadcast_in_dim3A_112 : vector<8x64x16xi1>, vector<8x64x16xf32>
    %add3A_114 = arith.addf %add3A_105, %select_n3A_113 : vector<8x64x16xf32>
    %slice3A_115 = vector.extract_strided_slice %select_n3A {offsets = [0, 12, 0], sizes = [8, 1, 16], strides = [1, 1, 1]} : vector<8x64x16xf32> to vector<8x1x16xf32>
    %le3A_116 = vector.broadcast %slice3A_115 : vector<8x1x16xf32> to vector<8x64x16xf32>
    %le3A_117 = arith.cmpf ole, %le3A_116, %select_n3A : vector<8x64x16xf32>
    %jit3A_118 = arith.constant 1.000000e+00 : f32
    %jit3A_119 = arith.constant 0.000000e+00 : f32
    %broadcast_in_dim3A_120 = vector.broadcast %jit3A_118 : f32 to vector<8x64x16xf32>
    %broadcast_in_dim3A_121 = vector.broadcast %jit3A_119 : f32 to vector<8x64x16xf32>
    %select_n3A_122 = arith.select %le3A_117, %broadcast_in_dim3A_120, %broadcast_in_dim3A_121 : vector<8x64x16xi1>, vector<8x64x16xf32>
    %add3A_123 = arith.addf %add3A_114, %select_n3A_122 : vector<8x64x16xf32>
    %slice3A_124 = vector.extract_strided_slice %select_n3A {offsets = [0, 13, 0], sizes = [8, 1, 16], strides = [1, 1, 1]} : vector<8x64x16xf32> to vector<8x1x16xf32>
    %le3A_125 = vector.broadcast %slice3A_124 : vector<8x1x16xf32> to vector<8x64x16xf32>
    %le3A_126 = arith.cmpf ole, %le3A_125, %select_n3A : vector<8x64x16xf32>
    %jit3A_127 = arith.constant 1.000000e+00 : f32
    %jit3A_128 = arith.constant 0.000000e+00 : f32
    %broadcast_in_dim3A_129 = vector.broadcast %jit3A_127 : f32 to vector<8x64x16xf32>
    %broadcast_in_dim3A_130 = vector.broadcast %jit3A_128 : f32 to vector<8x64x16xf32>
    %select_n3A_131 = arith.select %le3A_126, %broadcast_in_dim3A_129, %broadcast_in_dim3A_130 : vector<8x64x16xi1>, vector<8x64x16xf32>
    %add3A_132 = arith.addf %add3A_123, %select_n3A_131 : vector<8x64x16xf32>
    %slice3A_133 = vector.extract_strided_slice %select_n3A {offsets = [0, 14, 0], sizes = [8, 1, 16], strides = [1, 1, 1]} : vector<8x64x16xf32> to vector<8x1x16xf32>
    %le3A_134 = vector.broadcast %slice3A_133 : vector<8x1x16xf32> to vector<8x64x16xf32>
    %le3A_135 = arith.cmpf ole, %le3A_134, %select_n3A : vector<8x64x16xf32>
    %jit3A_136 = arith.constant 1.000000e+00 : f32
    %jit3A_137 = arith.constant 0.000000e+00 : f32
    %broadcast_in_dim3A_138 = vector.broadcast %jit3A_136 : f32 to vector<8x64x16xf32>
    %broadcast_in_dim3A_139 = vector.broadcast %jit3A_137 : f32 to vector<8x64x16xf32>
    %select_n3A_140 = arith.select %le3A_135, %broadcast_in_dim3A_138, %broadcast_in_dim3A_139 : vector<8x64x16xi1>, vector<8x64x16xf32>
    %add3A_141 = arith.addf %add3A_132, %select_n3A_140 : vector<8x64x16xf32>
    %slice3A_142 = vector.extract_strided_slice %select_n3A {offsets = [0, 15, 0], sizes = [8, 1, 16], strides = [1, 1, 1]} : vector<8x64x16xf32> to vector<8x1x16xf32>
    %le3A_143 = vector.broadcast %slice3A_142 : vector<8x1x16xf32> to vector<8x64x16xf32>
    %le3A_144 = arith.cmpf ole, %le3A_143, %select_n3A : vector<8x64x16xf32>
    %jit3A_145 = arith.constant 1.000000e+00 : f32
    %jit3A_146 = arith.constant 0.000000e+00 : f32
    %broadcast_in_dim3A_147 = vector.broadcast %jit3A_145 : f32 to vector<8x64x16xf32>
    %broadcast_in_dim3A_148 = vector.broadcast %jit3A_146 : f32 to vector<8x64x16xf32>
    %select_n3A_149 = arith.select %le3A_144, %broadcast_in_dim3A_147, %broadcast_in_dim3A_148 : vector<8x64x16xi1>, vector<8x64x16xf32>
    %add3A_150 = arith.addf %add3A_141, %select_n3A_149 : vector<8x64x16xf32>
    %slice3A_151 = vector.extract_strided_slice %select_n3A {offsets = [0, 16, 0], sizes = [8, 1, 16], strides = [1, 1, 1]} : vector<8x64x16xf32> to vector<8x1x16xf32>
    %le3A_152 = vector.broadcast %slice3A_151 : vector<8x1x16xf32> to vector<8x64x16xf32>
    %le3A_153 = arith.cmpf ole, %le3A_152, %select_n3A : vector<8x64x16xf32>
    %jit3A_154 = arith.constant 1.000000e+00 : f32
    %jit3A_155 = arith.constant 0.000000e+00 : f32
    %broadcast_in_dim3A_156 = vector.broadcast %jit3A_154 : f32 to vector<8x64x16xf32>
    %broadcast_in_dim3A_157 = vector.broadcast %jit3A_155 : f32 to vector<8x64x16xf32>
    %select_n3A_158 = arith.select %le3A_153, %broadcast_in_dim3A_156, %broadcast_in_dim3A_157 : vector<8x64x16xi1>, vector<8x64x16xf32>
    %add3A_159 = arith.addf %add3A_150, %select_n3A_158 : vector<8x64x16xf32>
    %slice3A_160 = vector.extract_strided_slice %select_n3A {offsets = [0, 17, 0], sizes = [8, 1, 16], strides = [1, 1, 1]} : vector<8x64x16xf32> to vector<8x1x16xf32>
    %le3A_161 = vector.broadcast %slice3A_160 : vector<8x1x16xf32> to vector<8x64x16xf32>
    %le3A_162 = arith.cmpf ole, %le3A_161, %select_n3A : vector<8x64x16xf32>
    %jit3A_163 = arith.constant 1.000000e+00 : f32
    %jit3A_164 = arith.constant 0.000000e+00 : f32
    %broadcast_in_dim3A_165 = vector.broadcast %jit3A_163 : f32 to vector<8x64x16xf32>
    %broadcast_in_dim3A_166 = vector.broadcast %jit3A_164 : f32 to vector<8x64x16xf32>
    %select_n3A_167 = arith.select %le3A_162, %broadcast_in_dim3A_165, %broadcast_in_dim3A_166 : vector<8x64x16xi1>, vector<8x64x16xf32>
    %add3A_168 = arith.addf %add3A_159, %select_n3A_167 : vector<8x64x16xf32>
    %slice3A_169 = vector.extract_strided_slice %select_n3A {offsets = [0, 18, 0], sizes = [8, 1, 16], strides = [1, 1, 1]} : vector<8x64x16xf32> to vector<8x1x16xf32>
    %le3A_170 = vector.broadcast %slice3A_169 : vector<8x1x16xf32> to vector<8x64x16xf32>
    %le3A_171 = arith.cmpf ole, %le3A_170, %select_n3A : vector<8x64x16xf32>
    %jit3A_172 = arith.constant 1.000000e+00 : f32
    %jit3A_173 = arith.constant 0.000000e+00 : f32
    %broadcast_in_dim3A_174 = vector.broadcast %jit3A_172 : f32 to vector<8x64x16xf32>
    %broadcast_in_dim3A_175 = vector.broadcast %jit3A_173 : f32 to vector<8x64x16xf32>
    %select_n3A_176 = arith.select %le3A_171, %broadcast_in_dim3A_174, %broadcast_in_dim3A_175 : vector<8x64x16xi1>, vector<8x64x16xf32>
    %add3A_177 = arith.addf %add3A_168, %select_n3A_176 : vector<8x64x16xf32>
    %slice3A_178 = vector.extract_strided_slice %select_n3A {offsets = [0, 19, 0], sizes = [8, 1, 16], strides = [1, 1, 1]} : vector<8x64x16xf32> to vector<8x1x16xf32>
    %le3A_179 = vector.broadcast %slice3A_178 : vector<8x1x16xf32> to vector<8x64x16xf32>
    %le3A_180 = arith.cmpf ole, %le3A_179, %select_n3A : vector<8x64x16xf32>
    %jit3A_181 = arith.constant 1.000000e+00 : f32
    %jit3A_182 = arith.constant 0.000000e+00 : f32
    %broadcast_in_dim3A_183 = vector.broadcast %jit3A_181 : f32 to vector<8x64x16xf32>
    %broadcast_in_dim3A_184 = vector.broadcast %jit3A_182 : f32 to vector<8x64x16xf32>
    %select_n3A_185 = arith.select %le3A_180, %broadcast_in_dim3A_183, %broadcast_in_dim3A_184 : vector<8x64x16xi1>, vector<8x64x16xf32>
    %add3A_186 = arith.addf %add3A_177, %select_n3A_185 : vector<8x64x16xf32>
    %slice3A_187 = vector.extract_strided_slice %select_n3A {offsets = [0, 20, 0], sizes = [8, 1, 16], strides = [1, 1, 1]} : vector<8x64x16xf32> to vector<8x1x16xf32>
    %le3A_188 = vector.broadcast %slice3A_187 : vector<8x1x16xf32> to vector<8x64x16xf32>
    %le3A_189 = arith.cmpf ole, %le3A_188, %select_n3A : vector<8x64x16xf32>
    %jit3A_190 = arith.constant 1.000000e+00 : f32
    %jit3A_191 = arith.constant 0.000000e+00 : f32
    %broadcast_in_dim3A_192 = vector.broadcast %jit3A_190 : f32 to vector<8x64x16xf32>
    %broadcast_in_dim3A_193 = vector.broadcast %jit3A_191 : f32 to vector<8x64x16xf32>
    %select_n3A_194 = arith.select %le3A_189, %broadcast_in_dim3A_192, %broadcast_in_dim3A_193 : vector<8x64x16xi1>, vector<8x64x16xf32>
    %add3A_195 = arith.addf %add3A_186, %select_n3A_194 : vector<8x64x16xf32>
    %slice3A_196 = vector.extract_strided_slice %select_n3A {offsets = [0, 21, 0], sizes = [8, 1, 16], strides = [1, 1, 1]} : vector<8x64x16xf32> to vector<8x1x16xf32>
    %le3A_197 = vector.broadcast %slice3A_196 : vector<8x1x16xf32> to vector<8x64x16xf32>
    %le3A_198 = arith.cmpf ole, %le3A_197, %select_n3A : vector<8x64x16xf32>
    %jit3A_199 = arith.constant 1.000000e+00 : f32
    %jit3A_200 = arith.constant 0.000000e+00 : f32
    %broadcast_in_dim3A_201 = vector.broadcast %jit3A_199 : f32 to vector<8x64x16xf32>
    %broadcast_in_dim3A_202 = vector.broadcast %jit3A_200 : f32 to vector<8x64x16xf32>
    %select_n3A_203 = arith.select %le3A_198, %broadcast_in_dim3A_201, %broadcast_in_dim3A_202 : vector<8x64x16xi1>, vector<8x64x16xf32>
    %add3A_204 = arith.addf %add3A_195, %select_n3A_203 : vector<8x64x16xf32>
    %slice3A_205 = vector.extract_strided_slice %select_n3A {offsets = [0, 22, 0], sizes = [8, 1, 16], strides = [1, 1, 1]} : vector<8x64x16xf32> to vector<8x1x16xf32>
    %le3A_206 = vector.broadcast %slice3A_205 : vector<8x1x16xf32> to vector<8x64x16xf32>
    %le3A_207 = arith.cmpf ole, %le3A_206, %select_n3A : vector<8x64x16xf32>
    %jit3A_208 = arith.constant 1.000000e+00 : f32
    %jit3A_209 = arith.constant 0.000000e+00 : f32
    %broadcast_in_dim3A_210 = vector.broadcast %jit3A_208 : f32 to vector<8x64x16xf32>
    %broadcast_in_dim3A_211 = vector.broadcast %jit3A_209 : f32 to vector<8x64x16xf32>
    %select_n3A_212 = arith.select %le3A_207, %broadcast_in_dim3A_210, %broadcast_in_dim3A_211 : vector<8x64x16xi1>, vector<8x64x16xf32>
    %add3A_213 = arith.addf %add3A_204, %select_n3A_212 : vector<8x64x16xf32>
    %slice3A_214 = vector.extract_strided_slice %select_n3A {offsets = [0, 23, 0], sizes = [8, 1, 16], strides = [1, 1, 1]} : vector<8x64x16xf32> to vector<8x1x16xf32>
    %le3A_215 = vector.broadcast %slice3A_214 : vector<8x1x16xf32> to vector<8x64x16xf32>
    %le3A_216 = arith.cmpf ole, %le3A_215, %select_n3A : vector<8x64x16xf32>
    %jit3A_217 = arith.constant 1.000000e+00 : f32
    %jit3A_218 = arith.constant 0.000000e+00 : f32
    %broadcast_in_dim3A_219 = vector.broadcast %jit3A_217 : f32 to vector<8x64x16xf32>
    %broadcast_in_dim3A_220 = vector.broadcast %jit3A_218 : f32 to vector<8x64x16xf32>
    %select_n3A_221 = arith.select %le3A_216, %broadcast_in_dim3A_219, %broadcast_in_dim3A_220 : vector<8x64x16xi1>, vector<8x64x16xf32>
    %add3A_222 = arith.addf %add3A_213, %select_n3A_221 : vector<8x64x16xf32>
    %slice3A_223 = vector.extract_strided_slice %select_n3A {offsets = [0, 24, 0], sizes = [8, 1, 16], strides = [1, 1, 1]} : vector<8x64x16xf32> to vector<8x1x16xf32>
    %le3A_224 = vector.broadcast %slice3A_223 : vector<8x1x16xf32> to vector<8x64x16xf32>
    %le3A_225 = arith.cmpf ole, %le3A_224, %select_n3A : vector<8x64x16xf32>
    %jit3A_226 = arith.constant 1.000000e+00 : f32
    %jit3A_227 = arith.constant 0.000000e+00 : f32
    %broadcast_in_dim3A_228 = vector.broadcast %jit3A_226 : f32 to vector<8x64x16xf32>
    %broadcast_in_dim3A_229 = vector.broadcast %jit3A_227 : f32 to vector<8x64x16xf32>
    %select_n3A_230 = arith.select %le3A_225, %broadcast_in_dim3A_228, %broadcast_in_dim3A_229 : vector<8x64x16xi1>, vector<8x64x16xf32>
    %add3A_231 = arith.addf %add3A_222, %select_n3A_230 : vector<8x64x16xf32>
    %slice3A_232 = vector.extract_strided_slice %select_n3A {offsets = [0, 25, 0], sizes = [8, 1, 16], strides = [1, 1, 1]} : vector<8x64x16xf32> to vector<8x1x16xf32>
    %le3A_233 = vector.broadcast %slice3A_232 : vector<8x1x16xf32> to vector<8x64x16xf32>
    %le3A_234 = arith.cmpf ole, %le3A_233, %select_n3A : vector<8x64x16xf32>
    %jit3A_235 = arith.constant 1.000000e+00 : f32
    %jit3A_236 = arith.constant 0.000000e+00 : f32
    %broadcast_in_dim3A_237 = vector.broadcast %jit3A_235 : f32 to vector<8x64x16xf32>
    %broadcast_in_dim3A_238 = vector.broadcast %jit3A_236 : f32 to vector<8x64x16xf32>
    %select_n3A_239 = arith.select %le3A_234, %broadcast_in_dim3A_237, %broadcast_in_dim3A_238 : vector<8x64x16xi1>, vector<8x64x16xf32>
    %add3A_240 = arith.addf %add3A_231, %select_n3A_239 : vector<8x64x16xf32>
    %slice3A_241 = vector.extract_strided_slice %select_n3A {offsets = [0, 26, 0], sizes = [8, 1, 16], strides = [1, 1, 1]} : vector<8x64x16xf32> to vector<8x1x16xf32>
    %le3A_242 = vector.broadcast %slice3A_241 : vector<8x1x16xf32> to vector<8x64x16xf32>
    %le3A_243 = arith.cmpf ole, %le3A_242, %select_n3A : vector<8x64x16xf32>
    %jit3A_244 = arith.constant 1.000000e+00 : f32
    %jit3A_245 = arith.constant 0.000000e+00 : f32
    %broadcast_in_dim3A_246 = vector.broadcast %jit3A_244 : f32 to vector<8x64x16xf32>
    %broadcast_in_dim3A_247 = vector.broadcast %jit3A_245 : f32 to vector<8x64x16xf32>
    %select_n3A_248 = arith.select %le3A_243, %broadcast_in_dim3A_246, %broadcast_in_dim3A_247 : vector<8x64x16xi1>, vector<8x64x16xf32>
    %add3A_249 = arith.addf %add3A_240, %select_n3A_248 : vector<8x64x16xf32>
    %slice3A_250 = vector.extract_strided_slice %select_n3A {offsets = [0, 27, 0], sizes = [8, 1, 16], strides = [1, 1, 1]} : vector<8x64x16xf32> to vector<8x1x16xf32>
    %le3A_251 = vector.broadcast %slice3A_250 : vector<8x1x16xf32> to vector<8x64x16xf32>
    %le3A_252 = arith.cmpf ole, %le3A_251, %select_n3A : vector<8x64x16xf32>
    %jit3A_253 = arith.constant 1.000000e+00 : f32
    %jit3A_254 = arith.constant 0.000000e+00 : f32
    %broadcast_in_dim3A_255 = vector.broadcast %jit3A_253 : f32 to vector<8x64x16xf32>
    %broadcast_in_dim3A_256 = vector.broadcast %jit3A_254 : f32 to vector<8x64x16xf32>
    %select_n3A_257 = arith.select %le3A_252, %broadcast_in_dim3A_255, %broadcast_in_dim3A_256 : vector<8x64x16xi1>, vector<8x64x16xf32>
    %add3A_258 = arith.addf %add3A_249, %select_n3A_257 : vector<8x64x16xf32>
    %slice3A_259 = vector.extract_strided_slice %select_n3A {offsets = [0, 28, 0], sizes = [8, 1, 16], strides = [1, 1, 1]} : vector<8x64x16xf32> to vector<8x1x16xf32>
    %le3A_260 = vector.broadcast %slice3A_259 : vector<8x1x16xf32> to vector<8x64x16xf32>
    %le3A_261 = arith.cmpf ole, %le3A_260, %select_n3A : vector<8x64x16xf32>
    %jit3A_262 = arith.constant 1.000000e+00 : f32
    %jit3A_263 = arith.constant 0.000000e+00 : f32
    %broadcast_in_dim3A_264 = vector.broadcast %jit3A_262 : f32 to vector<8x64x16xf32>
    %broadcast_in_dim3A_265 = vector.broadcast %jit3A_263 : f32 to vector<8x64x16xf32>
    %select_n3A_266 = arith.select %le3A_261, %broadcast_in_dim3A_264, %broadcast_in_dim3A_265 : vector<8x64x16xi1>, vector<8x64x16xf32>
    %add3A_267 = arith.addf %add3A_258, %select_n3A_266 : vector<8x64x16xf32>
    %slice3A_268 = vector.extract_strided_slice %select_n3A {offsets = [0, 29, 0], sizes = [8, 1, 16], strides = [1, 1, 1]} : vector<8x64x16xf32> to vector<8x1x16xf32>
    %le3A_269 = vector.broadcast %slice3A_268 : vector<8x1x16xf32> to vector<8x64x16xf32>
    %le3A_270 = arith.cmpf ole, %le3A_269, %select_n3A : vector<8x64x16xf32>
    %jit3A_271 = arith.constant 1.000000e+00 : f32
    %jit3A_272 = arith.constant 0.000000e+00 : f32
    %broadcast_in_dim3A_273 = vector.broadcast %jit3A_271 : f32 to vector<8x64x16xf32>
    %broadcast_in_dim3A_274 = vector.broadcast %jit3A_272 : f32 to vector<8x64x16xf32>
    %select_n3A_275 = arith.select %le3A_270, %broadcast_in_dim3A_273, %broadcast_in_dim3A_274 : vector<8x64x16xi1>, vector<8x64x16xf32>
    %add3A_276 = arith.addf %add3A_267, %select_n3A_275 : vector<8x64x16xf32>
    %slice3A_277 = vector.extract_strided_slice %select_n3A {offsets = [0, 30, 0], sizes = [8, 1, 16], strides = [1, 1, 1]} : vector<8x64x16xf32> to vector<8x1x16xf32>
    %le3A_278 = vector.broadcast %slice3A_277 : vector<8x1x16xf32> to vector<8x64x16xf32>
    %le3A_279 = arith.cmpf ole, %le3A_278, %select_n3A : vector<8x64x16xf32>
    %jit3A_280 = arith.constant 1.000000e+00 : f32
    %jit3A_281 = arith.constant 0.000000e+00 : f32
    %broadcast_in_dim3A_282 = vector.broadcast %jit3A_280 : f32 to vector<8x64x16xf32>
    %broadcast_in_dim3A_283 = vector.broadcast %jit3A_281 : f32 to vector<8x64x16xf32>
    %select_n3A_284 = arith.select %le3A_279, %broadcast_in_dim3A_282, %broadcast_in_dim3A_283 : vector<8x64x16xi1>, vector<8x64x16xf32>
    %add3A_285 = arith.addf %add3A_276, %select_n3A_284 : vector<8x64x16xf32>
    %slice3A_286 = vector.extract_strided_slice %select_n3A {offsets = [0, 31, 0], sizes = [8, 1, 16], strides = [1, 1, 1]} : vector<8x64x16xf32> to vector<8x1x16xf32>
    %le3A_287 = vector.broadcast %slice3A_286 : vector<8x1x16xf32> to vector<8x64x16xf32>
    %le3A_288 = arith.cmpf ole, %le3A_287, %select_n3A : vector<8x64x16xf32>
    %jit3A_289 = arith.constant 1.000000e+00 : f32
    %jit3A_290 = arith.constant 0.000000e+00 : f32
    %broadcast_in_dim3A_291 = vector.broadcast %jit3A_289 : f32 to vector<8x64x16xf32>
    %broadcast_in_dim3A_292 = vector.broadcast %jit3A_290 : f32 to vector<8x64x16xf32>
    %select_n3A_293 = arith.select %le3A_288, %broadcast_in_dim3A_291, %broadcast_in_dim3A_292 : vector<8x64x16xi1>, vector<8x64x16xf32>
    %add3A_294 = arith.addf %add3A_285, %select_n3A_293 : vector<8x64x16xf32>
    %slice3A_295 = vector.extract_strided_slice %select_n3A {offsets = [0, 32, 0], sizes = [8, 1, 16], strides = [1, 1, 1]} : vector<8x64x16xf32> to vector<8x1x16xf32>
    %le3A_296 = vector.broadcast %slice3A_295 : vector<8x1x16xf32> to vector<8x64x16xf32>
    %le3A_297 = arith.cmpf ole, %le3A_296, %select_n3A : vector<8x64x16xf32>
    %jit3A_298 = arith.constant 1.000000e+00 : f32
    %jit3A_299 = arith.constant 0.000000e+00 : f32
    %broadcast_in_dim3A_300 = vector.broadcast %jit3A_298 : f32 to vector<8x64x16xf32>
    %broadcast_in_dim3A_301 = vector.broadcast %jit3A_299 : f32 to vector<8x64x16xf32>
    %select_n3A_302 = arith.select %le3A_297, %broadcast_in_dim3A_300, %broadcast_in_dim3A_301 : vector<8x64x16xi1>, vector<8x64x16xf32>
    %add3A_303 = arith.addf %add3A_294, %select_n3A_302 : vector<8x64x16xf32>
    %slice3A_304 = vector.extract_strided_slice %select_n3A {offsets = [0, 33, 0], sizes = [8, 1, 16], strides = [1, 1, 1]} : vector<8x64x16xf32> to vector<8x1x16xf32>
    %le3A_305 = vector.broadcast %slice3A_304 : vector<8x1x16xf32> to vector<8x64x16xf32>
    %le3A_306 = arith.cmpf ole, %le3A_305, %select_n3A : vector<8x64x16xf32>
    %jit3A_307 = arith.constant 1.000000e+00 : f32
    %jit3A_308 = arith.constant 0.000000e+00 : f32
    %broadcast_in_dim3A_309 = vector.broadcast %jit3A_307 : f32 to vector<8x64x16xf32>
    %broadcast_in_dim3A_310 = vector.broadcast %jit3A_308 : f32 to vector<8x64x16xf32>
    %select_n3A_311 = arith.select %le3A_306, %broadcast_in_dim3A_309, %broadcast_in_dim3A_310 : vector<8x64x16xi1>, vector<8x64x16xf32>
    %add3A_312 = arith.addf %add3A_303, %select_n3A_311 : vector<8x64x16xf32>
    %slice3A_313 = vector.extract_strided_slice %select_n3A {offsets = [0, 34, 0], sizes = [8, 1, 16], strides = [1, 1, 1]} : vector<8x64x16xf32> to vector<8x1x16xf32>
    %le3A_314 = vector.broadcast %slice3A_313 : vector<8x1x16xf32> to vector<8x64x16xf32>
    %le3A_315 = arith.cmpf ole, %le3A_314, %select_n3A : vector<8x64x16xf32>
    %jit3A_316 = arith.constant 1.000000e+00 : f32
    %jit3A_317 = arith.constant 0.000000e+00 : f32
    %broadcast_in_dim3A_318 = vector.broadcast %jit3A_316 : f32 to vector<8x64x16xf32>
    %broadcast_in_dim3A_319 = vector.broadcast %jit3A_317 : f32 to vector<8x64x16xf32>
    %select_n3A_320 = arith.select %le3A_315, %broadcast_in_dim3A_318, %broadcast_in_dim3A_319 : vector<8x64x16xi1>, vector<8x64x16xf32>
    %add3A_321 = arith.addf %add3A_312, %select_n3A_320 : vector<8x64x16xf32>
    %slice3A_322 = vector.extract_strided_slice %select_n3A {offsets = [0, 35, 0], sizes = [8, 1, 16], strides = [1, 1, 1]} : vector<8x64x16xf32> to vector<8x1x16xf32>
    %le3A_323 = vector.broadcast %slice3A_322 : vector<8x1x16xf32> to vector<8x64x16xf32>
    %le3A_324 = arith.cmpf ole, %le3A_323, %select_n3A : vector<8x64x16xf32>
    %jit3A_325 = arith.constant 1.000000e+00 : f32
    %jit3A_326 = arith.constant 0.000000e+00 : f32
    %broadcast_in_dim3A_327 = vector.broadcast %jit3A_325 : f32 to vector<8x64x16xf32>
    %broadcast_in_dim3A_328 = vector.broadcast %jit3A_326 : f32 to vector<8x64x16xf32>
    %select_n3A_329 = arith.select %le3A_324, %broadcast_in_dim3A_327, %broadcast_in_dim3A_328 : vector<8x64x16xi1>, vector<8x64x16xf32>
    %add3A_330 = arith.addf %add3A_321, %select_n3A_329 : vector<8x64x16xf32>
    %slice3A_331 = vector.extract_strided_slice %select_n3A {offsets = [0, 36, 0], sizes = [8, 1, 16], strides = [1, 1, 1]} : vector<8x64x16xf32> to vector<8x1x16xf32>
    %le3A_332 = vector.broadcast %slice3A_331 : vector<8x1x16xf32> to vector<8x64x16xf32>
    %le3A_333 = arith.cmpf ole, %le3A_332, %select_n3A : vector<8x64x16xf32>
    %jit3A_334 = arith.constant 1.000000e+00 : f32
    %jit3A_335 = arith.constant 0.000000e+00 : f32
    %broadcast_in_dim3A_336 = vector.broadcast %jit3A_334 : f32 to vector<8x64x16xf32>
    %broadcast_in_dim3A_337 = vector.broadcast %jit3A_335 : f32 to vector<8x64x16xf32>
    %select_n3A_338 = arith.select %le3A_333, %broadcast_in_dim3A_336, %broadcast_in_dim3A_337 : vector<8x64x16xi1>, vector<8x64x16xf32>
    %add3A_339 = arith.addf %add3A_330, %select_n3A_338 : vector<8x64x16xf32>
    %slice3A_340 = vector.extract_strided_slice %select_n3A {offsets = [0, 37, 0], sizes = [8, 1, 16], strides = [1, 1, 1]} : vector<8x64x16xf32> to vector<8x1x16xf32>
    %le3A_341 = vector.broadcast %slice3A_340 : vector<8x1x16xf32> to vector<8x64x16xf32>
    %le3A_342 = arith.cmpf ole, %le3A_341, %select_n3A : vector<8x64x16xf32>
    %jit3A_343 = arith.constant 1.000000e+00 : f32
    %jit3A_344 = arith.constant 0.000000e+00 : f32
    %broadcast_in_dim3A_345 = vector.broadcast %jit3A_343 : f32 to vector<8x64x16xf32>
    %broadcast_in_dim3A_346 = vector.broadcast %jit3A_344 : f32 to vector<8x64x16xf32>
    %select_n3A_347 = arith.select %le3A_342, %broadcast_in_dim3A_345, %broadcast_in_dim3A_346 : vector<8x64x16xi1>, vector<8x64x16xf32>
    %add3A_348 = arith.addf %add3A_339, %select_n3A_347 : vector<8x64x16xf32>
    %slice3A_349 = vector.extract_strided_slice %select_n3A {offsets = [0, 38, 0], sizes = [8, 1, 16], strides = [1, 1, 1]} : vector<8x64x16xf32> to vector<8x1x16xf32>
    %le3A_350 = vector.broadcast %slice3A_349 : vector<8x1x16xf32> to vector<8x64x16xf32>
    %le3A_351 = arith.cmpf ole, %le3A_350, %select_n3A : vector<8x64x16xf32>
    %jit3A_352 = arith.constant 1.000000e+00 : f32
    %jit3A_353 = arith.constant 0.000000e+00 : f32
    %broadcast_in_dim3A_354 = vector.broadcast %jit3A_352 : f32 to vector<8x64x16xf32>
    %broadcast_in_dim3A_355 = vector.broadcast %jit3A_353 : f32 to vector<8x64x16xf32>
    %select_n3A_356 = arith.select %le3A_351, %broadcast_in_dim3A_354, %broadcast_in_dim3A_355 : vector<8x64x16xi1>, vector<8x64x16xf32>
    %add3A_357 = arith.addf %add3A_348, %select_n3A_356 : vector<8x64x16xf32>
    %slice3A_358 = vector.extract_strided_slice %select_n3A {offsets = [0, 39, 0], sizes = [8, 1, 16], strides = [1, 1, 1]} : vector<8x64x16xf32> to vector<8x1x16xf32>
    %le3A_359 = vector.broadcast %slice3A_358 : vector<8x1x16xf32> to vector<8x64x16xf32>
    %le3A_360 = arith.cmpf ole, %le3A_359, %select_n3A : vector<8x64x16xf32>
    %jit3A_361 = arith.constant 1.000000e+00 : f32
    %jit3A_362 = arith.constant 0.000000e+00 : f32
    %broadcast_in_dim3A_363 = vector.broadcast %jit3A_361 : f32 to vector<8x64x16xf32>
    %broadcast_in_dim3A_364 = vector.broadcast %jit3A_362 : f32 to vector<8x64x16xf32>
    %select_n3A_365 = arith.select %le3A_360, %broadcast_in_dim3A_363, %broadcast_in_dim3A_364 : vector<8x64x16xi1>, vector<8x64x16xf32>
    %add3A_366 = arith.addf %add3A_357, %select_n3A_365 : vector<8x64x16xf32>
    %slice3A_367 = vector.extract_strided_slice %select_n3A {offsets = [0, 40, 0], sizes = [8, 1, 16], strides = [1, 1, 1]} : vector<8x64x16xf32> to vector<8x1x16xf32>
    %le3A_368 = vector.broadcast %slice3A_367 : vector<8x1x16xf32> to vector<8x64x16xf32>
    %le3A_369 = arith.cmpf ole, %le3A_368, %select_n3A : vector<8x64x16xf32>
    %jit3A_370 = arith.constant 1.000000e+00 : f32
    %jit3A_371 = arith.constant 0.000000e+00 : f32
    %broadcast_in_dim3A_372 = vector.broadcast %jit3A_370 : f32 to vector<8x64x16xf32>
    %broadcast_in_dim3A_373 = vector.broadcast %jit3A_371 : f32 to vector<8x64x16xf32>
    %select_n3A_374 = arith.select %le3A_369, %broadcast_in_dim3A_372, %broadcast_in_dim3A_373 : vector<8x64x16xi1>, vector<8x64x16xf32>
    %add3A_375 = arith.addf %add3A_366, %select_n3A_374 : vector<8x64x16xf32>
    %slice3A_376 = vector.extract_strided_slice %select_n3A {offsets = [0, 41, 0], sizes = [8, 1, 16], strides = [1, 1, 1]} : vector<8x64x16xf32> to vector<8x1x16xf32>
    %le3A_377 = vector.broadcast %slice3A_376 : vector<8x1x16xf32> to vector<8x64x16xf32>
    %le3A_378 = arith.cmpf ole, %le3A_377, %select_n3A : vector<8x64x16xf32>
    %jit3A_379 = arith.constant 1.000000e+00 : f32
    %jit3A_380 = arith.constant 0.000000e+00 : f32
    %broadcast_in_dim3A_381 = vector.broadcast %jit3A_379 : f32 to vector<8x64x16xf32>
    %broadcast_in_dim3A_382 = vector.broadcast %jit3A_380 : f32 to vector<8x64x16xf32>
    %select_n3A_383 = arith.select %le3A_378, %broadcast_in_dim3A_381, %broadcast_in_dim3A_382 : vector<8x64x16xi1>, vector<8x64x16xf32>
    %add3A_384 = arith.addf %add3A_375, %select_n3A_383 : vector<8x64x16xf32>
    %slice3A_385 = vector.extract_strided_slice %select_n3A {offsets = [0, 42, 0], sizes = [8, 1, 16], strides = [1, 1, 1]} : vector<8x64x16xf32> to vector<8x1x16xf32>
    %le3A_386 = vector.broadcast %slice3A_385 : vector<8x1x16xf32> to vector<8x64x16xf32>
    %le3A_387 = arith.cmpf ole, %le3A_386, %select_n3A : vector<8x64x16xf32>
    %jit3A_388 = arith.constant 1.000000e+00 : f32
    %jit3A_389 = arith.constant 0.000000e+00 : f32
    %broadcast_in_dim3A_390 = vector.broadcast %jit3A_388 : f32 to vector<8x64x16xf32>
    %broadcast_in_dim3A_391 = vector.broadcast %jit3A_389 : f32 to vector<8x64x16xf32>
    %select_n3A_392 = arith.select %le3A_387, %broadcast_in_dim3A_390, %broadcast_in_dim3A_391 : vector<8x64x16xi1>, vector<8x64x16xf32>
    %add3A_393 = arith.addf %add3A_384, %select_n3A_392 : vector<8x64x16xf32>
    %slice3A_394 = vector.extract_strided_slice %select_n3A {offsets = [0, 43, 0], sizes = [8, 1, 16], strides = [1, 1, 1]} : vector<8x64x16xf32> to vector<8x1x16xf32>
    %le3A_395 = vector.broadcast %slice3A_394 : vector<8x1x16xf32> to vector<8x64x16xf32>
    %le3A_396 = arith.cmpf ole, %le3A_395, %select_n3A : vector<8x64x16xf32>
    %jit3A_397 = arith.constant 1.000000e+00 : f32
    %jit3A_398 = arith.constant 0.000000e+00 : f32
    %broadcast_in_dim3A_399 = vector.broadcast %jit3A_397 : f32 to vector<8x64x16xf32>
    %broadcast_in_dim3A_400 = vector.broadcast %jit3A_398 : f32 to vector<8x64x16xf32>
    %select_n3A_401 = arith.select %le3A_396, %broadcast_in_dim3A_399, %broadcast_in_dim3A_400 : vector<8x64x16xi1>, vector<8x64x16xf32>
    %add3A_402 = arith.addf %add3A_393, %select_n3A_401 : vector<8x64x16xf32>
    %slice3A_403 = vector.extract_strided_slice %select_n3A {offsets = [0, 44, 0], sizes = [8, 1, 16], strides = [1, 1, 1]} : vector<8x64x16xf32> to vector<8x1x16xf32>
    %le3A_404 = vector.broadcast %slice3A_403 : vector<8x1x16xf32> to vector<8x64x16xf32>
    %le3A_405 = arith.cmpf ole, %le3A_404, %select_n3A : vector<8x64x16xf32>
    %jit3A_406 = arith.constant 1.000000e+00 : f32
    %jit3A_407 = arith.constant 0.000000e+00 : f32
    %broadcast_in_dim3A_408 = vector.broadcast %jit3A_406 : f32 to vector<8x64x16xf32>
    %broadcast_in_dim3A_409 = vector.broadcast %jit3A_407 : f32 to vector<8x64x16xf32>
    %select_n3A_410 = arith.select %le3A_405, %broadcast_in_dim3A_408, %broadcast_in_dim3A_409 : vector<8x64x16xi1>, vector<8x64x16xf32>
    %add3A_411 = arith.addf %add3A_402, %select_n3A_410 : vector<8x64x16xf32>
    %slice3A_412 = vector.extract_strided_slice %select_n3A {offsets = [0, 45, 0], sizes = [8, 1, 16], strides = [1, 1, 1]} : vector<8x64x16xf32> to vector<8x1x16xf32>
    %le3A_413 = vector.broadcast %slice3A_412 : vector<8x1x16xf32> to vector<8x64x16xf32>
    %le3A_414 = arith.cmpf ole, %le3A_413, %select_n3A : vector<8x64x16xf32>
    %jit3A_415 = arith.constant 1.000000e+00 : f32
    %jit3A_416 = arith.constant 0.000000e+00 : f32
    %broadcast_in_dim3A_417 = vector.broadcast %jit3A_415 : f32 to vector<8x64x16xf32>
    %broadcast_in_dim3A_418 = vector.broadcast %jit3A_416 : f32 to vector<8x64x16xf32>
    %select_n3A_419 = arith.select %le3A_414, %broadcast_in_dim3A_417, %broadcast_in_dim3A_418 : vector<8x64x16xi1>, vector<8x64x16xf32>
    %add3A_420 = arith.addf %add3A_411, %select_n3A_419 : vector<8x64x16xf32>
    %slice3A_421 = vector.extract_strided_slice %select_n3A {offsets = [0, 46, 0], sizes = [8, 1, 16], strides = [1, 1, 1]} : vector<8x64x16xf32> to vector<8x1x16xf32>
    %le3A_422 = vector.broadcast %slice3A_421 : vector<8x1x16xf32> to vector<8x64x16xf32>
    %le3A_423 = arith.cmpf ole, %le3A_422, %select_n3A : vector<8x64x16xf32>
    %jit3A_424 = arith.constant 1.000000e+00 : f32
    %jit3A_425 = arith.constant 0.000000e+00 : f32
    %broadcast_in_dim3A_426 = vector.broadcast %jit3A_424 : f32 to vector<8x64x16xf32>
    %broadcast_in_dim3A_427 = vector.broadcast %jit3A_425 : f32 to vector<8x64x16xf32>
    %select_n3A_428 = arith.select %le3A_423, %broadcast_in_dim3A_426, %broadcast_in_dim3A_427 : vector<8x64x16xi1>, vector<8x64x16xf32>
    %add3A_429 = arith.addf %add3A_420, %select_n3A_428 : vector<8x64x16xf32>
    %slice3A_430 = vector.extract_strided_slice %select_n3A {offsets = [0, 47, 0], sizes = [8, 1, 16], strides = [1, 1, 1]} : vector<8x64x16xf32> to vector<8x1x16xf32>
    %le3A_431 = vector.broadcast %slice3A_430 : vector<8x1x16xf32> to vector<8x64x16xf32>
    %le3A_432 = arith.cmpf ole, %le3A_431, %select_n3A : vector<8x64x16xf32>
    %jit3A_433 = arith.constant 1.000000e+00 : f32
    %jit3A_434 = arith.constant 0.000000e+00 : f32
    %broadcast_in_dim3A_435 = vector.broadcast %jit3A_433 : f32 to vector<8x64x16xf32>
    %broadcast_in_dim3A_436 = vector.broadcast %jit3A_434 : f32 to vector<8x64x16xf32>
    %select_n3A_437 = arith.select %le3A_432, %broadcast_in_dim3A_435, %broadcast_in_dim3A_436 : vector<8x64x16xi1>, vector<8x64x16xf32>
    %add3A_438 = arith.addf %add3A_429, %select_n3A_437 : vector<8x64x16xf32>
    %slice3A_439 = vector.extract_strided_slice %select_n3A {offsets = [0, 48, 0], sizes = [8, 1, 16], strides = [1, 1, 1]} : vector<8x64x16xf32> to vector<8x1x16xf32>
    %le3A_440 = vector.broadcast %slice3A_439 : vector<8x1x16xf32> to vector<8x64x16xf32>
    %le3A_441 = arith.cmpf ole, %le3A_440, %select_n3A : vector<8x64x16xf32>
    %jit3A_442 = arith.constant 1.000000e+00 : f32
    %jit3A_443 = arith.constant 0.000000e+00 : f32
    %broadcast_in_dim3A_444 = vector.broadcast %jit3A_442 : f32 to vector<8x64x16xf32>
    %broadcast_in_dim3A_445 = vector.broadcast %jit3A_443 : f32 to vector<8x64x16xf32>
    %select_n3A_446 = arith.select %le3A_441, %broadcast_in_dim3A_444, %broadcast_in_dim3A_445 : vector<8x64x16xi1>, vector<8x64x16xf32>
    %add3A_447 = arith.addf %add3A_438, %select_n3A_446 : vector<8x64x16xf32>
    %slice3A_448 = vector.extract_strided_slice %select_n3A {offsets = [0, 49, 0], sizes = [8, 1, 16], strides = [1, 1, 1]} : vector<8x64x16xf32> to vector<8x1x16xf32>
    %le3A_449 = vector.broadcast %slice3A_448 : vector<8x1x16xf32> to vector<8x64x16xf32>
    %le3A_450 = arith.cmpf ole, %le3A_449, %select_n3A : vector<8x64x16xf32>
    %jit3A_451 = arith.constant 1.000000e+00 : f32
    %jit3A_452 = arith.constant 0.000000e+00 : f32
    %broadcast_in_dim3A_453 = vector.broadcast %jit3A_451 : f32 to vector<8x64x16xf32>
    %broadcast_in_dim3A_454 = vector.broadcast %jit3A_452 : f32 to vector<8x64x16xf32>
    %select_n3A_455 = arith.select %le3A_450, %broadcast_in_dim3A_453, %broadcast_in_dim3A_454 : vector<8x64x16xi1>, vector<8x64x16xf32>
    %add3A_456 = arith.addf %add3A_447, %select_n3A_455 : vector<8x64x16xf32>
    %slice3A_457 = vector.extract_strided_slice %select_n3A {offsets = [0, 50, 0], sizes = [8, 1, 16], strides = [1, 1, 1]} : vector<8x64x16xf32> to vector<8x1x16xf32>
    %le3A_458 = vector.broadcast %slice3A_457 : vector<8x1x16xf32> to vector<8x64x16xf32>
    %le3A_459 = arith.cmpf ole, %le3A_458, %select_n3A : vector<8x64x16xf32>
    %jit3A_460 = arith.constant 1.000000e+00 : f32
    %jit3A_461 = arith.constant 0.000000e+00 : f32
    %broadcast_in_dim3A_462 = vector.broadcast %jit3A_460 : f32 to vector<8x64x16xf32>
    %broadcast_in_dim3A_463 = vector.broadcast %jit3A_461 : f32 to vector<8x64x16xf32>
    %select_n3A_464 = arith.select %le3A_459, %broadcast_in_dim3A_462, %broadcast_in_dim3A_463 : vector<8x64x16xi1>, vector<8x64x16xf32>
    %add3A_465 = arith.addf %add3A_456, %select_n3A_464 : vector<8x64x16xf32>
    %slice3A_466 = vector.extract_strided_slice %select_n3A {offsets = [0, 51, 0], sizes = [8, 1, 16], strides = [1, 1, 1]} : vector<8x64x16xf32> to vector<8x1x16xf32>
    %le3A_467 = vector.broadcast %slice3A_466 : vector<8x1x16xf32> to vector<8x64x16xf32>
    %le3A_468 = arith.cmpf ole, %le3A_467, %select_n3A : vector<8x64x16xf32>
    %jit3A_469 = arith.constant 1.000000e+00 : f32
    %jit3A_470 = arith.constant 0.000000e+00 : f32
    %broadcast_in_dim3A_471 = vector.broadcast %jit3A_469 : f32 to vector<8x64x16xf32>
    %broadcast_in_dim3A_472 = vector.broadcast %jit3A_470 : f32 to vector<8x64x16xf32>
    %select_n3A_473 = arith.select %le3A_468, %broadcast_in_dim3A_471, %broadcast_in_dim3A_472 : vector<8x64x16xi1>, vector<8x64x16xf32>
    %add3A_474 = arith.addf %add3A_465, %select_n3A_473 : vector<8x64x16xf32>
    %slice3A_475 = vector.extract_strided_slice %select_n3A {offsets = [0, 52, 0], sizes = [8, 1, 16], strides = [1, 1, 1]} : vector<8x64x16xf32> to vector<8x1x16xf32>
    %le3A_476 = vector.broadcast %slice3A_475 : vector<8x1x16xf32> to vector<8x64x16xf32>
    %le3A_477 = arith.cmpf ole, %le3A_476, %select_n3A : vector<8x64x16xf32>
    %jit3A_478 = arith.constant 1.000000e+00 : f32
    %jit3A_479 = arith.constant 0.000000e+00 : f32
    %broadcast_in_dim3A_480 = vector.broadcast %jit3A_478 : f32 to vector<8x64x16xf32>
    %broadcast_in_dim3A_481 = vector.broadcast %jit3A_479 : f32 to vector<8x64x16xf32>
    %select_n3A_482 = arith.select %le3A_477, %broadcast_in_dim3A_480, %broadcast_in_dim3A_481 : vector<8x64x16xi1>, vector<8x64x16xf32>
    %add3A_483 = arith.addf %add3A_474, %select_n3A_482 : vector<8x64x16xf32>
    %slice3A_484 = vector.extract_strided_slice %select_n3A {offsets = [0, 53, 0], sizes = [8, 1, 16], strides = [1, 1, 1]} : vector<8x64x16xf32> to vector<8x1x16xf32>
    %le3A_485 = vector.broadcast %slice3A_484 : vector<8x1x16xf32> to vector<8x64x16xf32>
    %le3A_486 = arith.cmpf ole, %le3A_485, %select_n3A : vector<8x64x16xf32>
    %jit3A_487 = arith.constant 1.000000e+00 : f32
    %jit3A_488 = arith.constant 0.000000e+00 : f32
    %broadcast_in_dim3A_489 = vector.broadcast %jit3A_487 : f32 to vector<8x64x16xf32>
    %broadcast_in_dim3A_490 = vector.broadcast %jit3A_488 : f32 to vector<8x64x16xf32>
    %select_n3A_491 = arith.select %le3A_486, %broadcast_in_dim3A_489, %broadcast_in_dim3A_490 : vector<8x64x16xi1>, vector<8x64x16xf32>
    %add3A_492 = arith.addf %add3A_483, %select_n3A_491 : vector<8x64x16xf32>
    %slice3A_493 = vector.extract_strided_slice %select_n3A {offsets = [0, 54, 0], sizes = [8, 1, 16], strides = [1, 1, 1]} : vector<8x64x16xf32> to vector<8x1x16xf32>
    %le3A_494 = vector.broadcast %slice3A_493 : vector<8x1x16xf32> to vector<8x64x16xf32>
    %le3A_495 = arith.cmpf ole, %le3A_494, %select_n3A : vector<8x64x16xf32>
    %jit3A_496 = arith.constant 1.000000e+00 : f32
    %jit3A_497 = arith.constant 0.000000e+00 : f32
    %broadcast_in_dim3A_498 = vector.broadcast %jit3A_496 : f32 to vector<8x64x16xf32>
    %broadcast_in_dim3A_499 = vector.broadcast %jit3A_497 : f32 to vector<8x64x16xf32>
    %select_n3A_500 = arith.select %le3A_495, %broadcast_in_dim3A_498, %broadcast_in_dim3A_499 : vector<8x64x16xi1>, vector<8x64x16xf32>
    %add3A_501 = arith.addf %add3A_492, %select_n3A_500 : vector<8x64x16xf32>
    %slice3A_502 = vector.extract_strided_slice %select_n3A {offsets = [0, 55, 0], sizes = [8, 1, 16], strides = [1, 1, 1]} : vector<8x64x16xf32> to vector<8x1x16xf32>
    %le3A_503 = vector.broadcast %slice3A_502 : vector<8x1x16xf32> to vector<8x64x16xf32>
    %le3A_504 = arith.cmpf ole, %le3A_503, %select_n3A : vector<8x64x16xf32>
    %jit3A_505 = arith.constant 1.000000e+00 : f32
    %jit3A_506 = arith.constant 0.000000e+00 : f32
    %broadcast_in_dim3A_507 = vector.broadcast %jit3A_505 : f32 to vector<8x64x16xf32>
    %broadcast_in_dim3A_508 = vector.broadcast %jit3A_506 : f32 to vector<8x64x16xf32>
    %select_n3A_509 = arith.select %le3A_504, %broadcast_in_dim3A_507, %broadcast_in_dim3A_508 : vector<8x64x16xi1>, vector<8x64x16xf32>
    %add3A_510 = arith.addf %add3A_501, %select_n3A_509 : vector<8x64x16xf32>
    %slice3A_511 = vector.extract_strided_slice %select_n3A {offsets = [0, 56, 0], sizes = [8, 1, 16], strides = [1, 1, 1]} : vector<8x64x16xf32> to vector<8x1x16xf32>
    %le3A_512 = vector.broadcast %slice3A_511 : vector<8x1x16xf32> to vector<8x64x16xf32>
    %le3A_513 = arith.cmpf ole, %le3A_512, %select_n3A : vector<8x64x16xf32>
    %jit3A_514 = arith.constant 1.000000e+00 : f32
    %jit3A_515 = arith.constant 0.000000e+00 : f32
    %broadcast_in_dim3A_516 = vector.broadcast %jit3A_514 : f32 to vector<8x64x16xf32>
    %broadcast_in_dim3A_517 = vector.broadcast %jit3A_515 : f32 to vector<8x64x16xf32>
    %select_n3A_518 = arith.select %le3A_513, %broadcast_in_dim3A_516, %broadcast_in_dim3A_517 : vector<8x64x16xi1>, vector<8x64x16xf32>
    %add3A_519 = arith.addf %add3A_510, %select_n3A_518 : vector<8x64x16xf32>
    %slice3A_520 = vector.extract_strided_slice %select_n3A {offsets = [0, 57, 0], sizes = [8, 1, 16], strides = [1, 1, 1]} : vector<8x64x16xf32> to vector<8x1x16xf32>
    %le3A_521 = vector.broadcast %slice3A_520 : vector<8x1x16xf32> to vector<8x64x16xf32>
    %le3A_522 = arith.cmpf ole, %le3A_521, %select_n3A : vector<8x64x16xf32>
    %jit3A_523 = arith.constant 1.000000e+00 : f32
    %jit3A_524 = arith.constant 0.000000e+00 : f32
    %broadcast_in_dim3A_525 = vector.broadcast %jit3A_523 : f32 to vector<8x64x16xf32>
    %broadcast_in_dim3A_526 = vector.broadcast %jit3A_524 : f32 to vector<8x64x16xf32>
    %select_n3A_527 = arith.select %le3A_522, %broadcast_in_dim3A_525, %broadcast_in_dim3A_526 : vector<8x64x16xi1>, vector<8x64x16xf32>
    %add3A_528 = arith.addf %add3A_519, %select_n3A_527 : vector<8x64x16xf32>
    %slice3A_529 = vector.extract_strided_slice %select_n3A {offsets = [0, 58, 0], sizes = [8, 1, 16], strides = [1, 1, 1]} : vector<8x64x16xf32> to vector<8x1x16xf32>
    %le3A_530 = vector.broadcast %slice3A_529 : vector<8x1x16xf32> to vector<8x64x16xf32>
    %le3A_531 = arith.cmpf ole, %le3A_530, %select_n3A : vector<8x64x16xf32>
    %jit3A_532 = arith.constant 1.000000e+00 : f32
    %jit3A_533 = arith.constant 0.000000e+00 : f32
    %broadcast_in_dim3A_534 = vector.broadcast %jit3A_532 : f32 to vector<8x64x16xf32>
    %broadcast_in_dim3A_535 = vector.broadcast %jit3A_533 : f32 to vector<8x64x16xf32>
    %select_n3A_536 = arith.select %le3A_531, %broadcast_in_dim3A_534, %broadcast_in_dim3A_535 : vector<8x64x16xi1>, vector<8x64x16xf32>
    %add3A_537 = arith.addf %add3A_528, %select_n3A_536 : vector<8x64x16xf32>
    %slice3A_538 = vector.extract_strided_slice %select_n3A {offsets = [0, 59, 0], sizes = [8, 1, 16], strides = [1, 1, 1]} : vector<8x64x16xf32> to vector<8x1x16xf32>
    %le3A_539 = vector.broadcast %slice3A_538 : vector<8x1x16xf32> to vector<8x64x16xf32>
    %le3A_540 = arith.cmpf ole, %le3A_539, %select_n3A : vector<8x64x16xf32>
    %jit3A_541 = arith.constant 1.000000e+00 : f32
    %jit3A_542 = arith.constant 0.000000e+00 : f32
    %broadcast_in_dim3A_543 = vector.broadcast %jit3A_541 : f32 to vector<8x64x16xf32>
    %broadcast_in_dim3A_544 = vector.broadcast %jit3A_542 : f32 to vector<8x64x16xf32>
    %select_n3A_545 = arith.select %le3A_540, %broadcast_in_dim3A_543, %broadcast_in_dim3A_544 : vector<8x64x16xi1>, vector<8x64x16xf32>
    %add3A_546 = arith.addf %add3A_537, %select_n3A_545 : vector<8x64x16xf32>
    %slice3A_547 = vector.extract_strided_slice %select_n3A {offsets = [0, 60, 0], sizes = [8, 1, 16], strides = [1, 1, 1]} : vector<8x64x16xf32> to vector<8x1x16xf32>
    %le3A_548 = vector.broadcast %slice3A_547 : vector<8x1x16xf32> to vector<8x64x16xf32>
    %le3A_549 = arith.cmpf ole, %le3A_548, %select_n3A : vector<8x64x16xf32>
    %jit3A_550 = arith.constant 1.000000e+00 : f32
    %jit3A_551 = arith.constant 0.000000e+00 : f32
    %broadcast_in_dim3A_552 = vector.broadcast %jit3A_550 : f32 to vector<8x64x16xf32>
    %broadcast_in_dim3A_553 = vector.broadcast %jit3A_551 : f32 to vector<8x64x16xf32>
    %select_n3A_554 = arith.select %le3A_549, %broadcast_in_dim3A_552, %broadcast_in_dim3A_553 : vector<8x64x16xi1>, vector<8x64x16xf32>
    %add3A_555 = arith.addf %add3A_546, %select_n3A_554 : vector<8x64x16xf32>
    %slice3A_556 = vector.extract_strided_slice %select_n3A {offsets = [0, 61, 0], sizes = [8, 1, 16], strides = [1, 1, 1]} : vector<8x64x16xf32> to vector<8x1x16xf32>
    %le3A_557 = vector.broadcast %slice3A_556 : vector<8x1x16xf32> to vector<8x64x16xf32>
    %le3A_558 = arith.cmpf ole, %le3A_557, %select_n3A : vector<8x64x16xf32>
    %jit3A_559 = arith.constant 1.000000e+00 : f32
    %jit3A_560 = arith.constant 0.000000e+00 : f32
    %broadcast_in_dim3A_561 = vector.broadcast %jit3A_559 : f32 to vector<8x64x16xf32>
    %broadcast_in_dim3A_562 = vector.broadcast %jit3A_560 : f32 to vector<8x64x16xf32>
    %select_n3A_563 = arith.select %le3A_558, %broadcast_in_dim3A_561, %broadcast_in_dim3A_562 : vector<8x64x16xi1>, vector<8x64x16xf32>
    %add3A_564 = arith.addf %add3A_555, %select_n3A_563 : vector<8x64x16xf32>
    %slice3A_565 = vector.extract_strided_slice %select_n3A {offsets = [0, 62, 0], sizes = [8, 1, 16], strides = [1, 1, 1]} : vector<8x64x16xf32> to vector<8x1x16xf32>
    %le3A_566 = vector.broadcast %slice3A_565 : vector<8x1x16xf32> to vector<8x64x16xf32>
    %le3A_567 = arith.cmpf ole, %le3A_566, %select_n3A : vector<8x64x16xf32>
    %jit3A_568 = arith.constant 1.000000e+00 : f32
    %jit3A_569 = arith.constant 0.000000e+00 : f32
    %broadcast_in_dim3A_570 = vector.broadcast %jit3A_568 : f32 to vector<8x64x16xf32>
    %broadcast_in_dim3A_571 = vector.broadcast %jit3A_569 : f32 to vector<8x64x16xf32>
    %select_n3A_572 = arith.select %le3A_567, %broadcast_in_dim3A_570, %broadcast_in_dim3A_571 : vector<8x64x16xi1>, vector<8x64x16xf32>
    %add3A_573 = arith.addf %add3A_564, %select_n3A_572 : vector<8x64x16xf32>
    %slice3A_574 = vector.extract_strided_slice %select_n3A {offsets = [0, 63, 0], sizes = [8, 1, 16], strides = [1, 1, 1]} : vector<8x64x16xf32> to vector<8x1x16xf32>
    %le3A_575 = vector.broadcast %slice3A_574 : vector<8x1x16xf32> to vector<8x64x16xf32>
    %le3A_576 = arith.cmpf ole, %le3A_575, %select_n3A : vector<8x64x16xf32>
    %jit3A_577 = arith.constant 1.000000e+00 : f32
    %jit3A_578 = arith.constant 0.000000e+00 : f32
    %broadcast_in_dim3A_579 = vector.broadcast %jit3A_577 : f32 to vector<8x64x16xf32>
    %broadcast_in_dim3A_580 = vector.broadcast %jit3A_578 : f32 to vector<8x64x16xf32>
    %select_n3A_581 = arith.select %le3A_576, %broadcast_in_dim3A_579, %broadcast_in_dim3A_580 : vector<8x64x16xi1>, vector<8x64x16xf32>
    %add3A_582 = arith.addf %add3A_573, %select_n3A_581 : vector<8x64x16xf32>
    %add3A_583 = arith.constant 1.000000e+00 : f32
    %add3A_584 = vector.broadcast %add3A_583 : f32 to vector<8x1x16xf32>
    %add3A_585 = arith.addf %broadcast_in_dim3A, %add3A_584 : vector<8x1x16xf32>
    %mul3A = arith.constant 5.000000e-01 : f32
    %mul3A_586 = vector.broadcast %mul3A : f32 to vector<8x1x16xf32>
    %mul3A_587 = arith.mulf %add3A_585, %mul3A_586 : vector<8x1x16xf32>
    %floor3A = math.floor %mul3A_587 : vector<8x1x16xf32>
    %ge3A = vector.broadcast %floor3A : vector<8x1x16xf32> to vector<8x64x16xf32>
    %ge3A_588 = arith.cmpf oge, %add3A_582, %ge3A : vector<8x64x16xf32>
    %and3A = arith.andi %lt3A_5, %ge3A_588 : vector<8x64x16xi1>
    %jit3A_589 = arith.constant 1.000000e+30 : f32
    %broadcast_in_dim3A_590 = vector.broadcast %jit3A_589 : f32 to vector<8x64x16xf32>
    %select_n3A_591 = arith.select %and3A, %select_n3A, %broadcast_in_dim3A_590 : vector<8x64x16xi1>, vector<8x64x16xf32>
    %reduce_min3A = arith.constant dense<0x7F800000> : vector<8x16xf32>
    %reduce_min3A_592 = vector.multi_reduction <minimumf>, %select_n3A_591, %reduce_min3A [1] : vector<8x64x16xf32> to vector<8x16xf32>
    %broadcast_in_dim3A_593 = vector.shape_cast %reduce_min3A_592 : vector<8x16xf32> to vector<8x1x16xf32>
    %sub3A = vector.broadcast %broadcast_in_dim3A_593 : vector<8x1x16xf32> to vector<8x64x16xf32>
    %sub3A_594 = arith.subf %sub3A, %reshape3A : vector<8x64x16xf32>
    %mul3A_595 = arith.mulf %sub3A_594, %sub3A_594 : vector<8x64x16xf32>
    %reduce_sum3A = arith.constant dense<0.000000e+00> : vector<8x64xf32>
    %reduce_sum3A_596 = vector.multi_reduction <add>, %mul3A_595, %reduce_sum3A [2] : vector<8x64x16xf32> to vector<8x64xf32>
    %broadcast_in_dim3A_597 = vector.shape_cast %reduce_sum3A_596 : vector<8x64xf32> to vector<8x64x1xf32>
    %add3A_598 = arith.constant 9.99999996E-13 : f32
    %add3A_599 = vector.broadcast %add3A_598 : f32 to vector<8x64x1xf32>
    %add3A_600 = arith.addf %broadcast_in_dim3A_597, %add3A_599 : vector<8x64x1xf32>
    %sqrt3A = math.sqrt %add3A_600 : vector<8x64x1xf32>
    %neg3A = arith.constant 0.000000e+00 : f32
    %neg3A_601 = vector.broadcast %neg3A : f32 to vector<8x64x1xf32>
    %neg3A_602 = arith.subf %neg3A_601, %sqrt3A : vector<8x64x1xf32>
    %mul3A_603 = arith.constant 2.500000e-01 : f32
    %mul3A_604 = vector.broadcast %mul3A_603 : f32 to vector<8x64x1xf32>
    %mul3A_605 = arith.mulf %neg3A_602, %mul3A_604 : vector<8x64x1xf32>
    %slice3A_606 = vector.extract_strided_slice %lt3A_5 {offsets = [0, 0, 0], sizes = [8, 64, 1], strides = [1, 1, 1]} : vector<8x64x16xi1> to vector<8x64x1xi1>
    %neg3A_607 = arith.constant 0.000000e+00 : f32
    %neg3A_608 = arith.constant 1.000000e+30 : f32
    %neg3A_609 = arith.subf %neg3A_607, %neg3A_608 : f32
    %broadcast_in_dim3A_610 = vector.broadcast %neg3A_609 : f32 to vector<8x64x1xf32>
    %select_n3A_611 = arith.select %slice3A_606, %mul3A_605, %broadcast_in_dim3A_610 : vector<8x64x1xi1>, vector<8x64x1xf32>
    %reduce_max3A = arith.constant dense<0xFF800000> : vector<8x1xf32>
    %reduce_max3A_612 = vector.multi_reduction <maximumf>, %select_n3A_611, %reduce_max3A [1] : vector<8x64x1xf32> to vector<8x1xf32>
    %broadcast_in_dim3A_613 = vector.shape_cast %reduce_max3A_612 : vector<8x1xf32> to vector<8x1x1xf32>
    %sub3A_614 = vector.broadcast %broadcast_in_dim3A_613 : vector<8x1x1xf32> to vector<8x64x1xf32>
    %sub3A_615 = arith.subf %mul3A_605, %sub3A_614 : vector<8x64x1xf32>
    %exp3A = math.exp %sub3A_615 : vector<8x64x1xf32>
    %jit3A_616 = arith.constant 0.000000e+00 : f32
    %broadcast_in_dim3A_617 = vector.broadcast %jit3A_616 : f32 to vector<8x64x1xf32>
    %select_n3A_618 = arith.select %slice3A_606, %exp3A, %broadcast_in_dim3A_617 : vector<8x64x1xi1>, vector<8x64x1xf32>
    %reduce_sum3A_619 = arith.constant dense<0.000000e+00> : vector<8x1xf32>
    %reduce_sum3A_620 = vector.multi_reduction <add>, %select_n3A_618, %reduce_sum3A_619 [1] : vector<8x64x1xf32> to vector<8x1xf32>
    %broadcast_in_dim3A_621 = vector.shape_cast %reduce_sum3A_620 : vector<8x1xf32> to vector<8x1x1xf32>
    %max3A = arith.constant 9.99999996E-13 : f32
    %max3A_622 = vector.broadcast %max3A : f32 to vector<8x1x1xf32>
    %max3A_623 = arith.maximumf %broadcast_in_dim3A_621, %max3A_622 : vector<8x1x1xf32>
    %div3A = vector.broadcast %max3A_623 : vector<8x1x1xf32> to vector<8x64x1xf32>
    %div3A_624 = arith.divf %select_n3A_618, %div3A : vector<8x64x1xf32>
    %mul3A_625 = vector.broadcast %div3A_624 : vector<8x64x1xf32> to vector<8x64x16xf32>
    %mul3A_626 = arith.mulf %reshape3A, %mul3A_625 : vector<8x64x16xf32>
    %reduce_sum3A_627 = arith.constant dense<0.000000e+00> : vector<8x16xf32>
    %reduce_sum3A_628 = vector.multi_reduction <add>, %mul3A_626, %reduce_sum3A_627 [1] : vector<8x64x16xf32> to vector<8x16xf32>
    %get3A_629 = arith.constant 0 : index
    %get3A_630 = arith.constant 0 : index
    %get3A_631 = vector.load %arg3[%get3A_629, %get3A_630] : memref<16x64xf32, #tpu.memory_space<vmem>>, vector<16x64xf32>
    %dot_general3A = arith.constant dense<0.000000e+00> : vector<8x64xf32>
    %dot_general3A_632 = tpu.matmul %reduce_sum3A_628, %get3A_631, %dot_general3A {dimension_numbers = #tpu.dot_dimension_numbers<[1], [0], [0], [1], [0, 0, 1, 1], [], []>, transpose_lhs_hint = false} : vector<8x16xf32>, vector<16x64xf32>, vector<8x64xf32> -> vector<8x64xf32>
    %get3A_633 = arith.constant 0 : index
    %get3A_634 = arith.constant 0 : index
    %get3A_635 = vector.load %arg4[%get3A_633, %get3A_634] : memref<8x64xf32, #tpu.memory_space<vmem>>, vector<1x64xf32>
    %add3A_636 = vector.broadcast %get3A_635 : vector<1x64xf32> to vector<8x64xf32>
    %add3A_637 = arith.addf %dot_general3A_632, %add3A_636 : vector<8x64xf32>
    %swap3A = arith.constant 0 : index
    %swap3A_638 = arith.constant 0 : index
    %swap3A_639 = vector.load %arg5[%swap3A, %swap3A_638] : memref<8x64xf32, #tpu.memory_space<vmem>>, vector<8x64xf32>
    tpu.vector_store %arg5[%swap3A, %swap3A_638], %add3A_637 {strides = array<i32>} : memref<8x64xf32, #tpu.memory_space<vmem>>, vector<8x64xf32>,
    return
  }
  func.func @transform_0(%arg0: i32) -> (i32, i32) {
    %c0_i32 = arith.constant 0 : i32
    %c0_i32_0 = arith.constant 0 : i32
    return %arg0, %c0_i32 : i32, i32
  }
  func.func @transform_1(%arg0: i32) -> (i32, i32) {
    %c0_i32 = arith.constant 0 : i32
    %c0_i32_0 = arith.constant 0 : i32
    return %arg0, %c0_i32 : i32, i32
  }
  func.func @transform_2(%arg0: i32) -> (i32, i32) {
    %c0_i32 = arith.constant 0 : i32
    %c0_i32_0 = arith.constant 0 : i32
    %c0_i32_1 = arith.constant 0 : i32
    return %c0_i32, %c0_i32_0 : i32, i32
  }
  func.func @transform_3(%arg0: i32) -> (i32, i32) {
    %c0_i32 = arith.constant 0 : i32
    %c0_i32_0 = arith.constant 0 : i32
    %c0_i32_1 = arith.constant 0 : i32
    return %c0_i32, %c0_i32_0 : i32, i32
  }
  func.func @transform_4(%arg0: i32) -> (i32, i32) {
    %c0_i32 = arith.constant 0 : i32
    %c0_i32_0 = arith.constant 0 : i32
    return %arg0, %c0_i32 : i32, i32
  }
}

</mosaic_0001>

<sc_bundles>
// kernel: gather_offload_async_start.1
scs
__scs_entry_jumppad:
0x0: {  	(pc) =	sbr.rel $0x88, $3  }
0x1: {  	(tag) =	ssettag $0x0;
	lr =	simm.s32 $0x1  }
0x2: {  	[smem:$0x3F9B] =	sst lr;
	_ =	strace $0xD0000000  }
0x3: {  	_ = 	snop  }
0x4: {  	_ = 	snop  }
0x5: {  	_ = 	snop  }
0x6: {  	_ = 	snop  }
0x7: {  	_ = 	snop  }
__scs_overlays_trampoline_lowered:
0x8: {  	[smem:$0x3FAA] =	sst s0  }
0x9: {  	[smem:$0x3FAB] =	sst s1  }
0xa: {  	[smem:$0x3FAC] =	sst s2  }
0xb: {  	[smem:$0x3FAD] =	sst s3  }
0xc: {  	[smem:$0x3FAE] =	sst s4  }
0xd: {  	[smem:$0x3FAF] =	sst s5  }
0xe: {  	[smem:$0x3FB0] =	sst s6  }
0xf: {  	[smem:$0x3FB1] =	sst s7  }
0x10: {  	[smem:$0x3FB2] =	sst s8  }
0x11: {  	[smem:$0x3FB3] =	sst s9;
	s0 =	simm.s32 @!p0 $0x0  }
0x12: {  	s1 =	sld [smem:$0x3F99];
	s0 =	simm.s32 @p0 $0x1  }
0x13: {  	[smem:$0x3FB4] =	sst s0;
	s0 =	simm.s32 @!p1 $0x0  }
0x14: {  	s2 =	sld [smem:$0x3F98];
	s0 =	simm.s32 @p1 $0x1  }
0x15: {  	[smem:$0x3FB5] =	sst s0;
	s0 =	simm.s32 @!p2 $0x0  }
0x16: {  	s3 =	sld [smem:$0x3FDB];
	s0 =	simm.s32 @p2 $0x1  }
0x17: {  	s4 =	simm.s32 $0x1BF5;
	[smem:$0x3FB7] =	sst s0  }
0x18: {  	s0 =	sld [smem:$0x3F9A];
	_ =	swait.ge [sflag:s4], $0x0  }
0x19: {  	s7 =	sld [smem:$0x3F9B]  }
0x1a: {  	s8 =	sadd.s32 $0xFFFFE003, lr  }
0x1b: {  	s9 =	sadd.s32 $0xFFFFFEF7, lr;
	s5 =	simm.s32 $0xFFFFFFFF;
	p2 =	slt.u32 s8, $0xFFFFF086  }
0x1c: {  	p1 =	slt.u32 s9, $0xF7A;
	s5 =	simm.s32 @!p2 $0x0  }
0x1d: {  	s5 =	simm.s32 @p1 $0x1;
	p0 =	seq.s32 s7, s2  }
0x1e: {  	s7 =	smul.u32 @!p0 $0xF7A, s2;
	p2 =	seq.s32 @!p0 s5, $0x0  }
0x1f: {  	s9 =	smul.u32 $0xF7A, s1;
	s8 =	simm.s32 @!p0 $0x1BF5;
	p2 =	por !p2, p0  }
0x20: {  	[sflag:s8] =	ssyncset.s32 @!p0 $0xFFFFF086;
	s6 =	sadd.s32 @!p0 s3, s7;
	s7 =	simm.s32 @!p0 $0x108  }
0x21: {  	s3 =	sadd.s32 s3, s9;
	s6 =	sadd.s32 @!p0 $0x88, s6;
	s7 =	simm.s32 @p2 $0x1082  }
0x22: {  	[simem:s7], [sflag:s8] =	dma.local @!p0 [hbm:s6], $0xF7A  }
0x23: {  	s9 =	sor.u32 $0xD0000000, s2;
	s6 =	simm.s32 $0x108;
	_ =	swait.ge @!p0 [sflag:s8], $0x0  }
0x24: {  	s3 =	sadd.s32 $0x88, s3;
	s6 =	simm.s32 @!p1 $0x1082;
	[sflag:s4] =	ssyncset.s32 $0xFFFFF086  }
0x25: {  	[simem:s6], [sflag:s4] =	dma.local [hbm:s3], $0xF7A  }
0x26: {  	[smem:$0x3F9B] =	sst s1;
	(tag) =	ssettag s2;
	_ =	strace s9  }
0x27: {  	s1 =	sld [smem:$0x3FAB]  }
0x28: {  	s2 =	sld [smem:$0x3FAC]  }
0x29: {  	s4 =	sld [smem:$0x3FAE]  }
0x2a: {  	p0 =	seq.s32 s5, $0x0;
	s5 =	sld [smem:$0x3FAF]  }
0x2b: {  	s6 =	sld [smem:$0x3FB0]  }
0x2c: {  	s7 =	sld [smem:$0x3FB1]  }
0x2d: {  	s3 =	simm.s32 $0x108;
	s8 =	sld [smem:$0x3FB2]  }
0x2e: {  	s3 =	simm.s32 @!p0 $0x1082;
	s9 =	sld [smem:$0x3FB3]  }
0x2f: {  	lr =	sadd.s32 s0, s3;
	s0 =	sld [smem:$0x3FAA]  }
0x30: {  	s3 =	sld [smem:$0x3FAD]  }
0x31: {  	[smem:$0x3FB6] =	sst s10  }
0x32: {  	s10 =	sld [smem:$0x3FB4];
	_ =	sdelay $0x3  }
0x33: {  	p0 =	seq.s32 s10, $0x1;
	s10 =	sld [smem:$0x3FB6];
	_ =	sdelay $0x3  }
0x34: {  	[smem:$0x3FB6] =	sst s10  }
0x35: {  	s10 =	sld [smem:$0x3FB5];
	_ =	sdelay $0x3  }
0x36: {  	p1 =	seq.s32 s10, $0x1;
	s10 =	sld [smem:$0x3FB6];
	_ =	sdelay $0x3  }
0x37: {  	[smem:$0x3FB6] =	sst s10  }
0x38: {  	s10 =	sld [smem:$0x3FB7]  }
0x39: {  	_ = 	snop;
	(pc) =	sbr.ind lr, $3  }
0x3a: {  	_ = 	snop  }
0x3b: {  	_ = 	snop  }
0x3c: {  	p2 =	seq.s32 s10, $0x1;
	s10 =	sld [smem:$0x3FB6]  }
0x3d: {  	_ =	shalt  }
0x3e: {  	_ =	shalt  }
0x3f: {  	_ =	shalt  }
0x40: {  	_ =	shalt  }
0x41: {  	_ =	shalt  }
0x42: {  	_ =	shalt  }
0x43: {  	_ =	shalt  }
0x44: {  	_ =	shalt  }
0x45: {  	_ =	shalt  }
0x46: {  	_ =	shalt  }
0x47: {  	_ =	shalt  }
0x48: {  	_ =	shalt  }
0x49: {  	_ =	shalt  }
0x4a: {  	_ =	shalt  }
0x4b: {  	_ =	shalt  }
0x4c: {  	_ =	shalt  }
0x4d: {  	_ =	shalt  }
0x4e: {  	_ =	shalt  }
0x4f: {  	_ =	shalt  }
0x50: {  	_ =	shalt  }
0x51: {  	_ =	shalt  }
0x52: {  	_ =	shalt  }
0x53: {  	_ =	shalt  }
0x54: {  	_ =	shalt  }
0x55: {  	_ =	shalt  }
0x56: {  	_ =	shalt  }
0x57: {  	_ =	shalt  }
0x58: {  	_ =	shalt  }
0x59: {  	_ =	shalt  }
0x5a: {  	_ =	shalt  }
0x5b: {  	_ =	shalt  }
0x5c: {  	_ =	shalt  }
0x5d: {  	_ =	shalt  }
0x5e: {  	_ =	shalt  }
0x5f: {  	_ =	shalt  }
0x60: {  	_ =	shalt  }
0x61: {  	_ =	shalt  }
0x62: {  	_ =	shalt  }
0x63: {  	_ =	shalt  }
0x64: {  	_ =	shalt  }
0x65: {  	_ =	shalt  }
0x66: {  	_ =	shalt  }
0x67: {  	_ =	shalt  }
0x68: {  	_ =	shalt  }
0x69: {  	_ =	shalt  }
0x6a: {  	_ =	shalt  }
0x6b: {  	_ =	shalt  }
0x6c: {  	_ =	shalt  }
0x6d: {  	_ =	shalt  }
0x6e: {  	_ =	shalt  }
0x6f: {  	_ =	shalt  }
0x70: {  	_ =	shalt  }
0x71: {  	_ =	shalt  }
0x72: {  	_ =	shalt  }
0x73: {  	_ =	shalt  }
0x74: {  	_ =	shalt  }
0x75: {  	_ =	shalt  }
0x76: {  	_ =	shalt  }
0x77: {  	_ =	shalt  }
0x78: {  	_ =	shalt  }
0x79: {  	_ =	shalt  }
0x7a: {  	_ =	shalt  }
0x7b: {  	_ =	shalt  }
0x7c: {  	_ =	shalt  }
0x7d: {  	_ =	shalt  }
0x7e: {  	_ =	shalt  }
0x7f: {  	_ =	shalt  }
0x80: {  	_ =	shalt  }
0x81: {  	_ =	shalt  }
0x82: {  	_ =	shalt  }
0x83: {  	_ =	shalt  }
0x84: {  	_ =	shalt  }
0x85: {  	_ =	shalt  }
0x86: {  	_ =	shalt  }
0x87: {  	_ =	shalt  }
.Lfunc_end0:
.L_simem_size_0:
called_computation.2_lowered:
.L_overlay_start_0:
0x88: {  	s2 =	sld [smem:$0x3FD9]  }
0x89: {  	s3 =	sld [smem:$0x3FFE];
	_ =	sdelay $0x1  }
0x8a: {  	s1 =	srdreg.scid  }
0x8b: {  	s0 =	sand.u32 $0x1, s1  }
0x8c: {  	s16 =	sshll.u32 s0, $0xA;
	s2 =	sadd.s32 s3, s2  }
0x8d: {  	s2 =	sadd.s32 s2, s16  }
0x8e: {  	[smem:$0x3FC2] =	sst s2  }
0x8f: {  	_ = 	snop  }
0x90: {  	(tm) =	ssettm $0x1  }
0x91: {  	s17 =	sld [smem:$0x3FFB];
	_ =	sdelay $0x3  }
0x92: {  	_ =	strace s17  }
0x93: {  	s2 =	sld [smem:$0x3FFC];
	_ =	sdelay $0x3  }
0x94: {  	_ =	strace s2  }
0x95: {  	s2 =	sld [smem:$0x3FFD];
	_ =	sdelay $0x3  }
0x96: {  	_ =	strace s2  }
0x97: {  	_ =	strace $0x8FFFFFFF  }
0x98: {  	s18 =	sld [smem:$0x3FDB];
	_ =	sdelay $0x1  }
0x99: {  	s19 =	simm.s32 $_scs_section_size  }
0x9a: {  	s4 =	simm.s32 $_size__tile_overlayer_lowered;
	s5 =	simm.s32 $_tile_overlayer_lowered  }
0x9b: {  	s22 =	simm.s32 $0x1BFF;
	s21 =	sshll.u32 s5, $0x1;
	s2 =	sadd.s32 s19, s18  }
0x9c: {  	s6 =	simm.s32 $0x0;
	s20 =	sshll.u32 s4, $0x1;
	s4 =	sadd.s32 s21, s2  }
0x9d: {  	[timem:s6], [sflag:s22] =	dma.local [hbm:s4], s20  }
0x9e: {  	_ =	swait.ge [sflag:s22], s20  }
0x9f: {  	s3 =	ssub.s32 $0x0, s20;
	[sflag:s22] =	ssyncset.done $0x0  }
0xa0: {  	[sflag:s22] =	ssyncadd.s32 s3;
	_ =	sdelay $0x1  }
0xa1: {  	s23 =	simm.s32 $0x1B8B  }
0xa2: {  	_ =	swait.ge [sflag:s23], $0x1  }
0xa3: {  	[sflag:s23] =	ssyncset.done $0x0  }
0xa4: {  	s25 =	simm.s32 $0x1B8E;
	s24 =	sld [smem:$0x3FFE];
	[sflag:s23] =	ssyncadd.s32 $0xFFFFFFFF  }
0xa5: {  	s26 =	simm.s32 $execute0_lowered;
	[smem:$0x3FD2] =	sst s25  }
0xa6: {  	s4 =	sshll.u32 s26, $0x1;
	_ =	strace $0x8000004C;
	[dreg:$0x1] =	wrdreg $0xFFFFFFFF  }
0xa7: {  	s28 =	simm.s32 $_size_execute0_lowered;
	s2 =	sadd.s32 s2, s4;
	[dreg:$0x0] =	wrdreg $0x0  }
0xa8: {  	s4 =	sshll.u32 s28, $0x1;
	[dreg:$0x2] =	wrdreg s2  }
0xa9: {  	[dreg:$0x3] =	wrdreg s4  }
0xaa: {  	[dreg:$0x4] =	wrdreg $0xC0  }
0xab: {  	_ =	task [dreg:s6], $0x5FFFF  }
0xac: {  	[dreg:$0x1] =	wrdreg $0xFFFFFFFF  }
0xad: {  	[dreg:$0x0] =	wrdreg $0x60  }
0xae: {  	[dreg:$0x2] =	wrdreg s24  }
0xaf: {  	[dreg:$0x3] =	wrdreg $0x9  }
0xb0: {  	_ =	task.clear_ibuf [dreg:s6], $0x4FFFF;
	_ =	strace $0x9000004C  }
0xb1: {  	s29 =	simm.s32 $0x9;
	_ =	strace $0x8000004E  }
0xb2: {  	_ =	swait.ge [sflag:s29], $0x1  }
0xb3: {  	[sflag:s29] =	ssyncadd.s32 $0xFFFFFFFF  }
0xb4: {  	_ =	strace $0x9000004E  }
0xb5: {  	_ =	sfence  }
0xb6: {  	s30 =	sld [smem:$0x0];
	_ =	sdelay $0x2  }
0xb7: {  	s31 =	sshll.u32 s1, $0xD;
	s1 =	sshrl.u32 s1, $0x2  }
0xb8: {  	s3 =	sand.u32 $0x4000, s31;
	s1 =	sadd.s32 s1, s30  }
0xb9: {  	s0 =	sor.u32 s3, s0;
	s1 =	sshll.u32 s1, $0x11  }
0xba: {  	s0 =	sor.u32 s1, s0  }
0xbb: {  	s0 =	sadd.s32 $0x8F2B, s0  }
0xbc: {  	[sflag:s0] =	ssyncadd.remote.s32 $0x1  }
0xbd: {  	_ =	sfence.sel $0xFFFF  }
0xbe: {  	[dreg:$0x0] =	wrdreg $0xFFFFFFFF;
	(pc) =	sbr.abs _section_cstart, $3  }
0xbf: {  	[dreg:$0x1] =	wrdreg $0xFFFFFFFF  }
0xc0: {  	_ =	task.clear_ibuf [dreg:s6], $0x2FFFF;
	_ =	strace $0x9FFFFFFF  }
0xc1: {  	(tm) =	ssettm $0x7FFFFFFF  }
tec
execute0_lowered:
.L_overlay_start_1:
0x0: {  	(tag) =	ssettag $0x1  }
0x1: {  	s2 =	rddreg [dreg:$0x0]  }
0x2: {  	s0 =	rddreg [dreg:$0x1];
	s1 =	stileid.u32  }
0x3: {  	s3 =	srdreg.scid;
	_ =	strace $0x8000004D;
	s4 =	simm.s32 $0x1  }
0x4: {  	s7 =	simm.s32 $0x1;
	s8 =	simm.s32 $0x1;
	s9 =	simm.s32 $0x3  }
0x5: {  	s10 =	simm.s32 $0x0;
	s5 =	sand.u32 $0x1, s3;
	s6 =	sshll.u32 s1, $0x1  }
0x6: {  	s13 =	simm.s32 $0x0;
	s12 =	simm.s32 $0x0;
	s5 =	sor.u32 s6, s5  }
.Ltmp0:
0x7: {  	[sflag:s4] =	ssyncpa.u1 $0x0;
	p0 =	slt.u32 s5, $0x9;
	(pc) =	sbr.rel .LBB2_1-.Ltmp0, $4  }
0x8: {  	s6 =	simm.s32 $0x2;
	s7 =	simm.s32 @!p0 $0x0;
	p0 =	sne.s32 s5, $0x8  }
0x9: {  	[sflag:s6] =	ssyncpa.u1 $0x0;
	s5 =	smul.u32 $0xFA0, s5;
	s8 =	simm.s32 @!p0 $0x0  }
0xa: {  	s3 =	sadd.s32 $0xA000, s2;
	[sflag:s9] =	ssyncpa.u1 $0x0;
	s7 =	sadd.s32 s8, s7  }
0xb: {  	vm0 =	vmmov $0xffff;
	s8 =	sadd.s32 $0xF000, s2;
	s11 =	smov.u32 s5;
	s9 =	sadd.s32 $0x1, s7  }
.LBB2_4:
0xc: {  	v2 =	vnsel vm1, $0x0, v2  }
0xd: {  	vm1 =	vgt.s32 v0, $0x0;
	v2 =	vmin.u32 v2, $0x270FF  }
0xe: {  	v0 =	vnsel vm1, $0x0, v0  }
0xf: {  	v0 =	vmin.u32 v0, $0x270FF  }
0x10: {  	[tilespmem:s18], [sflag:$0x1] =	stream.indirect_vreg.gather [hbm4b:s2+s10], $0x1, v1, vm0, $0x4038;
	[tilespmem:$0x3E80] =	vst v63  }
0x11: {  	(ifvalue) =	ssetifvalue $0x7FFFFFFF  }
0x12: {  	[tilespmem:s15], [sflag:$0x1] =	stream.indirect_vreg.gather [hbm4b:s2+s10], $0x1, v2, vm0, $0x4038;
	[tilespmem:$0x3E80] =	vst v63  }
0x13: {  	s29 =	sadd.s32 $0x10, s15;
	(ifvalue) =	ssetifvalue $0x7FFFFFFF  }
0x14: {  	[tilespmem:s29], [sflag:$0x1] =	stream.indirect_vreg.gather [hbm4b:s2+s10], $0x1, v0, vm0, $0x4038;
	[tilespmem:$0x3E80] =	vst v63  }
0x15: {  	_ =	swait.ge [sflag:s4], $0xFA0  }
0x16: {  	s30 =	sshrl.u32 s13, $0x3;
	[sflag:s4] =	ssyncset.done $0x0  }
0x17: {  	s31 =	sand.u32 $0x7, s13;
	s15 =	sadd.s32 s8, s30;
	[sflag:s4] =	ssyncadd.s32 $0xFFFFF060  }
0x18: {  	[hbm4b:s15+s31] =	stream.linear.scatter [tilespmem:s14], [sflag:$0x3], $0xFA0, $0x38;
	[tilespmem:$0x3E80] =	vst v63  }
.LBB2_5:
0x19: {  	s15 =	sadd.s32 $0x1F400, s11  }
0x1a: {  	p1 =	sgt.s32 s15, $0x270FF  }
0x1b: {  	s15 =	smov.u32 @p1 s5;
	p1 =	sne.s32 s12, s9  }
.Ltmp1:
0x1c: {  	p0 =	slt.u32 s12, $0x2;
	(pc) =	sbr.rel @!p1 .LBB2_6-.Ltmp1, $4  }
0x1d: {  	s14 =	simm.s32 @!p0 $0x3  }
0x1e: {  	_ =	swait.ge @!p0 [sflag:s14], $0xFA0  }
0x1f: {  	s16 =	sadd.s32 $0x1, s12;
	s13 =	smov.u32 s11;
	[sflag:s14] =	ssyncset.done @!p0 $0x0  }
0x20: {  	s12 =	smov.u32 s16;
	s11 =	smov.u32 s15;
	[sflag:s14] =	ssyncadd.s32 @!p0 $0xFFFFF060  }
.LBB2_1:
0x21: {  	p0 =	sge.u32 s12, s7  }
0x22: {  	s14 =	sxor.u32 @!p0 $0x1, s12  }
0x23: {  	s14 =	smul.u32 @!p0 $0x3E80, s14  }
0x24: {  	s31 =	sadd.s32 $0xFFFFFFFF, s12;
	s15 =	sshrl.u32 @!p0 s11, $0x3  }
0x25: {  	s16 =	sand.u32 @!p0 $0x7, s11;
	s15 =	sadd.s32 @!p0 s3, s15;
	s14 =	sshra.s32 @!p0 s14, $0x2  }
0x26: {  	[tilespmem:s14], [sflag:$0x2] =	stream.linear.gather @!p0 [hbm4b:s15+s16], $0xFA0, $0x38;
	[tilespmem:$0x3E80] =	vst v63  }
0x27: {  	p0 =	sge.u32 s31, s7  }
.Ltmp2:
0x28: {  	_ = 	snop;
	(pc) =	sbr.rel @p0 .LBB2_5-.Ltmp2, $1  }
0x29: {  	_ =	sdelay $0x3  }
0x2a: {  	s14 =	sand.u32 $0x1, s12  }
0x2b: {  	_ =	swait.ge [sflag:s6], $0xFA0;
	p0 =	seq.s32 s14, $0x1;
	s14 =	simm.s32 $0xFA0  }
0x2c: {  	[sflag:s6] =	ssyncset.done $0x0;
	s14 =	simm.s32 @!p0 $0x0  }
0x2d: {  	[sflag:s6] =	ssyncadd.s32 $0xFFFFF060;
	(ifvalue) =	ssetifvalue $0x7FFFFFFF;
	v0 =	vld.msk [tilespmem:s14+$0x0 ss:$0x1], $0xffff;
	_ =	sdelay $0x4  }
0x2e: {  	s15 =	sadd.s32 $0x10, s14;
	vm1 =	vgt.s32 v0, $0x0  }
0x2f: {  	v2 =	vld.msk [tilespmem:s15+$0x0 ss:$0x1], $0xffff;
	v1 =	vnsel vm1, $0x0, v0  }
0x30: {  	v1 =	vmin.u32 v1, $0x270FF;
	_ =	sdelay $0x2  }
0x31: {  	s17 =	simm.s32 $0x20;
	s14 =	sadd.s32 $0x1F40, s14;
	s16 =	sadd.s32 $0x10, s15  }
0x32: {  	s15 =	sadd.s32 $0x10, s14;
	s18 =	smov.u32 s14;
	v0 =	vld.msk [tilespmem:s16+$0x0 ss:$0x1], $0xffff;
	vm1 =	vgt.s32 v2, $0x0;
	(ifvalue) =	ssetifvalue $0x7FFFFFFF  }
.LBB2_3:
0x33: {  	[tilespmem:s18], [sflag:$0x1] =	stream.indirect_vreg.gather [hbm4b:s2+s10], $0x1, v1, vm0, $0x4038;
	[tilespmem:$0x3E80] =	vst v63  }
0x34: {  	s17 =	sadd.s32 $0x10, s17  }
0x35: {  	v2 =	vnsel vm1, $0x0, v2;
	p0 =	slt.u32 s17, $0xF90  }
.Ltmp3:
0x36: {  	s18 =	smov.u32 s15;
	v1 =	vmin.u32 v2, $0x270FF;
	(pc) =	sbr.rel @p0 .LBB2_3-.Ltmp3, $3  }
0x37: {  	_ =	sdelay $0x1  }
0x38: {  	s16 =	sadd.s32 $0x10, s16  }
0x39: {  	vm1 =	vgt.s32 v0, $0x0;
	s15 =	sadd.s32 $0x10, s15;
	v2 =	vmov v0;
	(ifvalue) =	ssetifvalue $0x7FFFFFFF;
	v0 =	vld.msk [tilespmem:s16+$0x0 ss:$0x1], $0xffff  }
.Ltmp4:
0x3a: {  	_ = 	snop;
	(pc) =	sbr.rel .LBB2_4-.Ltmp4, $1  }
0x3b: {  	_ =	sdelay $0x3  }
.LBB2_6:
0x3c: {  	_ =	sfence.sel $0x180000  }
0x3d: {  	s2 =	simm.s32 $0x2;
	[bflag:$0x0] =	sbarrier.arrive $0xFFFF  }
0x3e: {  	s30 =	simm.s32 $0x3;
	[sflag:s2] =	ssyncpa.u1 $0x1  }
0x3f: {  	s31 =	simm.s32 $0x1;
	[sflag:s30] =	ssyncpa.u1 $0x1  }
0x40: {  	[sflag:s31] =	ssyncpa.u1 $0x1  }
0x41: {  	p0 =	sne.s32 s1, $0x0;
	_ =	strace $0x9000004D  }
0x42: {  	s0 =	sadd.s32 @!p0 $0x100000, s0;
	[bflag:$0x2] =	sbarrier.arrive $0xFFFF  }
0x43: {  	[sflag:s0] =	ssyncadd.tile.s32 @!p0 $0x1;
	_ =	shalt  }
.Lfunc_end2:
_tile_overlayer_lowered:
.L_overlay_start_2:
0x44: {  	(tag) =	ssettag $0x2  }
0x45: {  	s0 =	rddreg [dreg:$0x0];
	s2 =	stileid.u32  }
0x46: {  	s1 =	rddreg [dreg:$0x1];
	p0 =	sne.s32 s2, $0x0  }
0x47: {  	s3 =	rddreg [dreg:$0x2];
	[bflag:$0x3] =	sbarrier.arrive $0xFFFF;
	s2 =	simm.s32 @!p0 $0x1C01  }
0x48: {  	[timem:s3], [sflag:s2] =	dma.local @!p0 [hbm:s0], s1  }
0x49: {  	s0 =	simm.s32 @!p0 $0x1  }
0x4a: {  	_ =	swait.ge @!p0 [sflag:s0], s1  }
0x4b: {  	s1 =	ssub.s32 @!p0 $0x0, s1;
	[sflag:s0] =	ssyncset.done @!p0 $0x0  }
0x4c: {  	[sflag:s0] =	ssyncadd.s32 @!p0 s1  }
0x4d: {  	[bflag:$0x3] =	sbarrier.arrive $0xFFFF  }
0x4e: {  	_ =	shalt  }

// kernel: gather_offload_async_start
scs
__scs_entry_jumppad:
0x0: {  	(pc) =	sbr.rel $0x88, $3  }
0x1: {  	(tag) =	ssettag $0x0;
	lr =	simm.s32 $0x1  }
0x2: {  	[smem:$0x3F9B] =	sst lr;
	_ =	strace $0xD0000000  }
0x3: {  	_ = 	snop  }
0x4: {  	_ = 	snop  }
0x5: {  	_ = 	snop  }
0x6: {  	_ = 	snop  }
0x7: {  	_ = 	snop  }
__scs_overlays_trampoline_lowered:
0x8: {  	[smem:$0x3FAA] =	sst s0  }
0x9: {  	[smem:$0x3FAB] =	sst s1  }
0xa: {  	[smem:$0x3FAC] =	sst s2  }
0xb: {  	[smem:$0x3FAD] =	sst s3  }
0xc: {  	[smem:$0x3FAE] =	sst s4  }
0xd: {  	[smem:$0x3FAF] =	sst s5  }
0xe: {  	[smem:$0x3FB0] =	sst s6  }
0xf: {  	[smem:$0x3FB1] =	sst s7  }
0x10: {  	[smem:$0x3FB2] =	sst s8  }
0x11: {  	[smem:$0x3FB3] =	sst s9;
	s0 =	simm.s32 @!p0 $0x0  }
0x12: {  	s1 =	sld [smem:$0x3F99];
	s0 =	simm.s32 @p0 $0x1  }
0x13: {  	[smem:$0x3FB4] =	sst s0;
	s0 =	simm.s32 @!p1 $0x0  }
0x14: {  	s2 =	sld [smem:$0x3F98];
	s0 =	simm.s32 @p1 $0x1  }
0x15: {  	[smem:$0x3FB5] =	sst s0;
	s0 =	simm.s32 @!p2 $0x0  }
0x16: {  	s3 =	sld [smem:$0x3FDB];
	s0 =	simm.s32 @p2 $0x1  }
0x17: {  	s4 =	simm.s32 $0x1BF5;
	[smem:$0x3FB7] =	sst s0  }
0x18: {  	s0 =	sld [smem:$0x3F9A];
	_ =	swait.ge [sflag:s4], $0x0  }
0x19: {  	s7 =	sld [smem:$0x3F9B]  }
0x1a: {  	s8 =	sadd.s32 $0xFFFFE003, lr  }
0x1b: {  	s9 =	sadd.s32 $0xFFFFFEF7, lr;
	s5 =	simm.s32 $0xFFFFFFFF;
	p2 =	slt.u32 s8, $0xFFFFF086  }
0x1c: {  	p1 =	slt.u32 s9, $0xF7A;
	s5 =	simm.s32 @!p2 $0x0  }
0x1d: {  	s5 =	simm.s32 @p1 $0x1;
	p0 =	seq.s32 s7, s2  }
0x1e: {  	s7 =	smul.u32 @!p0 $0xF7A, s2;
	p2 =	seq.s32 @!p0 s5, $0x0  }
0x1f: {  	s9 =	smul.u32 $0xF7A, s1;
	s8 =	simm.s32 @!p0 $0x1BF5;
	p2 =	por !p2, p0  }
0x20: {  	[sflag:s8] =	ssyncset.s32 @!p0 $0xFFFFF086;
	s6 =	sadd.s32 @!p0 s3, s7;
	s7 =	simm.s32 @!p0 $0x108  }
0x21: {  	s3 =	sadd.s32 s3, s9;
	s6 =	sadd.s32 @!p0 $0x88, s6;
	s7 =	simm.s32 @p2 $0x1082  }
0x22: {  	[simem:s7], [sflag:s8] =	dma.local @!p0 [hbm:s6], $0xF7A  }
0x23: {  	s9 =	sor.u32 $0xD0000000, s2;
	s6 =	simm.s32 $0x108;
	_ =	swait.ge @!p0 [sflag:s8], $0x0  }
0x24: {  	s3 =	sadd.s32 $0x88, s3;
	s6 =	simm.s32 @!p1 $0x1082;
	[sflag:s4] =	ssyncset.s32 $0xFFFFF086  }
0x25: {  	[simem:s6], [sflag:s4] =	dma.local [hbm:s3], $0xF7A  }
0x26: {  	[smem:$0x3F9B] =	sst s1;
	(tag) =	ssettag s2;
	_ =	strace s9  }
0x27: {  	s1 =	sld [smem:$0x3FAB]  }
0x28: {  	s2 =	sld [smem:$0x3FAC]  }
0x29: {  	s4 =	sld [smem:$0x3FAE]  }
0x2a: {  	p0 =	seq.s32 s5, $0x0;
	s5 =	sld [smem:$0x3FAF]  }
0x2b: {  	s6 =	sld [smem:$0x3FB0]  }
0x2c: {  	s7 =	sld [smem:$0x3FB1]  }
0x2d: {  	s3 =	simm.s32 $0x108;
	s8 =	sld [smem:$0x3FB2]  }
0x2e: {  	s3 =	simm.s32 @!p0 $0x1082;
	s9 =	sld [smem:$0x3FB3]  }
0x2f: {  	lr =	sadd.s32 s0, s3;
	s0 =	sld [smem:$0x3FAA]  }
0x30: {  	s3 =	sld [smem:$0x3FAD]  }
0x31: {  	[smem:$0x3FB6] =	sst s10  }
0x32: {  	s10 =	sld [smem:$0x3FB4];
	_ =	sdelay $0x3  }
0x33: {  	p0 =	seq.s32 s10, $0x1;
	s10 =	sld [smem:$0x3FB6];
	_ =	sdelay $0x3  }
0x34: {  	[smem:$0x3FB6] =	sst s10  }
0x35: {  	s10 =	sld [smem:$0x3FB5];
	_ =	sdelay $0x3  }
0x36: {  	p1 =	seq.s32 s10, $0x1;
	s10 =	sld [smem:$0x3FB6];
	_ =	sdelay $0x3  }
0x37: {  	[smem:$0x3FB6] =	sst s10  }
0x38: {  	s10 =	sld [smem:$0x3FB7]  }
0x39: {  	_ = 	snop;
	(pc) =	sbr.ind lr, $3  }
0x3a: {  	_ = 	snop  }
0x3b: {  	_ = 	snop  }
0x3c: {  	p2 =	seq.s32 s10, $0x1;
	s10 =	sld [smem:$0x3FB6]  }
0x3d: {  	_ =	shalt  }
0x3e: {  	_ =	shalt  }
0x3f: {  	_ =	shalt  }
0x40: {  	_ =	shalt  }
0x41: {  	_ =	shalt  }
0x42: {  	_ =	shalt  }
0x43: {  	_ =	shalt  }
0x44: {  	_ =	shalt  }
0x45: {  	_ =	shalt  }
0x46: {  	_ =	shalt  }
0x47: {  	_ =	shalt  }
0x48: {  	_ =	shalt  }
0x49: {  	_ =	shalt  }
0x4a: {  	_ =	shalt  }
0x4b: {  	_ =	shalt  }
0x4c: {  	_ =	shalt  }
0x4d: {  	_ =	shalt  }
0x4e: {  	_ =	shalt  }
0x4f: {  	_ =	shalt  }
0x50: {  	_ =	shalt  }
0x51: {  	_ =	shalt  }
0x52: {  	_ =	shalt  }
0x53: {  	_ =	shalt  }
0x54: {  	_ =	shalt  }
0x55: {  	_ =	shalt  }
0x56: {  	_ =	shalt  }
0x57: {  	_ =	shalt  }
0x58: {  	_ =	shalt  }
0x59: {  	_ =	shalt  }
0x5a: {  	_ =	shalt  }
0x5b: {  	_ =	shalt  }
0x5c: {  	_ =	shalt  }
0x5d: {  	_ =	shalt  }
0x5e: {  	_ =	shalt  }
0x5f: {  	_ =	shalt  }
0x60: {  	_ =	shalt  }
0x61: {  	_ =	shalt  }
0x62: {  	_ =	shalt  }
0x63: {  	_ =	shalt  }
0x64: {  	_ =	shalt  }
0x65: {  	_ =	shalt  }
0x66: {  	_ =	shalt  }
0x67: {  	_ =	shalt  }
0x68: {  	_ =	shalt  }
0x69: {  	_ =	shalt  }
0x6a: {  	_ =	shalt  }
0x6b: {  	_ =	shalt  }
0x6c: {  	_ =	shalt  }
0x6d: {  	_ =	shalt  }
0x6e: {  	_ =	shalt  }
0x6f: {  	_ =	shalt  }
0x70: {  	_ =	shalt  }
0x71: {  	_ =	shalt  }
0x72: {  	_ =	shalt  }
0x73: {  	_ =	shalt  }
0x74: {  	_ =	shalt  }
0x75: {  	_ =	shalt  }
0x76: {  	_ =	shalt  }
0x77: {  	_ =	shalt  }
0x78: {  	_ =	shalt  }
0x79: {  	_ =	shalt  }
0x7a: {  	_ =	shalt  }
0x7b: {  	_ =	shalt  }
0x7c: {  	_ =	shalt  }
0x7d: {  	_ =	shalt  }
0x7e: {  	_ =	shalt  }
0x7f: {  	_ =	shalt  }
0x80: {  	_ =	shalt  }
0x81: {  	_ =	shalt  }
0x82: {  	_ =	shalt  }
0x83: {  	_ =	shalt  }
0x84: {  	_ =	shalt  }
0x85: {  	_ =	shalt  }
0x86: {  	_ =	shalt  }
0x87: {  	_ =	shalt  }
.Lfunc_end0:
.L_simem_size_0:
called_computation.1_lowered:
.L_overlay_start_0:
0x88: {  	s2 =	sld [smem:$0x3FD9]  }
0x89: {  	s3 =	sld [smem:$0x3FFE];
	_ =	sdelay $0x1  }
0x8a: {  	s1 =	srdreg.scid  }
0x8b: {  	s0 =	sand.u32 $0x1, s1  }
0x8c: {  	s16 =	sshll.u32 s0, $0xA;
	s2 =	sadd.s32 s3, s2  }
0x8d: {  	s2 =	sadd.s32 s2, s16  }
0x8e: {  	[smem:$0x3FC2] =	sst s2  }
0x8f: {  	_ = 	snop  }
0x90: {  	(tm) =	ssettm $0x1  }
0x91: {  	s17 =	sld [smem:$0x3FFB];
	_ =	sdelay $0x3  }
0x92: {  	_ =	strace s17  }
0x93: {  	s2 =	sld [smem:$0x3FFC];
	_ =	sdelay $0x3  }
0x94: {  	_ =	strace s2  }
0x95: {  	s2 =	sld [smem:$0x3FFD];
	_ =	sdelay $0x3  }
0x96: {  	_ =	strace s2  }
0x97: {  	_ =	strace $0x8FFFFFFF  }
0x98: {  	s18 =	sld [smem:$0x3FDB];
	_ =	sdelay $0x1  }
0x99: {  	s19 =	simm.s32 $_scs_section_size  }
0x9a: {  	s4 =	simm.s32 $_size__tile_overlayer_lowered;
	s5 =	simm.s32 $_tile_overlayer_lowered  }
0x9b: {  	s22 =	simm.s32 $0x1BFF;
	s21 =	sshll.u32 s5, $0x1;
	s2 =	sadd.s32 s19, s18  }
0x9c: {  	s6 =	simm.s32 $0x0;
	s20 =	sshll.u32 s4, $0x1;
	s4 =	sadd.s32 s21, s2  }
0x9d: {  	[timem:s6], [sflag:s22] =	dma.local [hbm:s4], s20  }
0x9e: {  	_ =	swait.ge [sflag:s22], s20  }
0x9f: {  	s3 =	ssub.s32 $0x0, s20;
	[sflag:s22] =	ssyncset.done $0x0  }
0xa0: {  	[sflag:s22] =	ssyncadd.s32 s3;
	_ =	sdelay $0x1  }
0xa1: {  	s23 =	simm.s32 $0x1B8B  }
0xa2: {  	_ =	swait.ge [sflag:s23], $0x1  }
0xa3: {  	[sflag:s23] =	ssyncset.done $0x0  }
0xa4: {  	s25 =	simm.s32 $0x1B8E;
	s24 =	sld [smem:$0x3FFE];
	[sflag:s23] =	ssyncadd.s32 $0xFFFFFFFF  }
0xa5: {  	s26 =	simm.s32 $execute0_lowered;
	[smem:$0x3FD2] =	sst s25  }
0xa6: {  	s4 =	sshll.u32 s26, $0x1;
	_ =	strace $0x80000046;
	[dreg:$0x1] =	wrdreg $0xFFFFFFFF  }
0xa7: {  	s28 =	simm.s32 $_size_execute0_lowered;
	s2 =	sadd.s32 s2, s4;
	[dreg:$0x0] =	wrdreg $0x0  }
0xa8: {  	s4 =	sshll.u32 s28, $0x1;
	[dreg:$0x2] =	wrdreg s2  }
0xa9: {  	[dreg:$0x3] =	wrdreg s4  }
0xaa: {  	[dreg:$0x4] =	wrdreg $0xC0  }
0xab: {  	_ =	task [dreg:s6], $0x5FFFF  }
0xac: {  	[dreg:$0x1] =	wrdreg $0xFFFFFFFF  }
0xad: {  	[dreg:$0x0] =	wrdreg $0x60  }
0xae: {  	[dreg:$0x2] =	wrdreg s24  }
0xaf: {  	[dreg:$0x3] =	wrdreg $0x9  }
0xb0: {  	_ =	task.clear_ibuf [dreg:s6], $0x4FFFF;
	_ =	strace $0x90000046  }
0xb1: {  	s29 =	simm.s32 $0x9;
	_ =	strace $0x80000048  }
0xb2: {  	_ =	swait.ge [sflag:s29], $0x1  }
0xb3: {  	[sflag:s29] =	ssyncadd.s32 $0xFFFFFFFF  }
0xb4: {  	_ =	strace $0x90000048  }
0xb5: {  	_ =	sfence  }
0xb6: {  	s30 =	sld [smem:$0x0];
	_ =	sdelay $0x2  }
0xb7: {  	s31 =	sshll.u32 s1, $0xD;
	s1 =	sshrl.u32 s1, $0x2  }
0xb8: {  	s3 =	sand.u32 $0x4000, s31;
	s1 =	sadd.s32 s1, s30  }
0xb9: {  	s0 =	sor.u32 s3, s0;
	s1 =	sshll.u32 s1, $0x11  }
0xba: {  	s0 =	sor.u32 s1, s0  }
0xbb: {  	s0 =	sadd.s32 $0x8F2B, s0  }
0xbc: {  	[sflag:s0] =	ssyncadd.remote.s32 $0x1  }
0xbd: {  	_ =	sfence.sel $0xFFFF  }
0xbe: {  	[dreg:$0x0] =	wrdreg $0xFFFFFFFF;
	(pc) =	sbr.abs _section_cstart, $3  }
0xbf: {  	[dreg:$0x1] =	wrdreg $0xFFFFFFFF  }
0xc0: {  	_ =	task.clear_ibuf [dreg:s6], $0x2FFFF;
	_ =	strace $0x9FFFFFFF  }
0xc1: {  	(tm) =	ssettm $0x7FFFFFFF  }
tec
execute0_lowered:
.L_overlay_start_1:
0x0: {  	(tag) =	ssettag $0x1  }
0x1: {  	s8 =	rddreg [dreg:$0x0]  }
0x2: {  	s0 =	rddreg [dreg:$0x1];
	_ =	strace $0x80000047;
	s1 =	stileid.u32  }
0x3: {  	s3 =	srdreg.scid;
	s4 =	simm.s32 $0x1;
	s7 =	simm.s32 $0x1  }
0x4: {  	s9 =	simm.s32 $0x1;
	s10 =	simm.s32 $0x3;
	s13 =	simm.s32 $0x0  }
0x5: {  	s12 =	simm.s32 $0x0;
	s5 =	sand.u32 $0x1, s3;
	s6 =	sshll.u32 s1, $0x1  }
0x6: {  	s2 =	sadd.s32 $0x5000, s8;
	s3 =	sadd.s32 $0xA000, s8;
	s5 =	sor.u32 s6, s5  }
.Ltmp0:
0x7: {  	[sflag:s4] =	ssyncpa.u1 $0x0;
	p0 =	slt.u32 s5, $0x9;
	(pc) =	sbr.rel .LBB2_1-.Ltmp0, $4  }
0x8: {  	s6 =	simm.s32 $0x2;
	s7 =	simm.s32 @!p0 $0x0;
	p0 =	sne.s32 s5, $0x8  }
0x9: {  	[sflag:s6] =	ssyncpa.u1 $0x0;
	s5 =	smul.u32 $0xFA0, s5;
	s9 =	simm.s32 @!p0 $0x0  }
0xa: {  	s8 =	sadd.s32 $0xF000, s8;
	[sflag:s10] =	ssyncpa.u1 $0x0;
	s7 =	sadd.s32 s9, s7  }
0xb: {  	vm0 =	vmmov $0xffff;
	s10 =	simm.s32 $0x0;
	s11 =	smov.u32 s5;
	s9 =	sadd.s32 $0x1, s7  }
.LBB2_4:
0xc: {  	v2 =	vnsel vm1, $0x0, v2  }
0xd: {  	vm1 =	vgt.s32 v0, $0x0;
	v2 =	vmin.u32 v2, $0x270FF  }
0xe: {  	v0 =	vnsel vm1, $0x0, v0  }
0xf: {  	v0 =	vmin.u32 v0, $0x270FF  }
0x10: {  	[tilespmem:s18], [sflag:$0x1] =	stream.indirect_vreg.gather [hbm4b:s2+s10], $0x1, v1, vm0, $0x4038;
	[tilespmem:$0x3E80] =	vst v63  }
0x11: {  	(ifvalue) =	ssetifvalue $0x7FFFFFFF  }
0x12: {  	[tilespmem:s15], [sflag:$0x1] =	stream.indirect_vreg.gather [hbm4b:s2+s10], $0x1, v2, vm0, $0x4038;
	[tilespmem:$0x3E80] =	vst v63  }
0x13: {  	s29 =	sadd.s32 $0x10, s15;
	(ifvalue) =	ssetifvalue $0x7FFFFFFF  }
0x14: {  	[tilespmem:s29], [sflag:$0x1] =	stream.indirect_vreg.gather [hbm4b:s2+s10], $0x1, v0, vm0, $0x4038;
	[tilespmem:$0x3E80] =	vst v63  }
0x15: {  	_ =	swait.ge [sflag:s4], $0xFA0  }
0x16: {  	s30 =	sshrl.u32 s13, $0x3;
	[sflag:s4] =	ssyncset.done $0x0  }
0x17: {  	s31 =	sand.u32 $0x7, s13;
	s15 =	sadd.s32 s8, s30;
	[sflag:s4] =	ssyncadd.s32 $0xFFFFF060  }
0x18: {  	[hbm4b:s15+s31] =	stream.linear.scatter [tilespmem:s14], [sflag:$0x3], $0xFA0, $0x38;
	[tilespmem:$0x3E80] =	vst v63  }
.LBB2_5:
0x19: {  	s15 =	sadd.s32 $0x1F400, s11  }
0x1a: {  	p1 =	sgt.s32 s15, $0x270FF  }
0x1b: {  	s15 =	smov.u32 @p1 s5;
	p1 =	sne.s32 s12, s9  }
.Ltmp1:
0x1c: {  	p0 =	slt.u32 s12, $0x2;
	(pc) =	sbr.rel @!p1 .LBB2_6-.Ltmp1, $4  }
0x1d: {  	s14 =	simm.s32 @!p0 $0x3  }
0x1e: {  	_ =	swait.ge @!p0 [sflag:s14], $0xFA0  }
0x1f: {  	s16 =	sadd.s32 $0x1, s12;
	s13 =	smov.u32 s11;
	[sflag:s14] =	ssyncset.done @!p0 $0x0  }
0x20: {  	s12 =	smov.u32 s16;
	s11 =	smov.u32 s15;
	[sflag:s14] =	ssyncadd.s32 @!p0 $0xFFFFF060  }
.LBB2_1:
0x21: {  	p0 =	sge.u32 s12, s7  }
0x22: {  	s14 =	sxor.u32 @!p0 $0x1, s12  }
0x23: {  	s14 =	smul.u32 @!p0 $0x3E80, s14  }
0x24: {  	s31 =	sadd.s32 $0xFFFFFFFF, s12;
	s15 =	sshrl.u32 @!p0 s11, $0x3  }
0x25: {  	s16 =	sand.u32 @!p0 $0x7, s11;
	s15 =	sadd.s32 @!p0 s3, s15;
	s14 =	sshra.s32 @!p0 s14, $0x2  }
0x26: {  	[tilespmem:s14], [sflag:$0x2] =	stream.linear.gather @!p0 [hbm4b:s15+s16], $0xFA0, $0x38;
	[tilespmem:$0x3E80] =	vst v63  }
0x27: {  	p0 =	sge.u32 s31, s7  }
.Ltmp2:
0x28: {  	_ = 	snop;
	(pc) =	sbr.rel @p0 .LBB2_5-.Ltmp2, $1  }
0x29: {  	_ =	sdelay $0x3  }
0x2a: {  	s14 =	sand.u32 $0x1, s12  }
0x2b: {  	_ =	swait.ge [sflag:s6], $0xFA0;
	p0 =	seq.s32 s14, $0x1;
	s14 =	simm.s32 $0xFA0  }
0x2c: {  	[sflag:s6] =	ssyncset.done $0x0;
	s14 =	simm.s32 @!p0 $0x0  }
0x2d: {  	[sflag:s6] =	ssyncadd.s32 $0xFFFFF060;
	(ifvalue) =	ssetifvalue $0x7FFFFFFF;
	v0 =	vld.msk [tilespmem:s14+$0x0 ss:$0x1], $0xffff;
	_ =	sdelay $0x4  }
0x2e: {  	s15 =	sadd.s32 $0x10, s14;
	vm1 =	vgt.s32 v0, $0x0  }
0x2f: {  	v2 =	vld.msk [tilespmem:s15+$0x0 ss:$0x1], $0xffff;
	v1 =	vnsel vm1, $0x0, v0  }
0x30: {  	v1 =	vmin.u32 v1, $0x270FF;
	_ =	sdelay $0x2  }
0x31: {  	s17 =	simm.s32 $0x20;
	s14 =	sadd.s32 $0x1F40, s14;
	s16 =	sadd.s32 $0x10, s15  }
0x32: {  	s15 =	sadd.s32 $0x10, s14;
	s18 =	smov.u32 s14;
	v0 =	vld.msk [tilespmem:s16+$0x0 ss:$0x1], $0xffff;
	vm1 =	vgt.s32 v2, $0x0;
	(ifvalue) =	ssetifvalue $0x7FFFFFFF  }
.LBB2_3:
0x33: {  	[tilespmem:s18], [sflag:$0x1] =	stream.indirect_vreg.gather [hbm4b:s2+s10], $0x1, v1, vm0, $0x4038;
	[tilespmem:$0x3E80] =	vst v63  }
0x34: {  	s17 =	sadd.s32 $0x10, s17  }
0x35: {  	v2 =	vnsel vm1, $0x0, v2;
	p0 =	slt.u32 s17, $0xF90  }
.Ltmp3:
0x36: {  	s18 =	smov.u32 s15;
	v1 =	vmin.u32 v2, $0x270FF;
	(pc) =	sbr.rel @p0 .LBB2_3-.Ltmp3, $3  }
0x37: {  	_ =	sdelay $0x1  }
0x38: {  	s16 =	sadd.s32 $0x10, s16  }
0x39: {  	vm1 =	vgt.s32 v0, $0x0;
	s15 =	sadd.s32 $0x10, s15;
	v2 =	vmov v0;
	(ifvalue) =	ssetifvalue $0x7FFFFFFF;
	v0 =	vld.msk [tilespmem:s16+$0x0 ss:$0x1], $0xffff  }
.Ltmp4:
0x3a: {  	_ = 	snop;
	(pc) =	sbr.rel .LBB2_4-.Ltmp4, $1  }
0x3b: {  	_ =	sdelay $0x3  }
.LBB2_6:
0x3c: {  	_ =	sfence.sel $0x180000  }
0x3d: {  	s2 =	simm.s32 $0x2;
	[bflag:$0x0] =	sbarrier.arrive $0xFFFF  }
0x3e: {  	s30 =	simm.s32 $0x3;
	[sflag:s2] =	ssyncpa.u1 $0x1  }
0x3f: {  	s31 =	simm.s32 $0x1;
	[sflag:s30] =	ssyncpa.u1 $0x1  }
0x40: {  	[sflag:s31] =	ssyncpa.u1 $0x1  }
0x41: {  	p0 =	sne.s32 s1, $0x0;
	_ =	strace $0x90000047  }
0x42: {  	s0 =	sadd.s32 @!p0 $0x100000, s0;
	[bflag:$0x2] =	sbarrier.arrive $0xFFFF  }
0x43: {  	[sflag:s0] =	ssyncadd.tile.s32 @!p0 $0x1;
	_ =	shalt  }
.Lfunc_end2:
_tile_overlayer_lowered:
.L_overlay_start_2:
0x44: {  	(tag) =	ssettag $0x2  }
0x45: {  	s0 =	rddreg [dreg:$0x0];
	s2 =	stileid.u32  }
0x46: {  	s1 =	rddreg [dreg:$0x1];
	p0 =	sne.s32 s2, $0x0  }
0x47: {  	s3 =	rddreg [dreg:$0x2];
	[bflag:$0x3] =	sbarrier.arrive $0xFFFF;
	s2 =	simm.s32 @!p0 $0x1C01  }
0x48: {  	[timem:s3], [sflag:s2] =	dma.local @!p0 [hbm:s0], s1  }
0x49: {  	s0 =	simm.s32 @!p0 $0x1  }
0x4a: {  	_ =	swait.ge @!p0 [sflag:s0], s1  }
0x4b: {  	s1 =	ssub.s32 @!p0 $0x0, s1;
	[sflag:s0] =	ssyncset.done @!p0 $0x0  }
0x4c: {  	[sflag:s0] =	ssyncadd.s32 @!p0 s1  }
0x4d: {  	[bflag:$0x3] =	sbarrier.arrive $0xFFFF  }
0x4e: {  	_ =	shalt  }

// kernel: kernel.6.cloned.1.call-start
scs
__scs_entry_jumppad:
0x0: {  	(pc) =	sbr.rel $0x88, $3  }
0x1: {  	(tag) =	ssettag $0x0;
	lr =	simm.s32 $0x1  }
0x2: {  	[smem:$0x3F9B] =	sst lr;
	_ =	strace $0xD0000000  }
0x3: {  	_ = 	snop  }
0x4: {  	_ = 	snop  }
0x5: {  	_ = 	snop  }
0x6: {  	_ = 	snop  }
0x7: {  	_ = 	snop  }
__scs_overlays_trampoline_lowered:
0x8: {  	[smem:$0x3FAA] =	sst s0  }
0x9: {  	[smem:$0x3FAB] =	sst s1  }
0xa: {  	[smem:$0x3FAC] =	sst s2  }
0xb: {  	[smem:$0x3FAD] =	sst s3  }
0xc: {  	[smem:$0x3FAE] =	sst s4  }
0xd: {  	[smem:$0x3FAF] =	sst s5  }
0xe: {  	[smem:$0x3FB0] =	sst s6  }
0xf: {  	[smem:$0x3FB1] =	sst s7  }
0x10: {  	[smem:$0x3FB2] =	sst s8  }
0x11: {  	[smem:$0x3FB3] =	sst s9;
	s0 =	simm.s32 @!p0 $0x0  }
0x12: {  	s1 =	sld [smem:$0x3F99];
	s0 =	simm.s32 @p0 $0x1  }
0x13: {  	[smem:$0x3FB4] =	sst s0;
	s0 =	simm.s32 @!p1 $0x0  }
0x14: {  	s2 =	sld [smem:$0x3F98];
	s0 =	simm.s32 @p1 $0x1  }
0x15: {  	[smem:$0x3FB5] =	sst s0;
	s0 =	simm.s32 @!p2 $0x0  }
0x16: {  	s3 =	sld [smem:$0x3FDB];
	s0 =	simm.s32 @p2 $0x1  }
0x17: {  	s4 =	simm.s32 $0x1BF5;
	[smem:$0x3FB7] =	sst s0  }
0x18: {  	s0 =	sld [smem:$0x3F9A];
	_ =	swait.ge [sflag:s4], $0x0  }
0x19: {  	s7 =	sld [smem:$0x3F9B]  }
0x1a: {  	s8 =	sadd.s32 $0xFFFFE003, lr  }
0x1b: {  	s9 =	sadd.s32 $0xFFFFFEF7, lr;
	s5 =	simm.s32 $0xFFFFFFFF;
	p2 =	slt.u32 s8, $0xFFFFF086  }
0x1c: {  	p1 =	slt.u32 s9, $0xF7A;
	s5 =	simm.s32 @!p2 $0x0  }
0x1d: {  	s5 =	simm.s32 @p1 $0x1;
	p0 =	seq.s32 s7, s2  }
0x1e: {  	s7 =	smul.u32 @!p0 $0xF7A, s2;
	p2 =	seq.s32 @!p0 s5, $0x0  }
0x1f: {  	s9 =	smul.u32 $0xF7A, s1;
	s8 =	simm.s32 @!p0 $0x1BF5;
	p2 =	por !p2, p0  }
0x20: {  	[sflag:s8] =	ssyncset.s32 @!p0 $0xFFFFF086;
	s6 =	sadd.s32 @!p0 s3, s7;
	s7 =	simm.s32 @!p0 $0x108  }
0x21: {  	s3 =	sadd.s32 s3, s9;
	s6 =	sadd.s32 @!p0 $0x88, s6;
	s7 =	simm.s32 @p2 $0x1082  }
0x22: {  	[simem:s7], [sflag:s8] =	dma.local @!p0 [hbm:s6], $0xF7A  }
0x23: {  	s9 =	sor.u32 $0xD0000000, s2;
	s6 =	simm.s32 $0x108;
	_ =	swait.ge @!p0 [sflag:s8], $0x0  }
0x24: {  	s3 =	sadd.s32 $0x88, s3;
	s6 =	simm.s32 @!p1 $0x1082;
	[sflag:s4] =	ssyncset.s32 $0xFFFFF086  }
0x25: {  	[simem:s6], [sflag:s4] =	dma.local [hbm:s3], $0xF7A  }
0x26: {  	[smem:$0x3F9B] =	sst s1;
	(tag) =	ssettag s2;
	_ =	strace s9  }
0x27: {  	s1 =	sld [smem:$0x3FAB]  }
0x28: {  	s2 =	sld [smem:$0x3FAC]  }
0x29: {  	s4 =	sld [smem:$0x3FAE]  }
0x2a: {  	p0 =	seq.s32 s5, $0x0;
	s5 =	sld [smem:$0x3FAF]  }
0x2b: {  	s6 =	sld [smem:$0x3FB0]  }
0x2c: {  	s7 =	sld [smem:$0x3FB1]  }
0x2d: {  	s3 =	simm.s32 $0x108;
	s8 =	sld [smem:$0x3FB2]  }
0x2e: {  	s3 =	simm.s32 @!p0 $0x1082;
	s9 =	sld [smem:$0x3FB3]  }
0x2f: {  	lr =	sadd.s32 s0, s3;
	s0 =	sld [smem:$0x3FAA]  }
0x30: {  	s3 =	sld [smem:$0x3FAD]  }
0x31: {  	[smem:$0x3FB6] =	sst s10  }
0x32: {  	s10 =	sld [smem:$0x3FB4];
	_ =	sdelay $0x3  }
0x33: {  	p0 =	seq.s32 s10, $0x1;
	s10 =	sld [smem:$0x3FB6];
	_ =	sdelay $0x3  }
0x34: {  	[smem:$0x3FB6] =	sst s10  }
0x35: {  	s10 =	sld [smem:$0x3FB5];
	_ =	sdelay $0x3  }
0x36: {  	p1 =	seq.s32 s10, $0x1;
	s10 =	sld [smem:$0x3FB6];
	_ =	sdelay $0x3  }
0x37: {  	[smem:$0x3FB6] =	sst s10  }
0x38: {  	s10 =	sld [smem:$0x3FB7]  }
0x39: {  	_ = 	snop;
	(pc) =	sbr.ind lr, $3  }
0x3a: {  	_ = 	snop  }
0x3b: {  	_ = 	snop  }
0x3c: {  	p2 =	seq.s32 s10, $0x1;
	s10 =	sld [smem:$0x3FB6]  }
0x3d: {  	_ =	shalt  }
0x3e: {  	_ =	shalt  }
0x3f: {  	_ =	shalt  }
0x40: {  	_ =	shalt  }
0x41: {  	_ =	shalt  }
0x42: {  	_ =	shalt  }
0x43: {  	_ =	shalt  }
0x44: {  	_ =	shalt  }
0x45: {  	_ =	shalt  }
0x46: {  	_ =	shalt  }
0x47: {  	_ =	shalt  }
0x48: {  	_ =	shalt  }
0x49: {  	_ =	shalt  }
0x4a: {  	_ =	shalt  }
0x4b: {  	_ =	shalt  }
0x4c: {  	_ =	shalt  }
0x4d: {  	_ =	shalt  }
0x4e: {  	_ =	shalt  }
0x4f: {  	_ =	shalt  }
0x50: {  	_ =	shalt  }
0x51: {  	_ =	shalt  }
0x52: {  	_ =	shalt  }
0x53: {  	_ =	shalt  }
0x54: {  	_ =	shalt  }
0x55: {  	_ =	shalt  }
0x56: {  	_ =	shalt  }
0x57: {  	_ =	shalt  }
0x58: {  	_ =	shalt  }
0x59: {  	_ =	shalt  }
0x5a: {  	_ =	shalt  }
0x5b: {  	_ =	shalt  }
0x5c: {  	_ =	shalt  }
0x5d: {  	_ =	shalt  }
0x5e: {  	_ =	shalt  }
0x5f: {  	_ =	shalt  }
0x60: {  	_ =	shalt  }
0x61: {  	_ =	shalt  }
0x62: {  	_ =	shalt  }
0x63: {  	_ =	shalt  }
0x64: {  	_ =	shalt  }
0x65: {  	_ =	shalt  }
0x66: {  	_ =	shalt  }
0x67: {  	_ =	shalt  }
0x68: {  	_ =	shalt  }
0x69: {  	_ =	shalt  }
0x6a: {  	_ =	shalt  }
0x6b: {  	_ =	shalt  }
0x6c: {  	_ =	shalt  }
0x6d: {  	_ =	shalt  }
0x6e: {  	_ =	shalt  }
0x6f: {  	_ =	shalt  }
0x70: {  	_ =	shalt  }
0x71: {  	_ =	shalt  }
0x72: {  	_ =	shalt  }
0x73: {  	_ =	shalt  }
0x74: {  	_ =	shalt  }
0x75: {  	_ =	shalt  }
0x76: {  	_ =	shalt  }
0x77: {  	_ =	shalt  }
0x78: {  	_ =	shalt  }
0x79: {  	_ =	shalt  }
0x7a: {  	_ =	shalt  }
0x7b: {  	_ =	shalt  }
0x7c: {  	_ =	shalt  }
0x7d: {  	_ =	shalt  }
0x7e: {  	_ =	shalt  }
0x7f: {  	_ =	shalt  }
0x80: {  	_ =	shalt  }
0x81: {  	_ =	shalt  }
0x82: {  	_ =	shalt  }
0x83: {  	_ =	shalt  }
0x84: {  	_ =	shalt  }
0x85: {  	_ =	shalt  }
0x86: {  	_ =	shalt  }
0x87: {  	_ =	shalt  }
.Lfunc_end0:
.L_simem_size_0:
called_computation.3_lowered:
.L_overlay_start_0:
0x88: {  	s2 =	sld [smem:$0x3FD9]  }
0x89: {  	s3 =	sld [smem:$0x3FFE];
	_ =	sdelay $0x1  }
0x8a: {  	s1 =	srdreg.scid  }
0x8b: {  	s0 =	sand.u32 $0x1, s1  }
0x8c: {  	s17 =	sshll.u32 s0, $0xA;
	s2 =	sadd.s32 s3, s2  }
0x8d: {  	s2 =	sadd.s32 s2, s17  }
0x8e: {  	[smem:$0x3FC2] =	sst s2  }
0x8f: {  	_ = 	snop  }
0x90: {  	s2 =	sld [smem:$0x3FD0];
	(tm) =	ssettm $0x1  }
0x91: {  	s18 =	sld [smem:$0x3FFB];
	_ =	sdelay $0x3  }
0x92: {  	_ =	strace s18  }
0x93: {  	s3 =	sld [smem:$0x3FFC];
	_ =	sdelay $0x3  }
0x94: {  	_ =	strace s3  }
0x95: {  	s3 =	sld [smem:$0x3FFD];
	_ =	sdelay $0x3  }
0x96: {  	_ =	strace s3  }
0x97: {  	_ =	strace $0x8FFFFFFF  }
0x98: {  	s19 =	sld [smem:$0x3FDB];
	_ =	sdelay $0x1  }
0x99: {  	s4 =	simm.s32 $_scs_section_size  }
0x9a: {  	s5 =	simm.s32 $_size__tile_overlayer_lowered;
	s6 =	simm.s32 $_tile_overlayer_lowered  }
0x9b: {  	s22 =	simm.s32 $0x1BFF;
	s21 =	sshll.u32 s6, $0x1;
	s3 =	sadd.s32 s4, s19  }
0x9c: {  	s7 =	simm.s32 $0x0;
	s20 =	sshll.u32 s5, $0x1;
	s5 =	sadd.s32 s21, s3  }
0x9d: {  	[timem:s7], [sflag:s22] =	dma.local [hbm:s5], s20  }
0x9e: {  	_ =	swait.ge [sflag:s22], s20  }
0x9f: {  	s4 =	ssub.s32 $0x0, s20;
	[sflag:s22] =	ssyncset.done $0x0  }
0xa0: {  	[sflag:s22] =	ssyncadd.s32 s4;
	_ =	sdelay $0x1  }
0xa1: {  	s23 =	simm.s32 $0x1B8B  }
0xa2: {  	_ =	swait.ge [sflag:s23], $0x1  }
0xa3: {  	[sflag:s23] =	ssyncset.done $0x0  }
0xa4: {  	s25 =	simm.s32 $0x1B8E;
	s24 =	sld [smem:$0x3FFE];
	[sflag:s23] =	ssyncadd.s32 $0xFFFFFFFF  }
0xa5: {  	s26 =	simm.s32 $execute0_lowered;
	[smem:$0x3FD2] =	sst s25  }
0xa6: {  	s5 =	sshll.u32 s26, $0x1;
	_ =	strace $0x8000004F;
	[dreg:$0x1] =	wrdreg $0xFFFFFFFF  }
0xa7: {  	s28 =	simm.s32 $_size_execute0_lowered;
	s3 =	sadd.s32 s3, s5;
	[dreg:$0x0] =	wrdreg $0x0  }
0xa8: {  	s5 =	sshll.u32 s28, $0x1;
	[dreg:$0x2] =	wrdreg s3  }
0xa9: {  	[dreg:$0x3] =	wrdreg s5  }
0xaa: {  	[dreg:$0x4] =	wrdreg $0xC0  }
0xab: {  	_ =	task [dreg:s7], $0x5FFFF  }
0xac: {  	[dreg:$0x1] =	wrdreg $0xFFFFFFFF  }
0xad: {  	[dreg:$0x0] =	wrdreg $0x60  }
0xae: {  	[dreg:$0x2] =	wrdreg s24  }
0xaf: {  	[dreg:$0x3] =	wrdreg s2  }
0xb0: {  	[dreg:$0x4] =	wrdreg $0x9  }
0xb1: {  	_ =	task.clear_ibuf [dreg:s7], $0x5FFFF;
	_ =	strace $0x9000004F  }
0xb2: {  	s29 =	simm.s32 $0x9;
	_ =	strace $0x80000051  }
0xb3: {  	_ =	swait.ge [sflag:s29], $0x1  }
0xb4: {  	[sflag:s29] =	ssyncadd.s32 $0xFFFFFFFF  }
0xb5: {  	_ =	strace $0x90000051  }
0xb6: {  	_ =	sfence  }
0xb7: {  	s30 =	sld [smem:$0x0];
	_ =	sdelay $0x2  }
0xb8: {  	s31 =	sshll.u32 s1, $0xD;
	s1 =	sshrl.u32 s1, $0x2  }
0xb9: {  	s3 =	sand.u32 $0x4000, s31;
	s1 =	sadd.s32 s1, s30  }
0xba: {  	s0 =	sor.u32 s3, s0;
	s1 =	sshll.u32 s1, $0x11  }
0xbb: {  	s0 =	sor.u32 s1, s0  }
0xbc: {  	s0 =	sadd.s32 $0x8F2B, s0  }
0xbd: {  	[sflag:s0] =	ssyncadd.remote.s32 $0x1  }
0xbe: {  	_ =	sfence.sel $0xFFFF  }
0xbf: {  	[dreg:$0x0] =	wrdreg $0xFFFFFFFF;
	(pc) =	sbr.abs _section_cstart, $3  }
0xc0: {  	[dreg:$0x1] =	wrdreg $0xFFFFFFFF  }
0xc1: {  	_ =	task.clear_ibuf [dreg:s7], $0x2FFFF;
	_ =	strace $0x9FFFFFFF  }
0xc2: {  	(tm) =	ssettm $0x7FFFFFFF  }
0xc3: {  	_ =	shalt  }
tec
execute0_lowered:
.L_overlay_start_1:
0x0: {  	(tag) =	ssettag $0x1  }
0x1: {  	s3 =	rddreg [dreg:$0x0]  }
0x2: {  	s6 =	rddreg [dreg:$0x1]  }
0x3: {  	s0 =	rddreg [dreg:$0x2];
	s1 =	stileid.u32  }
0x4: {  	s2 =	simm.s32 $0x0;
	s5 =	srdreg.scid;
	s4 =	smul.u32 $0x9D000, s1  }
0x5: {  	[smem:$0x7FF] =	sst s2;
	s5 =	sand.u32 $0x1, s5;
	s7 =	smul.u32 $0x9D00, s1  }
0x6: {  	_ =	strace $0x80000050;
	s8 =	ssub.s32 $0x2, s5;
	s9 =	smul.u32 $0x4E80, s5  }
0x7: {  	s5 =	smul.u32 $0x4E800, s5;
	s10 =	sadd.s32 s4, s3;
	s31 =	sshrl.u32 s8, $0x1  }
0x8: {  	s3 =	sadd.s32 $0x14000, s3;
	s4 =	ssub.s32 s8, s31;
	s7 =	sadd.s32 s9, s7  }
0x9: {  	s5 =	sadd.s32 s5, s10;
	s8 =	simm.s32 $0x80;
	s9 =	simm.s32 $0x1  }
0xa: {  	s10 =	simm.s32 $0x0;
	s4 =	smax.u32 s4, $0x1;
	s7 =	sshrl.u32 s7, $0x3  }
0xb: {  	s5 =	sadd.s32 $0x3B200, s5;
	s6 =	sadd.s32 s7, s6;
	s7 =	simm.s32 $0x2  }
.LBB2_1:
0xc: {  	s11 =	sadd.s32 $0x0, s6  }
0xd: {  	[tilespmem:s2], [sflag:$0x2] =	stream.linear.gather [hbm4b:s11+s2], $0x80, $0x38;
	[tilespmem:$0x4080] =	vst v63  }
0xe: {  	_ =	swait.ge [sflag:s7], $0x80  }
0xf: {  	[sflag:s7] =	ssyncset.done $0x0  }
0x10: {  	[sflag:s7] =	ssyncadd.s32 $0xFFFFFF80  }
0x11: {  	[tilespmem:s8], [sflag:$0x1] =	stream.indirect.gather [hbm4b:s3+s8], $0x80, s2, s8, $0xb8;
	[tilespmem:$0x4080] =	vst v63  }
0x12: {  	_ =	swait.ge [sflag:s9], $0x4000  }
0x13: {  	[sflag:s9] =	ssyncset.done $0x0  }
0x14: {  	[sflag:s9] =	ssyncadd.s32 $0xFFFFC000  }
0x15: {  	[hbm4b:s5+s2] =	stream.linear.scatter [tilespmem:s8], [sflag:$0x2], $0x4000, $0x38;
	[tilespmem:$0x4080] =	vst v63  }
0x16: {  	s12 =	simm.s32 $0x10;
	_ =	swait.ge [sflag:s7], $0x4000  }
0x17: {  	s13 =	simm.s32 $0x20;
	s11 =	sadd.s32 $0x800, s5;
	[sflag:s7] =	ssyncset.done $0x0  }
.LBB2_2:
0x18: {  	s14 =	sadd.s32 s12, s6  }
0x19: {  	[sflag:s7] =	ssyncadd.s32 $0xFFFFC000;
	s12 =	smov.u32 s13;
	s15 =	sadd.s32 $0x10, s13  }
0x1a: {  	[tilespmem:s2], [sflag:$0x2] =	stream.linear.gather [hbm4b:s14+s2], $0x80, $0x38;
	[tilespmem:$0x4080] =	vst v63  }
0x1b: {  	p0 =	sne.s32 s13, $0x9C0;
	_ =	swait.ge [sflag:s7], $0x80  }
0x1c: {  	[sflag:s7] =	ssyncset.done $0x0  }
0x1d: {  	[sflag:s7] =	ssyncadd.s32 $0xFFFFFF80  }
0x1e: {  	[tilespmem:s8], [sflag:$0x1] =	stream.indirect.gather [hbm4b:s3+s8], $0x80, s2, s8, $0xb8;
	[tilespmem:$0x4080] =	vst v63  }
0x1f: {  	_ =	swait.ge [sflag:s9], $0x4000  }
.Ltmp0:
0x20: {  	[sflag:s9] =	ssyncset.done $0x0;
	(pc) =	sbr.rel @p0 .LBB2_2-.Ltmp0, $4  }
0x21: {  	[sflag:s9] =	ssyncadd.s32 $0xFFFFC000  }
0x22: {  	[hbm4b:s11+s2] =	stream.linear.scatter [tilespmem:s8], [sflag:$0x2], $0x4000, $0x38;
	[tilespmem:$0x4080] =	vst v63  }
0x23: {  	_ =	swait.ge [sflag:s7], $0x4000  }
0x24: {  	s13 =	smov.u32 s15;
	s11 =	sadd.s32 $0x800, s11;
	[sflag:s7] =	ssyncset.done $0x0  }
0x25: {  	s12 =	sadd.s32 s12, s6;
	[sflag:s7] =	ssyncadd.s32 $0xFFFFC000  }
0x26: {  	[tilespmem:s2], [sflag:$0x2] =	stream.linear.gather [hbm4b:s12+s2], $0x80, $0x38;
	[tilespmem:$0x4080] =	vst v63  }
0x27: {  	_ =	swait.ge [sflag:s7], $0x80  }
0x28: {  	[sflag:s7] =	ssyncset.done $0x0  }
0x29: {  	[sflag:s7] =	ssyncadd.s32 $0xFFFFFF80  }
0x2a: {  	[tilespmem:s8], [sflag:$0x1] =	stream.indirect.gather [hbm4b:s3+s8], $0x80, s2, s8, $0xb8;
	[tilespmem:$0x4080] =	vst v63  }
0x2b: {  	s10 =	sadd.s32 $0x1, s10;
	_ =	swait.ge [sflag:s9], $0x4000  }
0x2c: {  	p0 =	sne.s32 s10, s4;
	[sflag:s9] =	ssyncset.done $0x0  }
.Ltmp1:
0x2d: {  	[sflag:s9] =	ssyncadd.s32 $0xFFFFC000;
	(pc) =	sbr.rel @p0 .LBB2_1-.Ltmp1, $4  }
0x2e: {  	[hbm4b:s11+s2] =	stream.linear.scatter [tilespmem:s8], [sflag:$0x2], $0x4000, $0x38;
	[tilespmem:$0x4080] =	vst v63  }
0x2f: {  	_ =	swait.ge [sflag:s7], $0x4000  }
0x30: {  	[sflag:s7] =	ssyncset.done $0x0  }
0x31: {  	[sflag:s7] =	ssyncadd.s32 $0xFFFFC000  }
0x32: {  	_ =	sfence.sel $0x180000  }
0x33: {  	[bflag:$0x0] =	sbarrier.arrive $0xFFFF  }
0x34: {  	p0 =	sne.s32 s1, $0x0;
	_ =	strace $0x90000050  }
0x35: {  	s0 =	sadd.s32 @!p0 $0x100000, s0;
	[bflag:$0x2] =	sbarrier.arrive $0xFFFF  }
0x36: {  	[sflag:s0] =	ssyncadd.tile.s32 @!p0 $0x1;
	_ =	shalt  }
.Lfunc_end2:
_tile_overlayer_lowered:
.L_overlay_start_2:
0x37: {  	(tag) =	ssettag $0x2  }
0x38: {  	s0 =	rddreg [dreg:$0x0];
	s2 =	stileid.u32  }
0x39: {  	s1 =	rddreg [dreg:$0x1];
	p0 =	sne.s32 s2, $0x0  }
0x3a: {  	s3 =	rddreg [dreg:$0x2];
	[bflag:$0x3] =	sbarrier.arrive $0xFFFF;
	s2 =	simm.s32 @!p0 $0x1C02  }
0x3b: {  	[timem:s3], [sflag:s2] =	dma.local @!p0 [hbm:s0], s1  }
0x3c: {  	s0 =	simm.s32 @!p0 $0x2  }
0x3d: {  	_ =	swait.ge @!p0 [sflag:s0], s1  }
0x3e: {  	s1 =	ssub.s32 @!p0 $0x0, s1;
	[sflag:s0] =	ssyncset.done @!p0 $0x0  }
0x3f: {  	[sflag:s0] =	ssyncadd.s32 @!p0 s1  }
0x40: {  	[bflag:$0x3] =	sbarrier.arrive $0xFFFF  }
0x41: {  	_ =	shalt  }

// kernel: kernel.9.cloned.1.call-start
scs
__scs_entry_jumppad:
0x0: {  	(pc) =	sbr.rel $0x88, $3  }
0x1: {  	(tag) =	ssettag $0x0;
	lr =	simm.s32 $0x1  }
0x2: {  	[smem:$0x3F9B] =	sst lr;
	_ =	strace $0xD0000000  }
0x3: {  	_ = 	snop  }
0x4: {  	_ = 	snop  }
0x5: {  	_ = 	snop  }
0x6: {  	_ = 	snop  }
0x7: {  	_ = 	snop  }
__scs_overlays_trampoline_lowered:
0x8: {  	[smem:$0x3FAA] =	sst s0  }
0x9: {  	[smem:$0x3FAB] =	sst s1  }
0xa: {  	[smem:$0x3FAC] =	sst s2  }
0xb: {  	[smem:$0x3FAD] =	sst s3  }
0xc: {  	[smem:$0x3FAE] =	sst s4  }
0xd: {  	[smem:$0x3FAF] =	sst s5  }
0xe: {  	[smem:$0x3FB0] =	sst s6  }
0xf: {  	[smem:$0x3FB1] =	sst s7  }
0x10: {  	[smem:$0x3FB2] =	sst s8  }
0x11: {  	[smem:$0x3FB3] =	sst s9;
	s0 =	simm.s32 @!p0 $0x0  }
0x12: {  	s1 =	sld [smem:$0x3F99];
	s0 =	simm.s32 @p0 $0x1  }
0x13: {  	[smem:$0x3FB4] =	sst s0;
	s0 =	simm.s32 @!p1 $0x0  }
0x14: {  	s2 =	sld [smem:$0x3F98];
	s0 =	simm.s32 @p1 $0x1  }
0x15: {  	[smem:$0x3FB5] =	sst s0;
	s0 =	simm.s32 @!p2 $0x0  }
0x16: {  	s3 =	sld [smem:$0x3FDB];
	s0 =	simm.s32 @p2 $0x1  }
0x17: {  	s4 =	simm.s32 $0x1BF5;
	[smem:$0x3FB7] =	sst s0  }
0x18: {  	s0 =	sld [smem:$0x3F9A];
	_ =	swait.ge [sflag:s4], $0x0  }
0x19: {  	s7 =	sld [smem:$0x3F9B]  }
0x1a: {  	s8 =	sadd.s32 $0xFFFFE003, lr  }
0x1b: {  	s9 =	sadd.s32 $0xFFFFFEF7, lr;
	s5 =	simm.s32 $0xFFFFFFFF;
	p2 =	slt.u32 s8, $0xFFFFF086  }
0x1c: {  	p1 =	slt.u32 s9, $0xF7A;
	s5 =	simm.s32 @!p2 $0x0  }
0x1d: {  	s5 =	simm.s32 @p1 $0x1;
	p0 =	seq.s32 s7, s2  }
0x1e: {  	s7 =	smul.u32 @!p0 $0xF7A, s2;
	p2 =	seq.s32 @!p0 s5, $0x0  }
0x1f: {  	s9 =	smul.u32 $0xF7A, s1;
	s8 =	simm.s32 @!p0 $0x1BF5;
	p2 =	por !p2, p0  }
0x20: {  	[sflag:s8] =	ssyncset.s32 @!p0 $0xFFFFF086;
	s6 =	sadd.s32 @!p0 s3, s7;
	s7 =	simm.s32 @!p0 $0x108  }
0x21: {  	s3 =	sadd.s32 s3, s9;
	s6 =	sadd.s32 @!p0 $0x88, s6;
	s7 =	simm.s32 @p2 $0x1082  }
0x22: {  	[simem:s7], [sflag:s8] =	dma.local @!p0 [hbm:s6], $0xF7A  }
0x23: {  	s9 =	sor.u32 $0xD0000000, s2;
	s6 =	simm.s32 $0x108;
	_ =	swait.ge @!p0 [sflag:s8], $0x0  }
0x24: {  	s3 =	sadd.s32 $0x88, s3;
	s6 =	simm.s32 @!p1 $0x1082;
	[sflag:s4] =	ssyncset.s32 $0xFFFFF086  }
0x25: {  	[simem:s6], [sflag:s4] =	dma.local [hbm:s3], $0xF7A  }
0x26: {  	[smem:$0x3F9B] =	sst s1;
	(tag) =	ssettag s2;
	_ =	strace s9  }
0x27: {  	s1 =	sld [smem:$0x3FAB]  }
0x28: {  	s2 =	sld [smem:$0x3FAC]  }
0x29: {  	s4 =	sld [smem:$0x3FAE]  }
0x2a: {  	p0 =	seq.s32 s5, $0x0;
	s5 =	sld [smem:$0x3FAF]  }
0x2b: {  	s6 =	sld [smem:$0x3FB0]  }
0x2c: {  	s7 =	sld [smem:$0x3FB1]  }
0x2d: {  	s3 =	simm.s32 $0x108;
	s8 =	sld [smem:$0x3FB2]  }
0x2e: {  	s3 =	simm.s32 @!p0 $0x1082;
	s9 =	sld [smem:$0x3FB3]  }
0x2f: {  	lr =	sadd.s32 s0, s3;
	s0 =	sld [smem:$0x3FAA]  }
0x30: {  	s3 =	sld [smem:$0x3FAD]  }
0x31: {  	[smem:$0x3FB6] =	sst s10  }
0x32: {  	s10 =	sld [smem:$0x3FB4];
	_ =	sdelay $0x3  }
0x33: {  	p0 =	seq.s32 s10, $0x1;
	s10 =	sld [smem:$0x3FB6];
	_ =	sdelay $0x3  }
0x34: {  	[smem:$0x3FB6] =	sst s10  }
0x35: {  	s10 =	sld [smem:$0x3FB5];
	_ =	sdelay $0x3  }
0x36: {  	p1 =	seq.s32 s10, $0x1;
	s10 =	sld [smem:$0x3FB6];
	_ =	sdelay $0x3  }
0x37: {  	[smem:$0x3FB6] =	sst s10  }
0x38: {  	s10 =	sld [smem:$0x3FB7]  }
0x39: {  	_ = 	snop;
	(pc) =	sbr.ind lr, $3  }
0x3a: {  	_ = 	snop  }
0x3b: {  	_ = 	snop  }
0x3c: {  	p2 =	seq.s32 s10, $0x1;
	s10 =	sld [smem:$0x3FB6]  }
0x3d: {  	_ =	shalt  }
0x3e: {  	_ =	shalt  }
0x3f: {  	_ =	shalt  }
0x40: {  	_ =	shalt  }
0x41: {  	_ =	shalt  }
0x42: {  	_ =	shalt  }
0x43: {  	_ =	shalt  }
0x44: {  	_ =	shalt  }
0x45: {  	_ =	shalt  }
0x46: {  	_ =	shalt  }
0x47: {  	_ =	shalt  }
0x48: {  	_ =	shalt  }
0x49: {  	_ =	shalt  }
0x4a: {  	_ =	shalt  }
0x4b: {  	_ =	shalt  }
0x4c: {  	_ =	shalt  }
0x4d: {  	_ =	shalt  }
0x4e: {  	_ =	shalt  }
0x4f: {  	_ =	shalt  }
0x50: {  	_ =	shalt  }
0x51: {  	_ =	shalt  }
0x52: {  	_ =	shalt  }
0x53: {  	_ =	shalt  }
0x54: {  	_ =	shalt  }
0x55: {  	_ =	shalt  }
0x56: {  	_ =	shalt  }
0x57: {  	_ =	shalt  }
0x58: {  	_ =	shalt  }
0x59: {  	_ =	shalt  }
0x5a: {  	_ =	shalt  }
0x5b: {  	_ =	shalt  }
0x5c: {  	_ =	shalt  }
0x5d: {  	_ =	shalt  }
0x5e: {  	_ =	shalt  }
0x5f: {  	_ =	shalt  }
0x60: {  	_ =	shalt  }
0x61: {  	_ =	shalt  }
0x62: {  	_ =	shalt  }
0x63: {  	_ =	shalt  }
0x64: {  	_ =	shalt  }
0x65: {  	_ =	shalt  }
0x66: {  	_ =	shalt  }
0x67: {  	_ =	shalt  }
0x68: {  	_ =	shalt  }
0x69: {  	_ =	shalt  }
0x6a: {  	_ =	shalt  }
0x6b: {  	_ =	shalt  }
0x6c: {  	_ =	shalt  }
0x6d: {  	_ =	shalt  }
0x6e: {  	_ =	shalt  }
0x6f: {  	_ =	shalt  }
0x70: {  	_ =	shalt  }
0x71: {  	_ =	shalt  }
0x72: {  	_ =	shalt  }
0x73: {  	_ =	shalt  }
0x74: {  	_ =	shalt  }
0x75: {  	_ =	shalt  }
0x76: {  	_ =	shalt  }
0x77: {  	_ =	shalt  }
0x78: {  	_ =	shalt  }
0x79: {  	_ =	shalt  }
0x7a: {  	_ =	shalt  }
0x7b: {  	_ =	shalt  }
0x7c: {  	_ =	shalt  }
0x7d: {  	_ =	shalt  }
0x7e: {  	_ =	shalt  }
0x7f: {  	_ =	shalt  }
0x80: {  	_ =	shalt  }
0x81: {  	_ =	shalt  }
0x82: {  	_ =	shalt  }
0x83: {  	_ =	shalt  }
0x84: {  	_ =	shalt  }
0x85: {  	_ =	shalt  }
0x86: {  	_ =	shalt  }
0x87: {  	_ =	shalt  }
.Lfunc_end0:
.L_simem_size_0:
called_computation.4_lowered:
.L_overlay_start_0:
0x88: {  	s2 =	sld [smem:$0x3FD9]  }
0x89: {  	s3 =	sld [smem:$0x3FFE];
	_ =	sdelay $0x1  }
0x8a: {  	s1 =	srdreg.scid  }
0x8b: {  	s0 =	sand.u32 $0x1, s1  }
0x8c: {  	s17 =	sshll.u32 s0, $0xA;
	s2 =	sadd.s32 s3, s2  }
0x8d: {  	s2 =	sadd.s32 s2, s17  }
0x8e: {  	[smem:$0x3FC2] =	sst s2  }
0x8f: {  	_ = 	snop  }
0x90: {  	s2 =	sld [smem:$0x3FD0];
	(tm) =	ssettm $0x1  }
0x91: {  	s18 =	sld [smem:$0x3FFB];
	_ =	sdelay $0x3  }
0x92: {  	_ =	strace s18  }
0x93: {  	s3 =	sld [smem:$0x3FFC];
	_ =	sdelay $0x3  }
0x94: {  	_ =	strace s3  }
0x95: {  	s3 =	sld [smem:$0x3FFD];
	_ =	sdelay $0x3  }
0x96: {  	_ =	strace s3  }
0x97: {  	_ =	strace $0x8FFFFFFF  }
0x98: {  	s19 =	sld [smem:$0x3FDB];
	_ =	sdelay $0x1  }
0x99: {  	s4 =	simm.s32 $_scs_section_size  }
0x9a: {  	s5 =	simm.s32 $_size__tile_overlayer_lowered;
	s6 =	simm.s32 $_tile_overlayer_lowered  }
0x9b: {  	s22 =	simm.s32 $0x1BFF;
	s21 =	sshll.u32 s6, $0x1;
	s3 =	sadd.s32 s4, s19  }
0x9c: {  	s7 =	simm.s32 $0x0;
	s20 =	sshll.u32 s5, $0x1;
	s5 =	sadd.s32 s21, s3  }
0x9d: {  	[timem:s7], [sflag:s22] =	dma.local [hbm:s5], s20  }
0x9e: {  	_ =	swait.ge [sflag:s22], s20  }
0x9f: {  	s4 =	ssub.s32 $0x0, s20;
	[sflag:s22] =	ssyncset.done $0x0  }
0xa0: {  	[sflag:s22] =	ssyncadd.s32 s4;
	_ =	sdelay $0x1  }
0xa1: {  	s23 =	simm.s32 $0x1B8B  }
0xa2: {  	_ =	swait.ge [sflag:s23], $0x1  }
0xa3: {  	[sflag:s23] =	ssyncset.done $0x0  }
0xa4: {  	s25 =	simm.s32 $0x1B8E;
	s24 =	sld [smem:$0x3FFE];
	[sflag:s23] =	ssyncadd.s32 $0xFFFFFFFF  }
0xa5: {  	s26 =	simm.s32 $execute0_lowered;
	[smem:$0x3FD2] =	sst s25  }
0xa6: {  	s5 =	sshll.u32 s26, $0x1;
	_ =	strace $0x80000052;
	[dreg:$0x1] =	wrdreg $0xFFFFFFFF  }
0xa7: {  	s28 =	simm.s32 $_size_execute0_lowered;
	s3 =	sadd.s32 s3, s5;
	[dreg:$0x0] =	wrdreg $0x0  }
0xa8: {  	s5 =	sshll.u32 s28, $0x1;
	[dreg:$0x2] =	wrdreg s3  }
0xa9: {  	[dreg:$0x3] =	wrdreg s5  }
0xaa: {  	[dreg:$0x4] =	wrdreg $0xC0  }
0xab: {  	_ =	task [dreg:s7], $0x5FFFF  }
0xac: {  	[dreg:$0x1] =	wrdreg $0xFFFFFFFF  }
0xad: {  	[dreg:$0x0] =	wrdreg $0x60  }
0xae: {  	[dreg:$0x2] =	wrdreg s24  }
0xaf: {  	[dreg:$0x3] =	wrdreg s2  }
0xb0: {  	[dreg:$0x4] =	wrdreg $0x9  }
0xb1: {  	_ =	task.clear_ibuf [dreg:s7], $0x5FFFF;
	_ =	strace $0x90000052  }
0xb2: {  	s29 =	simm.s32 $0x9;
	_ =	strace $0x80000054  }
0xb3: {  	_ =	swait.ge [sflag:s29], $0x1  }
0xb4: {  	[sflag:s29] =	ssyncadd.s32 $0xFFFFFFFF  }
0xb5: {  	_ =	strace $0x90000054  }
0xb6: {  	_ =	sfence  }
0xb7: {  	s30 =	sld [smem:$0x0];
	_ =	sdelay $0x2  }
0xb8: {  	s31 =	sshll.u32 s1, $0xD;
	s1 =	sshrl.u32 s1, $0x2  }
0xb9: {  	s3 =	sand.u32 $0x4000, s31;
	s1 =	sadd.s32 s1, s30  }
0xba: {  	s0 =	sor.u32 s3, s0;
	s1 =	sshll.u32 s1, $0x11  }
0xbb: {  	s0 =	sor.u32 s1, s0  }
0xbc: {  	s0 =	sadd.s32 $0x8F2B, s0  }
0xbd: {  	[sflag:s0] =	ssyncadd.remote.s32 $0x1  }
0xbe: {  	_ =	sfence.sel $0xFFFF  }
0xbf: {  	[dreg:$0x0] =	wrdreg $0xFFFFFFFF;
	(pc) =	sbr.abs _section_cstart, $3  }
0xc0: {  	[dreg:$0x1] =	wrdreg $0xFFFFFFFF  }
0xc1: {  	_ =	task.clear_ibuf [dreg:s7], $0x2FFFF;
	_ =	strace $0x9FFFFFFF  }
0xc2: {  	(tm) =	ssettm $0x7FFFFFFF  }
0xc3: {  	_ =	shalt  }
tec
execute0_lowered:
.L_overlay_start_1:
0x0: {  	(tag) =	ssettag $0x1  }
0x1: {  	s3 =	rddreg [dreg:$0x0]  }
0x2: {  	s6 =	rddreg [dreg:$0x1]  }
0x3: {  	s0 =	rddreg [dreg:$0x2];
	s1 =	stileid.u32  }
0x4: {  	s2 =	simm.s32 $0x0;
	s5 =	srdreg.scid;
	s4 =	smul.u32 $0x9D000, s1  }
0x5: {  	[smem:$0x7FF] =	sst s2;
	s5 =	sand.u32 $0x1, s5;
	s7 =	smul.u32 $0x9D00, s1  }
0x6: {  	_ =	strace $0x80000053;
	s8 =	ssub.s32 $0x2, s5;
	s9 =	smul.u32 $0x4E80, s5  }
0x7: {  	s5 =	smul.u32 $0x4E800, s5;
	s10 =	sadd.s32 s4, s3;
	s31 =	sshrl.u32 s8, $0x1  }
0x8: {  	s3 =	sadd.s32 $0x27A00, s3;
	s4 =	ssub.s32 s8, s31;
	s7 =	sadd.s32 s9, s7  }
0x9: {  	s5 =	sadd.s32 s5, s10;
	s8 =	simm.s32 $0x80;
	s9 =	simm.s32 $0x1  }
0xa: {  	s10 =	simm.s32 $0x0;
	s4 =	smax.u32 s4, $0x1;
	s7 =	sshrl.u32 s7, $0x3  }
0xb: {  	s5 =	sadd.s32 $0x4EC00, s5;
	s6 =	sadd.s32 s7, s6;
	s7 =	simm.s32 $0x2  }
.LBB2_1:
0xc: {  	s11 =	sadd.s32 $0x0, s6  }
0xd: {  	[tilespmem:s2], [sflag:$0x2] =	stream.linear.gather [hbm4b:s11+s2], $0x80, $0x38;
	[tilespmem:$0x4080] =	vst v63  }
0xe: {  	_ =	swait.ge [sflag:s7], $0x80  }
0xf: {  	[sflag:s7] =	ssyncset.done $0x0  }
0x10: {  	[sflag:s7] =	ssyncadd.s32 $0xFFFFFF80  }
0x11: {  	[tilespmem:s8], [sflag:$0x1] =	stream.indirect.gather [hbm4b:s3+s8], $0x80, s2, s8, $0xb8;
	[tilespmem:$0x4080] =	vst v63  }
0x12: {  	_ =	swait.ge [sflag:s9], $0x4000  }
0x13: {  	[sflag:s9] =	ssyncset.done $0x0  }
0x14: {  	[sflag:s9] =	ssyncadd.s32 $0xFFFFC000  }
0x15: {  	[hbm4b:s5+s2] =	stream.linear.scatter [tilespmem:s8], [sflag:$0x2], $0x4000, $0x38;
	[tilespmem:$0x4080] =	vst v63  }
0x16: {  	s12 =	simm.s32 $0x10;
	_ =	swait.ge [sflag:s7], $0x4000  }
0x17: {  	s13 =	simm.s32 $0x20;
	s11 =	sadd.s32 $0x800, s5;
	[sflag:s7] =	ssyncset.done $0x0  }
.LBB2_2:
0x18: {  	s14 =	sadd.s32 s12, s6  }
0x19: {  	[sflag:s7] =	ssyncadd.s32 $0xFFFFC000;
	s12 =	smov.u32 s13;
	s15 =	sadd.s32 $0x10, s13  }
0x1a: {  	[tilespmem:s2], [sflag:$0x2] =	stream.linear.gather [hbm4b:s14+s2], $0x80, $0x38;
	[tilespmem:$0x4080] =	vst v63  }
0x1b: {  	p0 =	sne.s32 s13, $0x9C0;
	_ =	swait.ge [sflag:s7], $0x80  }
0x1c: {  	[sflag:s7] =	ssyncset.done $0x0  }
0x1d: {  	[sflag:s7] =	ssyncadd.s32 $0xFFFFFF80  }
0x1e: {  	[tilespmem:s8], [sflag:$0x1] =	stream.indirect.gather [hbm4b:s3+s8], $0x80, s2, s8, $0xb8;
	[tilespmem:$0x4080] =	vst v63  }
0x1f: {  	_ =	swait.ge [sflag:s9], $0x4000  }
.Ltmp0:
0x20: {  	[sflag:s9] =	ssyncset.done $0x0;
	(pc) =	sbr.rel @p0 .LBB2_2-.Ltmp0, $4  }
0x21: {  	[sflag:s9] =	ssyncadd.s32 $0xFFFFC000  }
0x22: {  	[hbm4b:s11+s2] =	stream.linear.scatter [tilespmem:s8], [sflag:$0x2], $0x4000, $0x38;
	[tilespmem:$0x4080] =	vst v63  }
0x23: {  	_ =	swait.ge [sflag:s7], $0x4000  }
0x24: {  	s13 =	smov.u32 s15;
	s11 =	sadd.s32 $0x800, s11;
	[sflag:s7] =	ssyncset.done $0x0  }
0x25: {  	s12 =	sadd.s32 s12, s6;
	[sflag:s7] =	ssyncadd.s32 $0xFFFFC000  }
0x26: {  	[tilespmem:s2], [sflag:$0x2] =	stream.linear.gather [hbm4b:s12+s2], $0x80, $0x38;
	[tilespmem:$0x4080] =	vst v63  }
0x27: {  	_ =	swait.ge [sflag:s7], $0x80  }
0x28: {  	[sflag:s7] =	ssyncset.done $0x0  }
0x29: {  	[sflag:s7] =	ssyncadd.s32 $0xFFFFFF80  }
0x2a: {  	[tilespmem:s8], [sflag:$0x1] =	stream.indirect.gather [hbm4b:s3+s8], $0x80, s2, s8, $0xb8;
	[tilespmem:$0x4080] =	vst v63  }
0x2b: {  	s10 =	sadd.s32 $0x1, s10;
	_ =	swait.ge [sflag:s9], $0x4000  }
0x2c: {  	p0 =	sne.s32 s10, s4;
	[sflag:s9] =	ssyncset.done $0x0  }
.Ltmp1:
0x2d: {  	[sflag:s9] =	ssyncadd.s32 $0xFFFFC000;
	(pc) =	sbr.rel @p0 .LBB2_1-.Ltmp1, $4  }
0x2e: {  	[hbm4b:s11+s2] =	stream.linear.scatter [tilespmem:s8], [sflag:$0x2], $0x4000, $0x38;
	[tilespmem:$0x4080] =	vst v63  }
0x2f: {  	_ =	swait.ge [sflag:s7], $0x4000  }
0x30: {  	[sflag:s7] =	ssyncset.done $0x0  }
0x31: {  	[sflag:s7] =	ssyncadd.s32 $0xFFFFC000  }
0x32: {  	_ =	sfence.sel $0x180000  }
0x33: {  	[bflag:$0x0] =	sbarrier.arrive $0xFFFF  }
0x34: {  	p0 =	sne.s32 s1, $0x0;
	_ =	strace $0x90000053  }
0x35: {  	s0 =	sadd.s32 @!p0 $0x100000, s0;
	[bflag:$0x2] =	sbarrier.arrive $0xFFFF  }
0x36: {  	[sflag:s0] =	ssyncadd.tile.s32 @!p0 $0x1;
	_ =	shalt  }
.Lfunc_end2:
_tile_overlayer_lowered:
.L_overlay_start_2:
0x37: {  	(tag) =	ssettag $0x2  }
0x38: {  	s0 =	rddreg [dreg:$0x0];
	s2 =	stileid.u32  }
0x39: {  	s1 =	rddreg [dreg:$0x1];
	p0 =	sne.s32 s2, $0x0  }
0x3a: {  	s3 =	rddreg [dreg:$0x2];
	[bflag:$0x3] =	sbarrier.arrive $0xFFFF;
	s2 =	simm.s32 @!p0 $0x1C02  }
0x3b: {  	[timem:s3], [sflag:s2] =	dma.local @!p0 [hbm:s0], s1  }
0x3c: {  	s0 =	simm.s32 @!p0 $0x2  }
0x3d: {  	_ =	swait.ge @!p0 [sflag:s0], s1  }
0x3e: {  	s1 =	ssub.s32 @!p0 $0x0, s1;
	[sflag:s0] =	ssyncset.done @!p0 $0x0  }
0x3f: {  	[sflag:s0] =	ssyncadd.s32 @!p0 s1  }
0x40: {  	[bflag:$0x3] =	sbarrier.arrive $0xFFFF  }
0x41: {  	_ =	shalt  }

// kernel: scatter_offload_async_start
scs
__scs_entry_jumppad:
0x0: {  	(pc) =	sbr.rel $0x88, $3  }
0x1: {  	(tag) =	ssettag $0x0;
	lr =	simm.s32 $0x1  }
0x2: {  	[smem:$0x3F9B] =	sst lr;
	_ =	strace $0xD0000000  }
0x3: {  	_ = 	snop  }
0x4: {  	_ = 	snop  }
0x5: {  	_ = 	snop  }
0x6: {  	_ = 	snop  }
0x7: {  	_ = 	snop  }
__scs_overlays_trampoline_lowered:
0x8: {  	[smem:$0x3FAA] =	sst s0  }
0x9: {  	[smem:$0x3FAB] =	sst s1  }
0xa: {  	[smem:$0x3FAC] =	sst s2  }
0xb: {  	[smem:$0x3FAD] =	sst s3  }
0xc: {  	[smem:$0x3FAE] =	sst s4  }
0xd: {  	[smem:$0x3FAF] =	sst s5  }
0xe: {  	[smem:$0x3FB0] =	sst s6  }
0xf: {  	[smem:$0x3FB1] =	sst s7  }
0x10: {  	[smem:$0x3FB2] =	sst s8  }
0x11: {  	[smem:$0x3FB3] =	sst s9;
	s0 =	simm.s32 @!p0 $0x0  }
0x12: {  	s1 =	sld [smem:$0x3F99];
	s0 =	simm.s32 @p0 $0x1  }
0x13: {  	[smem:$0x3FB4] =	sst s0;
	s0 =	simm.s32 @!p1 $0x0  }
0x14: {  	s2 =	sld [smem:$0x3F98];
	s0 =	simm.s32 @p1 $0x1  }
0x15: {  	[smem:$0x3FB5] =	sst s0;
	s0 =	simm.s32 @!p2 $0x0  }
0x16: {  	s3 =	sld [smem:$0x3FDB];
	s0 =	simm.s32 @p2 $0x1  }
0x17: {  	s4 =	simm.s32 $0x1BF5;
	[smem:$0x3FB7] =	sst s0  }
0x18: {  	s0 =	sld [smem:$0x3F9A];
	_ =	swait.ge [sflag:s4], $0x0  }
0x19: {  	s7 =	sld [smem:$0x3F9B]  }
0x1a: {  	s8 =	sadd.s32 $0xFFFFE003, lr  }
0x1b: {  	s9 =	sadd.s32 $0xFFFFFEF7, lr;
	s5 =	simm.s32 $0xFFFFFFFF;
	p2 =	slt.u32 s8, $0xFFFFF086  }
0x1c: {  	p1 =	slt.u32 s9, $0xF7A;
	s5 =	simm.s32 @!p2 $0x0  }
0x1d: {  	s5 =	simm.s32 @p1 $0x1;
	p0 =	seq.s32 s7, s2  }
0x1e: {  	s7 =	smul.u32 @!p0 $0xF7A, s2;
	p2 =	seq.s32 @!p0 s5, $0x0  }
0x1f: {  	s9 =	smul.u32 $0xF7A, s1;
	s8 =	simm.s32 @!p0 $0x1BF5;
	p2 =	por !p2, p0  }
0x20: {  	[sflag:s8] =	ssyncset.s32 @!p0 $0xFFFFF086;
	s6 =	sadd.s32 @!p0 s3, s7;
	s7 =	simm.s32 @!p0 $0x108  }
0x21: {  	s3 =	sadd.s32 s3, s9;
	s6 =	sadd.s32 @!p0 $0x88, s6;
	s7 =	simm.s32 @p2 $0x1082  }
0x22: {  	[simem:s7], [sflag:s8] =	dma.local @!p0 [hbm:s6], $0xF7A  }
0x23: {  	s9 =	sor.u32 $0xD0000000, s2;
	s6 =	simm.s32 $0x108;
	_ =	swait.ge @!p0 [sflag:s8], $0x0  }
0x24: {  	s3 =	sadd.s32 $0x88, s3;
	s6 =	simm.s32 @!p1 $0x1082;
	[sflag:s4] =	ssyncset.s32 $0xFFFFF086  }
0x25: {  	[simem:s6], [sflag:s4] =	dma.local [hbm:s3], $0xF7A  }
0x26: {  	[smem:$0x3F9B] =	sst s1;
	(tag) =	ssettag s2;
	_ =	strace s9  }
0x27: {  	s1 =	sld [smem:$0x3FAB]  }
0x28: {  	s2 =	sld [smem:$0x3FAC]  }
0x29: {  	s4 =	sld [smem:$0x3FAE]  }
0x2a: {  	p0 =	seq.s32 s5, $0x0;
	s5 =	sld [smem:$0x3FAF]  }
0x2b: {  	s6 =	sld [smem:$0x3FB0]  }
0x2c: {  	s7 =	sld [smem:$0x3FB1]  }
0x2d: {  	s3 =	simm.s32 $0x108;
	s8 =	sld [smem:$0x3FB2]  }
0x2e: {  	s3 =	simm.s32 @!p0 $0x1082;
	s9 =	sld [smem:$0x3FB3]  }
0x2f: {  	lr =	sadd.s32 s0, s3;
	s0 =	sld [smem:$0x3FAA]  }
0x30: {  	s3 =	sld [smem:$0x3FAD]  }
0x31: {  	[smem:$0x3FB6] =	sst s10  }
0x32: {  	s10 =	sld [smem:$0x3FB4];
	_ =	sdelay $0x3  }
0x33: {  	p0 =	seq.s32 s10, $0x1;
	s10 =	sld [smem:$0x3FB6];
	_ =	sdelay $0x3  }
0x34: {  	[smem:$0x3FB6] =	sst s10  }
0x35: {  	s10 =	sld [smem:$0x3FB5];
	_ =	sdelay $0x3  }
0x36: {  	p1 =	seq.s32 s10, $0x1;
	s10 =	sld [smem:$0x3FB6];
	_ =	sdelay $0x3  }
0x37: {  	[smem:$0x3FB6] =	sst s10  }
0x38: {  	s10 =	sld [smem:$0x3FB7]  }
0x39: {  	_ = 	snop;
	(pc) =	sbr.ind lr, $3  }
0x3a: {  	_ = 	snop  }
0x3b: {  	_ = 	snop  }
0x3c: {  	p2 =	seq.s32 s10, $0x1;
	s10 =	sld [smem:$0x3FB6]  }
0x3d: {  	_ =	shalt  }
0x3e: {  	_ =	shalt  }
0x3f: {  	_ =	shalt  }
0x40: {  	_ =	shalt  }
0x41: {  	_ =	shalt  }
0x42: {  	_ =	shalt  }
0x43: {  	_ =	shalt  }
0x44: {  	_ =	shalt  }
0x45: {  	_ =	shalt  }
0x46: {  	_ =	shalt  }
0x47: {  	_ =	shalt  }
0x48: {  	_ =	shalt  }
0x49: {  	_ =	shalt  }
0x4a: {  	_ =	shalt  }
0x4b: {  	_ =	shalt  }
0x4c: {  	_ =	shalt  }
0x4d: {  	_ =	shalt  }
0x4e: {  	_ =	shalt  }
0x4f: {  	_ =	shalt  }
0x50: {  	_ =	shalt  }
0x51: {  	_ =	shalt  }
0x52: {  	_ =	shalt  }
0x53: {  	_ =	shalt  }
0x54: {  	_ =	shalt  }
0x55: {  	_ =	shalt  }
0x56: {  	_ =	shalt  }
0x57: {  	_ =	shalt  }
0x58: {  	_ =	shalt  }
0x59: {  	_ =	shalt  }
0x5a: {  	_ =	shalt  }
0x5b: {  	_ =	shalt  }
0x5c: {  	_ =	shalt  }
0x5d: {  	_ =	shalt  }
0x5e: {  	_ =	shalt  }
0x5f: {  	_ =	shalt  }
0x60: {  	_ =	shalt  }
0x61: {  	_ =	shalt  }
0x62: {  	_ =	shalt  }
0x63: {  	_ =	shalt  }
0x64: {  	_ =	shalt  }
0x65: {  	_ =	shalt  }
0x66: {  	_ =	shalt  }
0x67: {  	_ =	shalt  }
0x68: {  	_ =	shalt  }
0x69: {  	_ =	shalt  }
0x6a: {  	_ =	shalt  }
0x6b: {  	_ =	shalt  }
0x6c: {  	_ =	shalt  }
0x6d: {  	_ =	shalt  }
0x6e: {  	_ =	shalt  }
0x6f: {  	_ =	shalt  }
0x70: {  	_ =	shalt  }
0x71: {  	_ =	shalt  }
0x72: {  	_ =	shalt  }
0x73: {  	_ =	shalt  }
0x74: {  	_ =	shalt  }
0x75: {  	_ =	shalt  }
0x76: {  	_ =	shalt  }
0x77: {  	_ =	shalt  }
0x78: {  	_ =	shalt  }
0x79: {  	_ =	shalt  }
0x7a: {  	_ =	shalt  }
0x7b: {  	_ =	shalt  }
0x7c: {  	_ =	shalt  }
0x7d: {  	_ =	shalt  }
0x7e: {  	_ =	shalt  }
0x7f: {  	_ =	shalt  }
0x80: {  	_ =	shalt  }
0x81: {  	_ =	shalt  }
0x82: {  	_ =	shalt  }
0x83: {  	_ =	shalt  }
0x84: {  	_ =	shalt  }
0x85: {  	_ =	shalt  }
0x86: {  	_ =	shalt  }
0x87: {  	_ =	shalt  }
.Lfunc_end0:
.L_simem_size_0:
called_computation_lowered:
.L_overlay_start_0:
0x88: {  	s0 =	sld [smem:$0x3FD9]  }
0x89: {  	s1 =	sld [smem:$0x3FFE];
	_ =	sdelay $0x3  }
0x8a: {  	s0 =	sadd.s32 s1, s0  }
0x8b: {  	[smem:$0x3FC2] =	sst s0  }
0x8c: {  	_ = 	snop  }
0x8d: {  	s0 =	sld [smem:$0x3FD0];
	(tm) =	ssettm $0x1  }
0x8e: {  	s16 =	sld [smem:$0x3FFB];
	_ =	sdelay $0x3  }
0x8f: {  	_ =	strace s16  }
0x90: {  	s1 =	sld [smem:$0x3FFC];
	_ =	sdelay $0x3  }
0x91: {  	_ =	strace s1  }
0x92: {  	s1 =	sld [smem:$0x3FFD];
	_ =	sdelay $0x3  }
0x93: {  	_ =	strace s1  }
0x94: {  	_ =	strace $0x8FFFFFFF  }
0x95: {  	s17 =	sld [smem:$0x3FDB];
	_ =	sdelay $0x1  }
0x96: {  	s2 =	simm.s32 $_scs_section_size  }
0x97: {  	s3 =	simm.s32 $_size__tile_overlayer_lowered;
	s4 =	simm.s32 $_tile_overlayer_lowered  }
0x98: {  	s20 =	simm.s32 $0x1BFF;
	s19 =	sshll.u32 s4, $0x1;
	s1 =	sadd.s32 s2, s17  }
0x99: {  	s5 =	simm.s32 $0x0;
	s18 =	sshll.u32 s3, $0x1;
	s3 =	sadd.s32 s19, s1  }
0x9a: {  	[timem:s5], [sflag:s20] =	dma.local [hbm:s3], s18  }
0x9b: {  	_ =	swait.ge [sflag:s20], s18  }
0x9c: {  	s2 =	ssub.s32 $0x0, s18;
	[sflag:s20] =	ssyncset.done $0x0  }
0x9d: {  	[sflag:s20] =	ssyncadd.s32 s2;
	_ =	sdelay $0x1  }
0x9e: {  	s21 =	simm.s32 $0x1B8B  }
0x9f: {  	_ =	swait.ge [sflag:s21], $0x1  }
0xa0: {  	[sflag:s21] =	ssyncset.done $0x0  }
0xa1: {  	s23 =	simm.s32 $0x1B8E;
	s22 =	sld [smem:$0x3FFE];
	[sflag:s21] =	ssyncadd.s32 $0xFFFFFFFF  }
0xa2: {  	s24 =	simm.s32 $execute0_lowered;
	[smem:$0x3FD2] =	sst s23  }
0xa3: {  	s3 =	sshll.u32 s24, $0x1;
	_ =	strace $0x80000049;
	[dreg:$0x1] =	wrdreg $0xFFFFFFFF  }
0xa4: {  	s25 =	simm.s32 $_size_execute0_lowered;
	s1 =	sadd.s32 s1, s3;
	[dreg:$0x0] =	wrdreg $0x0  }
0xa5: {  	s3 =	sshll.u32 s25, $0x1;
	[dreg:$0x2] =	wrdreg s1  }
0xa6: {  	[dreg:$0x3] =	wrdreg s3  }
0xa7: {  	[dreg:$0x4] =	wrdreg $0xC0  }
0xa8: {  	_ =	task [dreg:s5], $0x5FFFF  }
0xa9: {  	[dreg:$0x1] =	wrdreg $0xFFFFFFFF  }
0xaa: {  	[dreg:$0x0] =	wrdreg $0x60  }
0xab: {  	[dreg:$0x2] =	wrdreg s22  }
0xac: {  	[dreg:$0x3] =	wrdreg s0  }
0xad: {  	[dreg:$0x4] =	wrdreg $0x9  }
0xae: {  	_ =	task.clear_ibuf [dreg:s5], $0x5FFFF;
	_ =	strace $0x90000049  }
0xaf: {  	s26 =	simm.s32 $0x9;
	_ =	strace $0x8000004B  }
0xb0: {  	_ =	swait.ge [sflag:s26], $0x1  }
0xb1: {  	[sflag:s26] =	ssyncadd.s32 $0xFFFFFFFF  }
0xb2: {  	_ =	strace $0x9000004B  }
0xb3: {  	_ =	sfence  }
0xb4: {  	s28 =	sld [smem:$0x0];
	_ =	sdelay $0x1  }
0xb5: {  	s29 =	srdreg.scid  }
0xb6: {  	s30 =	sshll.u32 s29, $0xD;
	s31 =	sshrl.u32 s29, $0x2  }
0xb7: {  	s2 =	sand.u32 $0x4000, s30;
	s1 =	sand.u32 $0x1, s29;
	s0 =	sadd.s32 s31, s28  }
0xb8: {  	s1 =	sor.u32 s2, s1;
	s0 =	sshll.u32 s0, $0x11  }
0xb9: {  	s0 =	sor.u32 s0, s1  }
0xba: {  	s0 =	sadd.s32 $0x8F2B, s0  }
0xbb: {  	[sflag:s0] =	ssyncadd.remote.s32 $0x1  }
0xbc: {  	_ =	sfence.sel $0xFFFF  }
0xbd: {  	[dreg:$0x0] =	wrdreg $0xFFFFFFFF;
	(pc) =	sbr.abs _section_cstart, $3  }
0xbe: {  	[dreg:$0x1] =	wrdreg $0xFFFFFFFF  }
0xbf: {  	_ =	task.clear_ibuf [dreg:s5], $0x2FFFF;
	_ =	strace $0x9FFFFFFF  }
0xc0: {  	(tm) =	ssettm $0x7FFFFFFF  }
0xc1: {  	_ =	shalt  }
tec
execute0_lowered:
.L_overlay_start_1:
0x0: {  	(tag) =	ssettag $0x1  }
0x1: {  	s7 =	rddreg [dreg:$0x0]  }
0x2: {  	s2 =	rddreg [dreg:$0x1]  }
0x3: {  	s0 =	rddreg [dreg:$0x2]  }
0x4: {  	_ =	strace $0x8000004A;
	s4 =	stileid.u32;
	s5 =	simm.s32 $0x3E  }
0x5: {  	s1 =	sadd.s32 $0x40200, s7;
	p0 =	sne.s32 s4, $0x0;
	[sflag:s5] =	ssyncpa.u1 $0x0  }
0x6: {  	s30 =	smin.u32 s4, $0x4;
	s3 =	simm.s32 @!p0 $0x1C3E;
	s6 =	simm.s32 @!p0 $0x0  }
0x7: {  	[spmem:s6], [sflag:s3] =	dma.local @!p0 [hbm:s1], $0x500  }
0x8: {  	s3 =	sadd.s32 s4, s30  }
0x9: {  	p1 =	slt.u32 s4, $0x4;
	s4 =	simm.s32 $0x3E80;
	s3 =	smul.u32 $0x1F40, s3  }
0xa: {  	s4 =	simm.s32 @!p1 $0x1F40  }
0xb: {  	s4 =	sadd.s32 s4, s3  }
0xc: {  	s4 =	smin.u32 s4, $0x27100  }
0xd: {  	s8 =	ssub.s32 s4, s3  }
0xe: {  	p1 =	sgt.s32 s8, $0x0  }
0xf: {  	s8 =	simm.s32 @!p1 $0x0  }
0x10: {  	s6 =	simm.s32 @!p0 $0x3E;
	s31 =	smulhi.u32 $0x10624DD3, s8  }
0x11: {  	_ =	swait.ge @!p0 [sflag:s6], $0x500  }
0x12: {  	[sflag:s6] =	ssyncset.done @!p0 $0x0;
	s9 =	sshrl.u32 s31, $0x9  }
0x13: {  	s11 =	simm.s32 $0x0;
	[sflag:s6] =	ssyncadd.s32 @!p0 $0xFFFFFB00;
	s10 =	smul.u32 $0x1F40, s9  }
.Ltmp0:
0x14: {  	s7 =	sadd.s32 $0xF000, s7;
	[bflag:$0x0] =	sbarrier.arrive $0xFFFF;
	(pc) =	sbr.rel .LBB2_1-.Ltmp0, $4  }
0x15: {  	s6 =	simm.s32 $0x2;
	[sflag:s5] =	ssyncpa.u1 $0x1;
	s5 =	simm.s32 $0x1  }
0x16: {  	[sflag:s5] =	ssyncpa.u1 $0x0;
	p1 =	sne.s32 s8, s10;
	s8 =	simm.s32 $0x1  }
0x17: {  	(ifvalue) =	ssetifvalue $0x2800;
	[sflag:s6] =	ssyncpa.u1 $0x0;
	s8 =	simm.s32 @!p1 $0x0  }
0x18: {  	vm0 =	vmmov $0xffff;
	s10 =	smov.u32 s3;
	s8 =	sadd.s32 s8, s9;
	s9 =	simm.s32 $0x0  }
.LBB2_5:
0x19: {  	p2 =	sne.s32 s11, s8  }
.Ltmp1:
0x1a: {  	_ = 	snop;
	(pc) =	sbr.rel @!p2 .LBB2_6-.Ltmp1, $4  }
0x1b: {  	_ = 	snop  }
0x1c: {  	s12 =	sadd.s32 $0x1F40, s10  }
0x1d: {  	s10 =	smov.u32 s3;
	s13 =	sadd.s32 $0x1, s11;
	p1 =	slt.s32 s12, s4  }
0x1e: {  	s11 =	smov.u32 s13;
	s10 =	smov.u32 @p1 s12  }
.LBB2_1:
0x1f: {  	p1 =	sge.u32 s11, s8  }
0x20: {  	s12 =	sxor.u32 @!p1 $0xFFFFFFFF, s11  }
0x21: {  	s12 =	sand.u32 @!p1 $0x1, s12  }
0x22: {  	s12 =	smul.u32 @!p1 $0x1F40, s12  }
0x23: {  	s13 =	sshrl.u32 @!p1 s10, $0x3  }
0x24: {  	s16 =	sand.u32 @!p1 $0x7, s10;
	s14 =	sadd.s32 @!p1 s2, s13;
	s15 =	sadd.s32 @!p1 $0x280, s12  }
0x25: {  	[tilespmem:s15], [sflag:$0x2] =	stream.linear.gather @!p1 [hbm4b:s14+s16], $0x1F40, $0x38;
	[tilespmem:$0x7F80] =	vst v63  }
0x26: {  	s13 =	sadd.s32 @!p1 s7, s13;
	s12 =	sadd.s32 @!p1 $0x4100, s12  }
0x27: {  	[tilespmem:s12], [sflag:$0x2] =	stream.linear.gather @!p1 [hbm4b:s13+s16], $0x1F40, $0x38;
	[tilespmem:$0x7F80] =	vst v63  }
0x28: {  	p1 =	seq.s32 s11, $0x0  }
.Ltmp2:
0x29: {  	_ = 	snop;
	(pc) =	sbr.rel @p1 .LBB2_5-.Ltmp2, $1  }
0x2a: {  	_ =	sdelay $0x3  }
0x2b: {  	s12 =	sand.u32 $0x1, s11  }
0x2c: {  	_ =	swait.ge [sflag:s6], $0x3E80;
	p1 =	seq.s32 s12, $0x1;
	s12 =	simm.s32 $0x1F40  }
0x2d: {  	[sflag:s6] =	ssyncset.done $0x0;
	s12 =	simm.s32 @!p1 $0x0  }
0x2e: {  	[sflag:s6] =	ssyncadd.s32 $0xFFFFC180;
	s14 =	sadd.s32 $0x280, s12  }
0x2f: {  	v0 =	vld.msk [tilespmem:s14+$0x0 ss:$0x1], $0xffff;
	_ =	sdelay $0x4  }
0x30: {  	v0 =	vmin.u32 v0, $0x2800;
	_ =	sdelay $0x3  }
0x31: {  	s13 =	simm.s32 $0x0;
	s12 =	sadd.s32 $0x4100, s12;
	s14 =	sadd.s32 $0x10, s14  }
0x32: {  	[spmem:s9] =	stream.indirect_vreg.scatter.add.s32 [tilespmem:s12], [sflag:$0x1], $0x1, v0, vm0, $0x4038;
	[tilespmem:$0x7F80] =	vst v63  }
.LBB2_3:
0x33: {  	v0 =	vld.msk [tilespmem:s14+$0x0 ss:$0x1], $0xffff;
	s13 =	sadd.s32 $0x10, s13  }
0x34: {  	p1 =	slt.u32 s13, $0x1F30;
	_ =	sdelay $0x4  }
0x35: {  	v0 =	vmin.u32 v0, $0x2800  }
.Ltmp3:
0x36: {  	(pc) =	sbr.rel @p1 .LBB2_3-.Ltmp3, $3  }
0x37: {  	_ =	sdelay $0x1  }
0x38: {  	s14 =	sadd.s32 $0x10, s14;
	s12 =	sadd.s32 $0x10, s12  }
0x39: {  	[spmem:s9] =	stream.indirect_vreg.scatter.add.s32 [tilespmem:s12], [sflag:$0x1], $0x1, v0, vm0, $0x4038;
	[tilespmem:$0x7F80] =	vst v63  }
.Ltmp4:
0x3a: {  	(pc) =	sbr.rel .LBB2_5-.Ltmp4, $4  }
0x3b: {  	_ = 	snop  }
0x3c: {  	_ =	swait.ge [sflag:s5], $0x1F40  }
0x3d: {  	[sflag:s5] =	ssyncset.done $0x0  }
0x3e: {  	[sflag:s5] =	ssyncadd.s32 $0xFFFFE0C0  }
.LBB2_6:
0x3f: {  	_ =	sfence.sel $0x180000  }
0x40: {  	s2 =	simm.s32 $0x2;
	[bflag:$0x0] =	sbarrier.arrive $0xFFFF  }
0x41: {  	s30 =	simm.s32 $0x1;
	[sflag:s2] =	ssyncpa.u1 $0x1  }
0x42: {  	[sflag:s30] =	ssyncpa.u1 $0x1  }
0x43: {  	_ =	sfence.stream.spmem  }
0x44: {  	s31 =	simm.s32 $0x3D;
	[bflag:$0x0] =	sbarrier.arrive $0xFFFF  }
0x45: {  	s2 =	simm.s32 @p0 $0x3D;
	[sflag:s31] =	ssyncpa.u1 $0x0  }
0x46: {  	[sflag:s2] =	ssyncpa.u1 @p0 $0x1  }
0x47: {  	[bflag:$0x0] =	sbarrier.arrive @p0 $0xFFFF  }
0x48: {  	_ =	strace @p0 $0x9000004A  }
0x49: {  	s3 =	simm.s32 @!p0 $0x1C3D;
	s2 =	simm.s32 @!p0 $0x0;
	[bflag:$0x2] =	sbarrier.arrive @p0 $0xFFFF  }
0x4a: {  	[hbm:s1], [sflag:s3] =	dma.local @!p0 [spmem:s2], $0x500  }
0x4b: {  	s1 =	simm.s32 @!p0 $0x3D  }
0x4c: {  	_ =	swait.ge @!p0 [sflag:s1], $0x500  }
0x4d: {  	[sflag:s1] =	ssyncset.done @!p0 $0x0  }
0x4e: {  	[sflag:s1] =	ssyncadd.s32 @!p0 $0xFFFFFB00  }
0x4f: {  	[sflag:s1] =	ssyncpa.u1 @!p0 $0x1  }
0x50: {  	[bflag:$0x0] =	sbarrier.arrive @!p0 $0xFFFF  }
0x51: {  	_ =	strace @!p0 $0x9000004A  }
0x52: {  	s0 =	sadd.s32 @!p0 $0x100000, s0;
	[bflag:$0x2] =	sbarrier.arrive @!p0 $0xFFFF  }
0x53: {  	[sflag:s0] =	ssyncadd.tile.s32 @!p0 $0x1;
	_ =	shalt  }
.Lfunc_end2:
_tile_overlayer_lowered:
.L_overlay_start_2:
0x54: {  	(tag) =	ssettag $0x2  }
0x55: {  	s0 =	rddreg [dreg:$0x0];
	s2 =	stileid.u32  }
0x56: {  	s1 =	rddreg [dreg:$0x1];
	p0 =	sne.s32 s2, $0x0  }
0x57: {  	s3 =	rddreg [dreg:$0x2];
	[bflag:$0x3] =	sbarrier.arrive $0xFFFF;
	s2 =	simm.s32 @!p0 $0x1C01  }
0x58: {  	[timem:s3], [sflag:s2] =	dma.local @!p0 [hbm:s0], s1  }
0x59: {  	s0 =	simm.s32 @!p0 $0x1  }
0x5a: {  	_ =	swait.ge @!p0 [sflag:s0], s1  }
0x5b: {  	s1 =	ssub.s32 @!p0 $0x0, s1;
	[sflag:s0] =	ssyncset.done @!p0 $0x0  }
0x5c: {  	[sflag:s0] =	ssyncadd.s32 @!p0 s1  }
0x5d: {  	[bflag:$0x3] =	sbarrier.arrive $0xFFFF  }
0x5e: {  	_ =	shalt  }

</sc_bundles>
